<compile_context>
chip_gen: v7x
topology: tpu7x:2x2x1
jax: 0.10.2.dev20260603
libtpu: 0.0.44.dev20260713+nightly
codegen_flags: <defaults>
</compile_context>

<pallas_src>
import functools

import jax
import jax.numpy as jnp
from jax.experimental import pallas as pl
from jax.experimental.pallas import tpu as pltpu
from jax.experimental.pallas import tpu_sc as plsc

B, S, D = 1, 2048, 1024
H = 16
QKH, VH = 128, 128
NOPE, ROPE = 64, 64
QLR, KVLR = 512, 256
E, NG, TKG, TK = 8, 4, 2, 2
NSH, IDIM = 2, 512
RS = 1.0
EPS = 1e-6

CDT = jnp.bfloat16
TS = 256
NT = S // TS
NEG = -1e30


def _dot(a, b):
    return jax.lax.dot_general(a.astype(CDT), b.astype(CDT),
                               (((1,), (0,)), ((), ())),
                               preferred_element_type=jnp.float32)


def _k3_body(h_ref, t_ref, sw1_ref, sw3_ref, sw2_ref, base_ref):
    t = t_ref[...]
    s1 = jax.nn.silu(_dot(t, sw1_ref[...])) * _dot(t, sw3_ref[...])
    shared = _dot(s1.astype(jnp.float32), sw2_ref[...])
    base_ref[...] = h_ref[...] + shared


def _k3(h, t, sw1, sw3, sw2):
    full = lambda r, c: pl.BlockSpec((r, c), lambda i: (0, 0))
    return pl.pallas_call(
        _k3_body,
        grid=(NT,),
        in_specs=[
            pl.BlockSpec((TS, D), lambda i: (i, 0)),
            pl.BlockSpec((TS, D), lambda i: (i, 0)),
            full(D, NSH * IDIM), full(D, NSH * IDIM), full(NSH * IDIM, D),
        ],
        out_specs=pl.BlockSpec((TS, D), lambda i: (i, 0)),
        out_shape=jax.ShapeDtypeStruct((S, D), jnp.float32),
    )(h, t, sw1.astype(CDT), sw3.astype(CDT), sw2.astype(CDT))


TM = 256
NTMAX = (TK * S) // TM + E
LP = NTMAX * TM
NW = 32
TPW = S // NW

_HI = jax.lax.Precision.HIGHEST


def _kr_body(scores_ref, gb_ref, d2_ref, wts_ref, cnt_ref):
    scores = scores_ref[...]
    sc = scores + gb_ref[...]
    g_of_e = jax.lax.broadcasted_iota(jnp.int32, (E, NG), 0) // (E // NG)
    gcols = jax.lax.broadcasted_iota(jnp.int32, (E, NG), 1)
    GM = (g_of_e == gcols).astype(jnp.float32)
    gs = jax.lax.dot_general(sc, GM, (((1,), (0,)), ((), ())),
                             preferred_element_type=jnp.float32,
                             precision=_HI)
    lane4 = jax.lax.broadcasted_iota(jnp.int32, (S, NG), 1)
    grank = jnp.zeros((S, NG), jnp.float32)
    for gp in range(NG):
        col = gs[:, gp:gp + 1]
        beats = (col > gs) | ((col == gs) & (gp > lane4))
        grank += beats.astype(jnp.float32)
    gsel = (grank < TKG).astype(jnp.float32)
    esel = jax.lax.dot_general(gsel, GM.T, (((1,), (0,)), ((), ())),
                               preferred_element_type=jnp.float32,
                               precision=_HI) > 0.5
    scm = jnp.where(esel, sc, NEG)
    lane8 = jax.lax.broadcasted_iota(jnp.int32, (S, E), 1)
    erank = jnp.zeros((S, E), jnp.float32)
    for ep in range(E):
        col = scm[:, ep:ep + 1]
        beats = (col > scm) | ((col == scm) & (ep > lane8))
        erank += beats.astype(jnp.float32)
    chosen = esel & (erank < TK)
    wts_d = jnp.where(chosen, scores, 0.0)
    denom = jnp.sum(wts_d, axis=-1, keepdims=True)
    cw = wts_d / (denom + 1e-20) * RS
    A = chosen.astype(jnp.float32)
    ri = jax.lax.broadcasted_iota(jnp.int32, (TS, TS), 0)
    ci = jax.lax.broadcasted_iota(jnp.int32, (TS, TS), 1)
    tril = (ci < ri).astype(jnp.float32)
    carry = jnp.zeros((1, E), jnp.float32)
    ranks = []
    for c in range(S // TS):
        Ac = A[c * TS:(c + 1) * TS]
        Rc = jax.lax.dot_general(tril, Ac, (((1,), (0,)), ((), ())),
                                 preferred_element_type=jnp.float32,
                                 precision=_HI) + carry
        carry = carry + jnp.sum(Ac, axis=0, keepdims=True)
        ranks.append(Rc)
    R = jnp.concatenate(ranks, axis=0)
    counts = carry
    ntiles = jnp.floor((counts + (TM - 1)) * (1.0 / TM))
    er = jax.lax.broadcasted_iota(jnp.int32, (E, E), 0)
    ec = jax.lax.broadcasted_iota(jnp.int32, (E, E), 1)
    Mlt = (er < ec).astype(jnp.float32)
    toff = jax.lax.dot_general(ntiles, Mlt, (((1,), (0,)), ((), ())),
                               preferred_element_type=jnp.float32,
                               precision=_HI)
    dest = toff * TM + R
    pslot = jax.lax.dot_general(A, Mlt, (((1,), (0,)), ((), ())),
                                preferred_element_type=jnp.float32,
                                precision=_HI)
    s0 = A * (pslot == 0.0)
    s1 = A * (pslot == 1.0)
    d0 = jnp.sum(s0 * dest, axis=1, keepdims=True)
    d1 = jnp.sum(s1 * dest, axis=1, keepdims=True)
    w0 = jnp.sum(s0 * cw, axis=1, keepdims=True)
    w1 = jnp.sum(s1 * cw, axis=1, keepdims=True)
    d01 = jnp.concatenate([d0, d1], axis=1)
    d2_ref[...] = d01.T.astype(jnp.int32)
    wts_ref[...] = jnp.concatenate([w0, w1], axis=1).T
    cnt_ref[...] = counts.astype(jnp.int32)


def _kroute(scores, gate_b):
    return pl.pallas_call(
        _kr_body,
        grid=(1,),
        in_specs=[pl.BlockSpec((S, E), lambda i: (0, 0)),
                  pl.BlockSpec((1, E), lambda i: (0, 0))],
        out_specs=[
            pl.BlockSpec((2, S), lambda i: (0, 0)),
            pl.BlockSpec((2, S), lambda i: (0, 0)),
            pl.BlockSpec((1, E), lambda i: (0, 0)),
        ],
        out_shape=[
            jax.ShapeDtypeStruct((2, S), jnp.int32),
            jax.ShapeDtypeStruct((2, S), jnp.float32),
            jax.ShapeDtypeStruct((1, E), jnp.int32),
        ],
    )(scores, gate_b.reshape(1, E))


def _sc_dispatch(t, d2):
    mesh = plsc.VectorSubcoreMesh(core_axis_name="c", subcore_axis_name="s")

    @functools.partial(
        pl.kernel, mesh=mesh,
        out_type=jax.ShapeDtypeStruct((LP, D), jnp.float32),
        scratch_types=[
            pltpu.VMEM((TPW,), jnp.int32),
            pltpu.VMEM((TPW,), jnp.int32),
            pltpu.VMEM((TPW, D), jnp.float32),
            pltpu.SemaphoreType.DMA,
            pltpu.SemaphoreType.DMA,
        ],
    )
    def disp(t_hbm, d2_hbm, out_hbm, i0_v, i1_v, rows_v, sem0, sem1):
        wid = jax.lax.axis_index("s") * 2 + jax.lax.axis_index("c")
        base = wid * TPW
        pltpu.sync_copy(d2_hbm.at[0, pl.ds(base, TPW)], i0_v)
        pltpu.sync_copy(d2_hbm.at[1, pl.ds(base, TPW)], i1_v)
        pltpu.sync_copy(t_hbm.at[pl.ds(base, TPW)], rows_v)
        c0 = pltpu.async_copy(rows_v, out_hbm.at[i0_v], sem0)
        c1 = pltpu.async_copy(rows_v, out_hbm.at[i1_v], sem1)
        c0.wait()
        c1.wait()

    return disp(t, d2)


def _k5_body(texp_ref, nt_ref, ts_ref, w1_ref, w3_ref, w2_ref, out_ref):
    j = pl.program_id(0)

    @pl.when(j < nt_ref[0])
    def _():
        tb = ts_ref[...].astype(CDT)
        a = jax.lax.dot_general(tb, w1_ref[0], (((1,), (0,)), ((), ())),
                                preferred_element_type=jnp.float32)
        b = jax.lax.dot_general(tb, w3_ref[0], (((1,), (0,)), ((), ())),
                                preferred_element_type=jnp.float32)
        h1 = (jax.nn.silu(a) * b).astype(CDT)
        out_ref[...] = jax.lax.dot_general(
            h1, w2_ref[0], (((1,), (0,)), ((), ())),
            preferred_element_type=jnp.float32)


def _k5(t_sorted, texp, ntile, w1, w3, w2):
    grid_spec = pltpu.PrefetchScalarGridSpec(
        num_scalar_prefetch=2,
        grid=(NTMAX,),
        in_specs=[
            pl.BlockSpec((TM, D), lambda j, texp, nt: (j, 0)),
            pl.BlockSpec((1, D, IDIM), lambda j, texp, nt: (texp[j], 0, 0)),
            pl.BlockSpec((1, D, IDIM), lambda j, texp, nt: (texp[j], 0, 0)),
            pl.BlockSpec((1, IDIM, D), lambda j, texp, nt: (texp[j], 0, 0)),
        ],
        out_specs=pl.BlockSpec((TM, D), lambda j, texp, nt: (j, 0)),
    )
    return pl.pallas_call(
        _k5_body, grid_spec=grid_spec,
        out_shape=jax.ShapeDtypeStruct((LP, D), jnp.float32),
    )(texp, ntile, t_sorted, w1.astype(CDT), w3.astype(CDT), w2.astype(CDT))


def _sc_combine(eo, base, d2, wts2):
    CH = 16
    mesh = plsc.VectorSubcoreMesh(core_axis_name="c", subcore_axis_name="s")

    @functools.partial(
        pl.kernel, mesh=mesh,
        out_type=jax.ShapeDtypeStruct((S, D), jnp.float32),
        scratch_types=[
            pltpu.VMEM((TPW,), jnp.int32),
            pltpu.VMEM((TPW,), jnp.int32),
            pltpu.VMEM((TPW,), jnp.float32),
            pltpu.VMEM((TPW,), jnp.float32),
            pltpu.VMEM((CH, D), jnp.float32),
            pltpu.VMEM((CH, D), jnp.float32),
            pltpu.VMEM((CH, D), jnp.float32),
            pltpu.SemaphoreType.DMA,
            pltpu.SemaphoreType.DMA,
        ],
    )
    def comb(eo_hbm, base_hbm, d2_hbm, w2_hbm, out_hbm,
             i0_v, i1_v, w0_v, w1_v, a_v, b_v, acc_v, s0, s1):
        wid = jax.lax.axis_index("s") * 2 + jax.lax.axis_index("c")
        tb = wid * TPW
        pltpu.sync_copy(d2_hbm.at[0, pl.ds(tb, TPW)], i0_v)
        pltpu.sync_copy(d2_hbm.at[1, pl.ds(tb, TPW)], i1_v)
        pltpu.sync_copy(w2_hbm.at[0, pl.ds(tb, TPW)], w0_v)
        pltpu.sync_copy(w2_hbm.at[1, pl.ds(tb, TPW)], w1_v)

        def chunk(ci, carry):
            off = ci * CH
            c0 = pltpu.async_copy(eo_hbm.at[i0_v.at[pl.ds(off, CH)]], a_v, s0)
            c1 = pltpu.async_copy(eo_hbm.at[i1_v.at[pl.ds(off, CH)]], b_v, s1)
            pltpu.sync_copy(base_hbm.at[pl.ds(tb + off, CH)], acc_v)
            c0.wait()
            c1.wait()
            wv0 = w0_v[pl.ds(off, CH)]
            wv1 = w1_v[pl.ds(off, CH)]
            for i in range(CH):
                w0 = wv0[i]
                w1 = wv1[i]

                def lanes(c, cc, i=i, w0=w0, w1=w1):
                    sl = pl.ds(c * 16, 16)
                    acc_v[i, sl] = (acc_v[i, sl] + w0 * a_v[i, sl]
                                    + w1 * b_v[i, sl])
                    return cc

                jax.lax.fori_loop(0, D // 16, lanes, 0)
            pltpu.sync_copy(acc_v, out_hbm.at[pl.ds(tb + off, CH)])
            return carry

        jax.lax.fori_loop(0, TPW // CH, chunk, 0)

    return comb(eo, base, d2, wts2)


def _moe_sparse(t, scores, gate_b, base, w1, w3, w2):
    d2, wts, counts = _kroute(scores, gate_b)
    c = counts[0]
    nt = (c + (TM - 1)) // TM
    texp = jnp.repeat(jnp.arange(E, dtype=jnp.int32), nt,
                      total_repeat_length=NTMAX)
    ntile = jnp.sum(nt).astype(jnp.int32).reshape(1)
    t_sorted = _sc_dispatch(t, d2)
    eo = _k5(t_sorted, texp, ntile, w1, w3, w2)
    return _sc_combine(eo, base, d2, wts)


def _rmsnorm_ref(x, w, eps=1e-6):
    xf = x.astype(jnp.float32)
    rms = jnp.sqrt(jnp.mean(xf ** 2, axis=-1, keepdims=True) + eps)
    return (xf / rms * w).astype(x.dtype)


def kernel(x, norm1_w, wq_a, q_norm_w, wq_b, wkv_a, kv_norm_w, wkv_b, wo,
           norm2_w, gate_w, gate_b, w1, w2, w3, sw1, sw2, sw3):
    xn = _rmsnorm_ref(x, norm1_w)
    q = jnp.dot(_rmsnorm_ref(jnp.dot(xn, wq_a), q_norm_w),
                wq_b).reshape(B, S, H, QKH)
    q_nope, q_pe = q[..., :NOPE], q[..., NOPE:]
    kv_full = jnp.dot(xn, wkv_a)
    kv, k_pe = kv_full[..., :KVLR], kv_full[..., KVLR:]
    q = jnp.concatenate([q_nope, q_pe], axis=-1)
    kv = jnp.dot(_rmsnorm_ref(kv, kv_norm_w),
                 wkv_b).reshape(B, S, H, NOPE + VH)
    k_nope, v = kv[..., :NOPE], kv[..., NOPE:]
    k = jnp.concatenate(
        [k_nope, jnp.broadcast_to(k_pe[:, :, None, :], (B, S, H, ROPE))],
        axis=-1)
    scale = QKH ** (-0.5)
    logits = jnp.einsum('bqhd,bkhd->bhqk', q, k) * scale
    causal = jnp.tril(jnp.ones((S, S), bool))
    logits = jnp.where(causal[None, None], logits, -jnp.inf)
    attn = jax.nn.softmax(logits, axis=-1)
    o = jnp.einsum('bhqk,bkhd->bqhd', attn, v).reshape(B, S, H * VH)
    h = (x + jnp.dot(o, wo)).reshape(S, D)
    t = _rmsnorm_ref(h, norm2_w)
    scores = jax.nn.sigmoid(jnp.dot(t, gate_w.T))

    base = _k3(h, t, sw1, sw3, sw2)
    out = _moe_sparse(t, scores, gate_b, base, w1, w3, w2)
    return out.reshape(B, S, D)

# --- scband reference (transcript-rebuilt; emitter-appended) ---
"""Pipeline reference for scband-top-block-63350767616772 (READ-ONLY COPY).

The authoritative reference and input builder live on the scoring server;
editing this copy changes nothing except your own understanding.
"""

import jax, jax.numpy as jnp
import numpy as np

B, S, D = 1, 2048, 1024
H = 16
QKH, VH = 128, 128
NOPE, ROPE = 64, 64
QLR, KVLR = 512, 256
E, NG, TKG, TK = 8, 4, 2, 2
NSH, IDIM = 2, 512
RS = 1.0

def rmsnorm(x, w, eps=1e-6):
    xf = x.astype(jnp.float32)
    rms = jnp.sqrt(jnp.mean(xf ** 2, axis=-1, keepdims=True) + eps)
    return (xf / rms * w).astype(x.dtype)

def setup_inputs(seed: int = 0):
    key = jax.random.key(seed)
    ks = jax.random.split(key, 16)
    def w(k, shape, fan_in):
        return jax.random.normal(k, shape, jnp.float32) / np.sqrt(fan_in)
    return {
        'x': jax.random.normal(ks[0], (B, S, D), jnp.float32),
        'norm1_w': jnp.ones((D,), jnp.float32),
        'wq_a': w(ks[1], (D, QLR), D),
        'q_norm_w': jnp.ones((QLR,), jnp.float32),
        'wq_b': w(ks[2], (QLR, H * QKH), QLR),
        'wkv_a': w(ks[3], (D, KVLR + ROPE), D),
        'kv_norm_w': jnp.ones((KVLR,), jnp.float32),
        'wkv_b': w(ks[4], (KVLR, H * (NOPE + VH)), KVLR),
        'wo': w(ks[5], (H * VH, D), H * VH),
        'norm2_w': jnp.ones((D,), jnp.float32),
        'gate_w': jax.random.normal(ks[6], (E, D), jnp.float32) * 0.01,
        'gate_b': jnp.zeros((E,), jnp.float32),
        'w1': w(ks[7], (E, D, IDIM), D),
        'w2': w(ks[8], (E, IDIM, D), IDIM),
        'w3': w(ks[9], (E, D, IDIM), D),
        'sw1': w(ks[10], (D, NSH * IDIM), D),
        'sw2': w(ks[11], (NSH * IDIM, D), NSH * IDIM),
        'sw3': w(ks[12], (D, NSH * IDIM), D),
    }

def reference(x, norm1_w, wq_a, q_norm_w, wq_b, wkv_a, kv_norm_w, wkv_b, wo, norm2_w, gate_w, gate_b, w1, w2, w3, sw1, sw2, sw3):
    # ---- MLA layer: x + MLA(RMSNorm(x)) ----
    xn = rmsnorm(x, norm1_w)
    q = jnp.dot(rmsnorm(jnp.dot(xn, wq_a), q_norm_w), wq_b).reshape(B, S, H, QKH)
    q_nope, q_pe = q[..., :NOPE], q[..., NOPE:]
    kv_full = jnp.dot(xn, wkv_a)
    kv, k_pe = kv_full[..., :KVLR], kv_full[..., KVLR:]
    q = jnp.concatenate([q_nope, q_pe], axis=-1)
    kv = jnp.dot(rmsnorm(kv, kv_norm_w), wkv_b).reshape(B, S, H, NOPE + VH)
    k_nope, v = kv[..., :NOPE], kv[..., NOPE:]
    k = jnp.concatenate([k_nope, jnp.broadcast_to(k_pe[:, :, None, :], (B, S, H, ROPE))], axis=-1)
    scale = QKH ** (-0.5)
    logits = jnp.einsum('bqhd,bkhd->bhqk', q, k) * scale
    causal = jnp.tril(jnp.ones((S, S), bool))
    logits = jnp.where(causal[None, None], logits, -jnp.inf)
    attn = jax.nn.softmax(logits, axis=-1)
    o = jnp.einsum('bhqk,bkhd->bqhd', attn, v).reshape(B, S, H * VH)
    h = x + jnp.dot(o, wo)
    # ---- MoE layer: h + MoE(RMSNorm(h)) ----
    t = rmsnorm(h, norm2_w).reshape(B * S, D)
    T = B * S
    scores = jax.nn.sigmoid(jnp.dot(t, gate_w.T))
    orig = scores
    sc = scores + gate_b
    scg = sc.reshape(T, NG, -1)
    gs = jnp.sort(scg, axis=-1)[..., -2:].sum(axis=-1)
    gidx = jnp.argsort(gs, axis=-1)[..., -TKG:]
    gmask = jnp.ones((T, NG), bool).at[jnp.arange(T)[:, None], gidx].set(False)
    sc = jnp.where(gmask[..., None], -jnp.inf, scg).reshape(T, -1)
    idx = jnp.argsort(sc, axis=-1)[..., -TK:]
    wts = orig[jnp.arange(T)[:, None], idx]
    wts = wts / (wts.sum(axis=-1, keepdims=True) + 1e-20)
    wts = wts * RS
    # routed experts (dense vmap over experts, combined via top-k weights)
    h1 = jax.nn.silu(jnp.einsum('td,edi->eti', t, w1)) * jnp.einsum('td,edi->eti', t, w3)
    eo = jnp.einsum('eti,eid->etd', h1, w2)
    cw = jnp.zeros((T, E), t.dtype).at[jnp.arange(T)[:, None], idx].add(wts)
    routed = jnp.einsum('te,etd->td', cw, eo)
    # shared experts MLP
    shared = jnp.dot(jax.nn.silu(jnp.dot(t, sw1)) * jnp.dot(t, sw3), sw2)
    return h + (routed + shared).reshape(B, S, D)

if __name__ == "__main__":
    import jax
    _d = setup_inputs()
    print(jax.jit(kernel)(*tuple(_d.values())))

</pallas_src>

<mosaic_0001>
#map = affine_map<(d0, d1) -> (0, 0)>
module attributes {stable_mosaic.version = 14 : i64} {
  func.func @comb(%arg0: i32, %arg1: i32, %arg2: memref<6144x1024xf32, #tpu.memory_space<hbm>>, %arg3: memref<2048x1024xf32, #tpu.memory_space<hbm>>, %arg4: memref<2x2048xi32, #tpu.memory_space<hbm>>, %arg5: memref<2x2048xf32, #tpu.memory_space<hbm>>, %arg6: memref<2048x1024xf32, #tpu.memory_space<hbm>>, %arg7: memref<64xi32, #tpu.memory_space<vmem>>, %arg8: memref<64xi32, #tpu.memory_space<vmem>>, %arg9: memref<64xf32, #tpu.memory_space<vmem>>, %arg10: memref<64xf32, #tpu.memory_space<vmem>>, %arg11: memref<16x1024xf32, #tpu.memory_space<vmem>>, %arg12: memref<16x1024xf32, #tpu.memory_space<vmem>>, %arg13: memref<16x1024xf32, #tpu.memory_space<vmem>>, %arg14: memref<!tpu.dma_semaphore, #tpu.memory_space<semaphore_mem>>, %arg15: memref<!tpu.dma_semaphore, #tpu.memory_space<semaphore_mem>>) attributes {dimension_semantics = [#tpu.dimension_semantics<core_parallel>, #tpu.dimension_semantics<subcore_parallel>], iteration_bounds = array<i64: 2, 16>, scalar_prefetch = 0 : i64, scratch_operands = 9 : i64, tpu.core_type = #tpu.core_type<sc_vector_subcore>, window_params = [{transform_indices = #map}, {transform_indices = #map}, {transform_indices = #map}, {transform_indices = #map}, {transform_indices = #map}]} {
    %mul3A = arith.constant 2 : i32
    %mul3A_0 = arith.muli %arg1, %mul3A : i32
    %add3A = arith.addi %mul3A_0, %arg0 : i32
    %mul3A_1 = arith.constant 64 : i32
    %mul3A_2 = arith.muli %add3A, %mul3A_1 : i32
    %run_scoped3A = arith.constant 0 : i32
    "tpu.region"() ({
      %run_scoped3A_11 = tpu.sem_alloc : memref<!tpu.dma_semaphore, #tpu.memory_space<semaphore_mem>>
      %dma_start3A = tpu.memref_slice %arg4[%run_scoped3A, %mul3A_2] : memref<2x2048xi32, #tpu.memory_space<hbm>> -> memref<1x64xi32, #tpu.memory_space<hbm>>
      %dma_start3A_12 = tpu.memref_squeeze %dma_start3A : memref<1x64xi32, #tpu.memory_space<hbm>> -> memref<64xi32, #tpu.memory_space<hbm>>
      %dma_start3A_13 = tpu.memref_slice %arg4[%run_scoped3A, %mul3A_2] : memref<2x2048xi32, #tpu.memory_space<hbm>> -> memref<1x64xi32, #tpu.memory_space<hbm>>
      %dma_start3A_14 = tpu.memref_squeeze %dma_start3A_13 : memref<1x64xi32, #tpu.memory_space<hbm>> -> memref<64xi32, #tpu.memory_space<hbm>>
      tpu.enqueue_dma source(%dma_start3A_14 : memref<64xi32, #tpu.memory_space<hbm>>) target(%arg7 : memref<64xi32, #tpu.memory_space<vmem>>) target_semaphore(%run_scoped3A_11 : memref<!tpu.dma_semaphore, #tpu.memory_space<semaphore_mem>>)
      %dma_wait3A = tpu.memref_slice %arg4[%run_scoped3A, %mul3A_2] : memref<2x2048xi32, #tpu.memory_space<hbm>> -> memref<1x64xi32, #tpu.memory_space<hbm>>
      %dma_wait3A_15 = tpu.memref_squeeze %dma_wait3A : memref<1x64xi32, #tpu.memory_space<hbm>> -> memref<64xi32, #tpu.memory_space<hbm>>
      %dma_wait3A_16 = tpu.memref_slice %arg4[%run_scoped3A, %mul3A_2] : memref<2x2048xi32, #tpu.memory_space<hbm>> -> memref<1x64xi32, #tpu.memory_space<hbm>>
      %dma_wait3A_17 = tpu.memref_squeeze %dma_wait3A_16 : memref<1x64xi32, #tpu.memory_space<hbm>> -> memref<64xi32, #tpu.memory_space<hbm>>
      tpu.wait_dma2 semaphore(%run_scoped3A_11 : memref<!tpu.dma_semaphore, #tpu.memory_space<semaphore_mem>>) src(%dma_wait3A_17 : memref<64xi32, #tpu.memory_space<hbm>>) dst(%arg7 : memref<64xi32, #tpu.memory_space<vmem>>)
      tpu.yield
    }) : () -> ()
    %run_scoped3A_3 = arith.constant 1 : i32
    "tpu.region"() ({
      %run_scoped3A_11 = tpu.sem_alloc : memref<!tpu.dma_semaphore, #tpu.memory_space<semaphore_mem>>
      %dma_start3A = tpu.memref_slice %arg4[%run_scoped3A_3, %mul3A_2] : memref<2x2048xi32, #tpu.memory_space<hbm>> -> memref<1x64xi32, #tpu.memory_space<hbm>>
      %dma_start3A_12 = tpu.memref_squeeze %dma_start3A : memref<1x64xi32, #tpu.memory_space<hbm>> -> memref<64xi32, #tpu.memory_space<hbm>>
      %dma_start3A_13 = tpu.memref_slice %arg4[%run_scoped3A_3, %mul3A_2] : memref<2x2048xi32, #tpu.memory_space<hbm>> -> memref<1x64xi32, #tpu.memory_space<hbm>>
      %dma_start3A_14 = tpu.memref_squeeze %dma_start3A_13 : memref<1x64xi32, #tpu.memory_space<hbm>> -> memref<64xi32, #tpu.memory_space<hbm>>
      tpu.enqueue_dma source(%dma_start3A_14 : memref<64xi32, #tpu.memory_space<hbm>>) target(%arg8 : memref<64xi32, #tpu.memory_space<vmem>>) target_semaphore(%run_scoped3A_11 : memref<!tpu.dma_semaphore, #tpu.memory_space<semaphore_mem>>)
      %dma_wait3A = tpu.memref_slice %arg4[%run_scoped3A_3, %mul3A_2] : memref<2x2048xi32, #tpu.memory_space<hbm>> -> memref<1x64xi32, #tpu.memory_space<hbm>>
      %dma_wait3A_15 = tpu.memref_squeeze %dma_wait3A : memref<1x64xi32, #tpu.memory_space<hbm>> -> memref<64xi32, #tpu.memory_space<hbm>>
      %dma_wait3A_16 = tpu.memref_slice %arg4[%run_scoped3A_3, %mul3A_2] : memref<2x2048xi32, #tpu.memory_space<hbm>> -> memref<1x64xi32, #tpu.memory_space<hbm>>
      %dma_wait3A_17 = tpu.memref_squeeze %dma_wait3A_16 : memref<1x64xi32, #tpu.memory_space<hbm>> -> memref<64xi32, #tpu.memory_space<hbm>>
      tpu.wait_dma2 semaphore(%run_scoped3A_11 : memref<!tpu.dma_semaphore, #tpu.memory_space<semaphore_mem>>) src(%dma_wait3A_17 : memref<64xi32, #tpu.memory_space<hbm>>) dst(%arg8 : memref<64xi32, #tpu.memory_space<vmem>>)
      tpu.yield
    }) : () -> ()
    %run_scoped3A_4 = arith.constant 0 : i32
    "tpu.region"() ({
      %run_scoped3A_11 = tpu.sem_alloc : memref<!tpu.dma_semaphore, #tpu.memory_space<semaphore_mem>>
      %dma_start3A = tpu.memref_slice %arg5[%run_scoped3A_4, %mul3A_2] : memref<2x2048xf32, #tpu.memory_space<hbm>> -> memref<1x64xf32, #tpu.memory_space<hbm>>
      %dma_start3A_12 = tpu.memref_squeeze %dma_start3A : memref<1x64xf32, #tpu.memory_space<hbm>> -> memref<64xf32, #tpu.memory_space<hbm>>
      %dma_start3A_13 = tpu.memref_slice %arg5[%run_scoped3A_4, %mul3A_2] : memref<2x2048xf32, #tpu.memory_space<hbm>> -> memref<1x64xf32, #tpu.memory_space<hbm>>
      %dma_start3A_14 = tpu.memref_squeeze %dma_start3A_13 : memref<1x64xf32, #tpu.memory_space<hbm>> -> memref<64xf32, #tpu.memory_space<hbm>>
      tpu.enqueue_dma source(%dma_start3A_14 : memref<64xf32, #tpu.memory_space<hbm>>) target(%arg9 : memref<64xf32, #tpu.memory_space<vmem>>) target_semaphore(%run_scoped3A_11 : memref<!tpu.dma_semaphore, #tpu.memory_space<semaphore_mem>>)
      %dma_wait3A = tpu.memref_slice %arg5[%run_scoped3A_4, %mul3A_2] : memref<2x2048xf32, #tpu.memory_space<hbm>> -> memref<1x64xf32, #tpu.memory_space<hbm>>
      %dma_wait3A_15 = tpu.memref_squeeze %dma_wait3A : memref<1x64xf32, #tpu.memory_space<hbm>> -> memref<64xf32, #tpu.memory_space<hbm>>
      %dma_wait3A_16 = tpu.memref_slice %arg5[%run_scoped3A_4, %mul3A_2] : memref<2x2048xf32, #tpu.memory_space<hbm>> -> memref<1x64xf32, #tpu.memory_space<hbm>>
      %dma_wait3A_17 = tpu.memref_squeeze %dma_wait3A_16 : memref<1x64xf32, #tpu.memory_space<hbm>> -> memref<64xf32, #tpu.memory_space<hbm>>
      tpu.wait_dma2 semaphore(%run_scoped3A_11 : memref<!tpu.dma_semaphore, #tpu.memory_space<semaphore_mem>>) src(%dma_wait3A_17 : memref<64xf32, #tpu.memory_space<hbm>>) dst(%arg9 : memref<64xf32, #tpu.memory_space<vmem>>)
      tpu.yield
    }) : () -> ()
    %run_scoped3A_5 = arith.constant 1 : i32
    "tpu.region"() ({
      %run_scoped3A_11 = tpu.sem_alloc : memref<!tpu.dma_semaphore, #tpu.memory_space<semaphore_mem>>
      %dma_start3A = tpu.memref_slice %arg5[%run_scoped3A_5, %mul3A_2] : memref<2x2048xf32, #tpu.memory_space<hbm>> -> memref<1x64xf32, #tpu.memory_space<hbm>>
      %dma_start3A_12 = tpu.memref_squeeze %dma_start3A : memref<1x64xf32, #tpu.memory_space<hbm>> -> memref<64xf32, #tpu.memory_space<hbm>>
      %dma_start3A_13 = tpu.memref_slice %arg5[%run_scoped3A_5, %mul3A_2] : memref<2x2048xf32, #tpu.memory_space<hbm>> -> memref<1x64xf32, #tpu.memory_space<hbm>>
      %dma_start3A_14 = tpu.memref_squeeze %dma_start3A_13 : memref<1x64xf32, #tpu.memory_space<hbm>> -> memref<64xf32, #tpu.memory_space<hbm>>
      tpu.enqueue_dma source(%dma_start3A_14 : memref<64xf32, #tpu.memory_space<hbm>>) target(%arg10 : memref<64xf32, #tpu.memory_space<vmem>>) target_semaphore(%run_scoped3A_11 : memref<!tpu.dma_semaphore, #tpu.memory_space<semaphore_mem>>)
      %dma_wait3A = tpu.memref_slice %arg5[%run_scoped3A_5, %mul3A_2] : memref<2x2048xf32, #tpu.memory_space<hbm>> -> memref<1x64xf32, #tpu.memory_space<hbm>>
      %dma_wait3A_15 = tpu.memref_squeeze %dma_wait3A : memref<1x64xf32, #tpu.memory_space<hbm>> -> memref<64xf32, #tpu.memory_space<hbm>>
      %dma_wait3A_16 = tpu.memref_slice %arg5[%run_scoped3A_5, %mul3A_2] : memref<2x2048xf32, #tpu.memory_space<hbm>> -> memref<1x64xf32, #tpu.memory_space<hbm>>
      %dma_wait3A_17 = tpu.memref_squeeze %dma_wait3A_16 : memref<1x64xf32, #tpu.memory_space<hbm>> -> memref<64xf32, #tpu.memory_space<hbm>>
      tpu.wait_dma2 semaphore(%run_scoped3A_11 : memref<!tpu.dma_semaphore, #tpu.memory_space<semaphore_mem>>) src(%dma_wait3A_17 : memref<64xf32, #tpu.memory_space<hbm>>) dst(%arg10 : memref<64xf32, #tpu.memory_space<vmem>>)
      tpu.yield
    }) : () -> ()
    %scan3A = arith.constant 0 : i32
    %scan3A_6 = arith.constant 0 : i32
    %scan3A_7 = arith.constant 4 : i32
    %scan3A_8 = arith.addi %scan3A_6, %scan3A_7 : i32
    %scan3A_9 = arith.constant 1 : i32
    scf.for %scan3A_11 = %scan3A_6 to %scan3A_8 step %scan3A_9  : i32 {
      %mul3A_12 = arith.constant 16 : i32
      %mul3A_13 = arith.muli %scan3A_11, %mul3A_12 : i32
      %dma_start3A = tpu.memref_slice %arg7[%mul3A_13] : memref<64xi32, #tpu.memory_space<vmem>> -> memref<16xi32, #tpu.memory_space<vmem>>
      %dma_start3A_14 = arith.constant 0 : i32
      %dma_start3A_15 = arith.constant 0 : i32
      %dma_start3A_16 = tpu.memref_slice %arg2[%dma_start3A_14, %dma_start3A_15] : memref<6144x1024xf32, #tpu.memory_space<hbm>> -> memref<6144x1024xf32, #tpu.memory_space<hbm>>
      tpu.enqueue_indirect_dma source(%dma_start3A_16 : memref<6144x1024xf32, #tpu.memory_space<hbm>>) target(%arg11 : memref<16x1024xf32, #tpu.memory_space<vmem>>) offsets(%dma_start3A : memref<16xi32, #tpu.memory_space<vmem>>) semaphore(%arg14 : memref<!tpu.dma_semaphore, #tpu.memory_space<semaphore_mem>>)
      %dma_start3A_17 = tpu.memref_slice %arg8[%mul3A_13] : memref<64xi32, #tpu.memory_space<vmem>> -> memref<16xi32, #tpu.memory_space<vmem>>
      %dma_start3A_18 = arith.constant 0 : i32
      %dma_start3A_19 = arith.constant 0 : i32
      %dma_start3A_20 = tpu.memref_slice %arg2[%dma_start3A_18, %dma_start3A_19] : memref<6144x1024xf32, #tpu.memory_space<hbm>> -> memref<6144x1024xf32, #tpu.memory_space<hbm>>
      tpu.enqueue_indirect_dma source(%dma_start3A_20 : memref<6144x1024xf32, #tpu.memory_space<hbm>>) target(%arg12 : memref<16x1024xf32, #tpu.memory_space<vmem>>) offsets(%dma_start3A_17 : memref<16xi32, #tpu.memory_space<vmem>>) semaphore(%arg15 : memref<!tpu.dma_semaphore, #tpu.memory_space<semaphore_mem>>)
      %add3A_21 = arith.addi %mul3A_2, %mul3A_13 : i32
      "tpu.region"() ({
        %run_scoped3A_193 = tpu.sem_alloc : memref<!tpu.dma_semaphore, #tpu.memory_space<semaphore_mem>>
        %dma_start3A_194 = arith.constant 0 : i32
        %dma_start3A_195 = tpu.memref_slice %arg3[%add3A_21, %dma_start3A_194] : memref<2048x1024xf32, #tpu.memory_space<hbm>> -> memref<16x1024xf32, #tpu.memory_space<hbm>>
        %dma_start3A_196 = arith.constant 0 : i32
        %dma_start3A_197 = tpu.memref_slice %arg3[%add3A_21, %dma_start3A_196] : memref<2048x1024xf32, #tpu.memory_space<hbm>> -> memref<16x1024xf32, #tpu.memory_space<hbm>>
        tpu.enqueue_dma source(%dma_start3A_197 : memref<16x1024xf32, #tpu.memory_space<hbm>>) target(%arg13 : memref<16x1024xf32, #tpu.memory_space<vmem>>) target_semaphore(%run_scoped3A_193 : memref<!tpu.dma_semaphore, #tpu.memory_space<semaphore_mem>>)
        %dma_wait3A_198 = arith.constant 0 : i32
        %dma_wait3A_199 = tpu.memref_slice %arg3[%add3A_21, %dma_wait3A_198] : memref<2048x1024xf32, #tpu.memory_space<hbm>> -> memref<16x1024xf32, #tpu.memory_space<hbm>>
        %dma_wait3A_200 = arith.constant 0 : i32
        %dma_wait3A_201 = tpu.memref_slice %arg3[%add3A_21, %dma_wait3A_200] : memref<2048x1024xf32, #tpu.memory_space<hbm>> -> memref<16x1024xf32, #tpu.memory_space<hbm>>
        tpu.wait_dma2 semaphore(%run_scoped3A_193 : memref<!tpu.dma_semaphore, #tpu.memory_space<semaphore_mem>>) src(%dma_wait3A_201 : memref<16x1024xf32, #tpu.memory_space<hbm>>) dst(%arg13 : memref<16x1024xf32, #tpu.memory_space<vmem>>)
        tpu.yield
      }) : () -> ()
      %dma_wait3A = tpu.memref_slice %arg7[%mul3A_13] : memref<64xi32, #tpu.memory_space<vmem>> -> memref<16xi32, #tpu.memory_space<vmem>>
      %dma_wait3A_22 = arith.constant 0 : i32
      %dma_wait3A_23 = arith.constant 0 : i32
      %dma_wait3A_24 = tpu.memref_slice %arg2[%dma_wait3A_22, %dma_wait3A_23] : memref<6144x1024xf32, #tpu.memory_space<hbm>> -> memref<6144x1024xf32, #tpu.memory_space<hbm>>
      tpu.wait_indirect_dma semaphore(%arg14 : memref<!tpu.dma_semaphore, #tpu.memory_space<semaphore_mem>>) src(%dma_wait3A_24 : memref<6144x1024xf32, #tpu.memory_space<hbm>>) dst(%arg11 : memref<16x1024xf32, #tpu.memory_space<vmem>>)
      %dma_wait3A_25 = tpu.memref_slice %arg8[%mul3A_13] : memref<64xi32, #tpu.memory_space<vmem>> -> memref<16xi32, #tpu.memory_space<vmem>>
      %dma_wait3A_26 = arith.constant 0 : i32
      %dma_wait3A_27 = arith.constant 0 : i32
      %dma_wait3A_28 = tpu.memref_slice %arg2[%dma_wait3A_26, %dma_wait3A_27] : memref<6144x1024xf32, #tpu.memory_space<hbm>> -> memref<6144x1024xf32, #tpu.memory_space<hbm>>
      tpu.wait_indirect_dma semaphore(%arg15 : memref<!tpu.dma_semaphore, #tpu.memory_space<semaphore_mem>>) src(%dma_wait3A_28 : memref<6144x1024xf32, #tpu.memory_space<hbm>>) dst(%arg12 : memref<16x1024xf32, #tpu.memory_space<vmem>>)
      %get3A = arith.index_cast %mul3A_13 : i32 to index
      %get3A_29 = tpu.vector_load %arg9[%get3A] {strides = array<i32>} : memref<64xf32, #tpu.memory_space<vmem>>, vector<16xf32>,
      %get3A_30 = vector.shape_cast %get3A_29 : vector<16xf32> to vector<16xf32>
      %get3A_31 = arith.index_cast %mul3A_13 : i32 to index
      %get3A_32 = tpu.vector_load %arg10[%get3A_31] {strides = array<i32>} : memref<64xf32, #tpu.memory_space<vmem>>, vector<16xf32>,
      %get3A_33 = vector.shape_cast %get3A_32 : vector<16xf32> to vector<16xf32>
      %slice3A = vector.extract_strided_slice %get3A_30 {offsets = [0], sizes = [1], strides = [1]} : vector<16xf32> to vector<1xf32>
      %squeeze3A = vector.extract %slice3A[0] : f32 from vector<1xf32>
      %slice3A_34 = vector.extract_strided_slice %get3A_33 {offsets = [0], sizes = [1], strides = [1]} : vector<16xf32> to vector<1xf32>
      %squeeze3A_35 = vector.extract %slice3A_34[0] : f32 from vector<1xf32>
      %scan3A_36 = arith.constant 0 : i32
      %scan3A_37 = arith.constant 0 : i32
      %scan3A_38 = arith.constant 64 : i32
      %scan3A_39 = arith.addi %scan3A_37, %scan3A_38 : i32
      %scan3A_40 = arith.constant 1 : i32
      scf.for %scan3A_193 = %scan3A_37 to %scan3A_39 step %scan3A_40  : i32 {
        %mul3A_194 = arith.constant 16 : i32
        %mul3A_195 = arith.muli %scan3A_193, %mul3A_194 : i32
        %get3A_196 = arith.constant 0 : i32
        %get3A_197 = arith.index_cast %get3A_196 : i32 to index
        %get3A_198 = arith.index_cast %mul3A_195 : i32 to index
        %get3A_199 = tpu.vector_load %arg13[%get3A_197, %get3A_198] {strides = array<i32>} : memref<16x1024xf32, #tpu.memory_space<vmem>>, vector<1x16xf32>,
        %get3A_200 = vector.shape_cast %get3A_199 : vector<1x16xf32> to vector<16xf32>
        %get3A_201 = arith.constant 0 : i32
        %get3A_202 = arith.index_cast %get3A_201 : i32 to index
        %get3A_203 = arith.index_cast %mul3A_195 : i32 to index
        %get3A_204 = tpu.vector_load %arg11[%get3A_202, %get3A_203] {strides = array<i32>} : memref<16x1024xf32, #tpu.memory_space<vmem>>, vector<1x16xf32>,
        %get3A_205 = vector.shape_cast %get3A_204 : vector<1x16xf32> to vector<16xf32>
        %mul3A_206 = vector.broadcast %squeeze3A : f32 to vector<16xf32>
        %mul3A_207 = arith.mulf %mul3A_206, %get3A_205 : vector<16xf32>
        %add3A_208 = arith.addf %get3A_200, %mul3A_207 : vector<16xf32>
        %get3A_209 = arith.constant 0 : i32
        %get3A_210 = arith.index_cast %get3A_209 : i32 to index
        %get3A_211 = arith.index_cast %mul3A_195 : i32 to index
        %get3A_212 = tpu.vector_load %arg12[%get3A_210, %get3A_211] {strides = array<i32>} : memref<16x1024xf32, #tpu.memory_space<vmem>>, vector<1x16xf32>,
        %get3A_213 = vector.shape_cast %get3A_212 : vector<1x16xf32> to vector<16xf32>
        %mul3A_214 = vector.broadcast %squeeze3A_35 : f32 to vector<16xf32>
        %mul3A_215 = arith.mulf %mul3A_214, %get3A_213 : vector<16xf32>
        %add3A_216 = arith.addf %add3A_208, %mul3A_215 : vector<16xf32>
        %swap3A = arith.constant 0 : i32
        %swap3A_217 = arith.index_cast %swap3A : i32 to index
        %swap3A_218 = arith.index_cast %mul3A_195 : i32 to index
        %swap3A_219 = tpu.vector_load %arg13[%swap3A_217, %swap3A_218] {strides = array<i32>} : memref<16x1024xf32, #tpu.memory_space<vmem>>, vector<1x16xf32>,
        %swap3A_220 = vector.shape_cast %swap3A_219 : vector<1x16xf32> to vector<16xf32>
        %swap3A_221 = vector.shape_cast %add3A_216 : vector<16xf32> to vector<1x16xf32>
        tpu.vector_store %arg13[%swap3A_217, %swap3A_218], %swap3A_221 {strides = array<i32>} : memref<16x1024xf32, #tpu.memory_space<vmem>>, vector<1x16xf32>,
      }
      %scan3A_41 = arith.constant 64 : i32
      %slice3A_42 = vector.extract_strided_slice %get3A_30 {offsets = [1], sizes = [1], strides = [1]} : vector<16xf32> to vector<1xf32>
      %squeeze3A_43 = vector.extract %slice3A_42[0] : f32 from vector<1xf32>
      %slice3A_44 = vector.extract_strided_slice %get3A_33 {offsets = [1], sizes = [1], strides = [1]} : vector<16xf32> to vector<1xf32>
      %squeeze3A_45 = vector.extract %slice3A_44[0] : f32 from vector<1xf32>
      %scan3A_46 = arith.constant 0 : i32
      %scan3A_47 = arith.constant 0 : i32
      %scan3A_48 = arith.constant 64 : i32
      %scan3A_49 = arith.addi %scan3A_47, %scan3A_48 : i32
      %scan3A_50 = arith.constant 1 : i32
      scf.for %scan3A_193 = %scan3A_47 to %scan3A_49 step %scan3A_50  : i32 {
        %mul3A_194 = arith.constant 16 : i32
        %mul3A_195 = arith.muli %scan3A_193, %mul3A_194 : i32
        %get3A_196 = arith.constant 1 : i32
        %get3A_197 = arith.index_cast %get3A_196 : i32 to index
        %get3A_198 = arith.index_cast %mul3A_195 : i32 to index
        %get3A_199 = tpu.vector_load %arg13[%get3A_197, %get3A_198] {strides = array<i32>} : memref<16x1024xf32, #tpu.memory_space<vmem>>, vector<1x16xf32>,
        %get3A_200 = vector.shape_cast %get3A_199 : vector<1x16xf32> to vector<16xf32>
        %get3A_201 = arith.constant 1 : i32
        %get3A_202 = arith.index_cast %get3A_201 : i32 to index
        %get3A_203 = arith.index_cast %mul3A_195 : i32 to index
        %get3A_204 = tpu.vector_load %arg11[%get3A_202, %get3A_203] {strides = array<i32>} : memref<16x1024xf32, #tpu.memory_space<vmem>>, vector<1x16xf32>,
        %get3A_205 = vector.shape_cast %get3A_204 : vector<1x16xf32> to vector<16xf32>
        %mul3A_206 = vector.broadcast %squeeze3A_43 : f32 to vector<16xf32>
        %mul3A_207 = arith.mulf %mul3A_206, %get3A_205 : vector<16xf32>
        %add3A_208 = arith.addf %get3A_200, %mul3A_207 : vector<16xf32>
        %get3A_209 = arith.constant 1 : i32
        %get3A_210 = arith.index_cast %get3A_209 : i32 to index
        %get3A_211 = arith.index_cast %mul3A_195 : i32 to index
        %get3A_212 = tpu.vector_load %arg12[%get3A_210, %get3A_211] {strides = array<i32>} : memref<16x1024xf32, #tpu.memory_space<vmem>>, vector<1x16xf32>,
        %get3A_213 = vector.shape_cast %get3A_212 : vector<1x16xf32> to vector<16xf32>
        %mul3A_214 = vector.broadcast %squeeze3A_45 : f32 to vector<16xf32>
        %mul3A_215 = arith.mulf %mul3A_214, %get3A_213 : vector<16xf32>
        %add3A_216 = arith.addf %add3A_208, %mul3A_215 : vector<16xf32>
        %swap3A = arith.constant 1 : i32
        %swap3A_217 = arith.index_cast %swap3A : i32 to index
        %swap3A_218 = arith.index_cast %mul3A_195 : i32 to index
        %swap3A_219 = tpu.vector_load %arg13[%swap3A_217, %swap3A_218] {strides = array<i32>} : memref<16x1024xf32, #tpu.memory_space<vmem>>, vector<1x16xf32>,
        %swap3A_220 = vector.shape_cast %swap3A_219 : vector<1x16xf32> to vector<16xf32>
        %swap3A_221 = vector.shape_cast %add3A_216 : vector<16xf32> to vector<1x16xf32>
        tpu.vector_store %arg13[%swap3A_217, %swap3A_218], %swap3A_221 {strides = array<i32>} : memref<16x1024xf32, #tpu.memory_space<vmem>>, vector<1x16xf32>,
      }
      %scan3A_51 = arith.constant 64 : i32
      %slice3A_52 = vector.extract_strided_slice %get3A_30 {offsets = [2], sizes = [1], strides = [1]} : vector<16xf32> to vector<1xf32>
      %squeeze3A_53 = vector.extract %slice3A_52[0] : f32 from vector<1xf32>
      %slice3A_54 = vector.extract_strided_slice %get3A_33 {offsets = [2], sizes = [1], strides = [1]} : vector<16xf32> to vector<1xf32>
      %squeeze3A_55 = vector.extract %slice3A_54[0] : f32 from vector<1xf32>
      %scan3A_56 = arith.constant 0 : i32
      %scan3A_57 = arith.constant 0 : i32
      %scan3A_58 = arith.constant 64 : i32
      %scan3A_59 = arith.addi %scan3A_57, %scan3A_58 : i32
      %scan3A_60 = arith.constant 1 : i32
      scf.for %scan3A_193 = %scan3A_57 to %scan3A_59 step %scan3A_60  : i32 {
        %mul3A_194 = arith.constant 16 : i32
        %mul3A_195 = arith.muli %scan3A_193, %mul3A_194 : i32
        %get3A_196 = arith.constant 2 : i32
        %get3A_197 = arith.index_cast %get3A_196 : i32 to index
        %get3A_198 = arith.index_cast %mul3A_195 : i32 to index
        %get3A_199 = tpu.vector_load %arg13[%get3A_197, %get3A_198] {strides = array<i32>} : memref<16x1024xf32, #tpu.memory_space<vmem>>, vector<1x16xf32>,
        %get3A_200 = vector.shape_cast %get3A_199 : vector<1x16xf32> to vector<16xf32>
        %get3A_201 = arith.constant 2 : i32
        %get3A_202 = arith.index_cast %get3A_201 : i32 to index
        %get3A_203 = arith.index_cast %mul3A_195 : i32 to index
        %get3A_204 = tpu.vector_load %arg11[%get3A_202, %get3A_203] {strides = array<i32>} : memref<16x1024xf32, #tpu.memory_space<vmem>>, vector<1x16xf32>,
        %get3A_205 = vector.shape_cast %get3A_204 : vector<1x16xf32> to vector<16xf32>
        %mul3A_206 = vector.broadcast %squeeze3A_53 : f32 to vector<16xf32>
        %mul3A_207 = arith.mulf %mul3A_206, %get3A_205 : vector<16xf32>
        %add3A_208 = arith.addf %get3A_200, %mul3A_207 : vector<16xf32>
        %get3A_209 = arith.constant 2 : i32
        %get3A_210 = arith.index_cast %get3A_209 : i32 to index
        %get3A_211 = arith.index_cast %mul3A_195 : i32 to index
        %get3A_212 = tpu.vector_load %arg12[%get3A_210, %get3A_211] {strides = array<i32>} : memref<16x1024xf32, #tpu.memory_space<vmem>>, vector<1x16xf32>,
        %get3A_213 = vector.shape_cast %get3A_212 : vector<1x16xf32> to vector<16xf32>
        %mul3A_214 = vector.broadcast %squeeze3A_55 : f32 to vector<16xf32>
        %mul3A_215 = arith.mulf %mul3A_214, %get3A_213 : vector<16xf32>
        %add3A_216 = arith.addf %add3A_208, %mul3A_215 : vector<16xf32>
        %swap3A = arith.constant 2 : i32
        %swap3A_217 = arith.index_cast %swap3A : i32 to index
        %swap3A_218 = arith.index_cast %mul3A_195 : i32 to index
        %swap3A_219 = tpu.vector_load %arg13[%swap3A_217, %swap3A_218] {strides = array<i32>} : memref<16x1024xf32, #tpu.memory_space<vmem>>, vector<1x16xf32>,
        %swap3A_220 = vector.shape_cast %swap3A_219 : vector<1x16xf32> to vector<16xf32>
        %swap3A_221 = vector.shape_cast %add3A_216 : vector<16xf32> to vector<1x16xf32>
        tpu.vector_store %arg13[%swap3A_217, %swap3A_218], %swap3A_221 {strides = array<i32>} : memref<16x1024xf32, #tpu.memory_space<vmem>>, vector<1x16xf32>,
      }
      %scan3A_61 = arith.constant 64 : i32
      %slice3A_62 = vector.extract_strided_slice %get3A_30 {offsets = [3], sizes = [1], strides = [1]} : vector<16xf32> to vector<1xf32>
      %squeeze3A_63 = vector.extract %slice3A_62[0] : f32 from vector<1xf32>
      %slice3A_64 = vector.extract_strided_slice %get3A_33 {offsets = [3], sizes = [1], strides = [1]} : vector<16xf32> to vector<1xf32>
      %squeeze3A_65 = vector.extract %slice3A_64[0] : f32 from vector<1xf32>
      %scan3A_66 = arith.constant 0 : i32
      %scan3A_67 = arith.constant 0 : i32
      %scan3A_68 = arith.constant 64 : i32
      %scan3A_69 = arith.addi %scan3A_67, %scan3A_68 : i32
      %scan3A_70 = arith.constant 1 : i32
      scf.for %scan3A_193 = %scan3A_67 to %scan3A_69 step %scan3A_70  : i32 {
        %mul3A_194 = arith.constant 16 : i32
        %mul3A_195 = arith.muli %scan3A_193, %mul3A_194 : i32
        %get3A_196 = arith.constant 3 : i32
        %get3A_197 = arith.index_cast %get3A_196 : i32 to index
        %get3A_198 = arith.index_cast %mul3A_195 : i32 to index
        %get3A_199 = tpu.vector_load %arg13[%get3A_197, %get3A_198] {strides = array<i32>} : memref<16x1024xf32, #tpu.memory_space<vmem>>, vector<1x16xf32>,
        %get3A_200 = vector.shape_cast %get3A_199 : vector<1x16xf32> to vector<16xf32>
        %get3A_201 = arith.constant 3 : i32
        %get3A_202 = arith.index_cast %get3A_201 : i32 to index
        %get3A_203 = arith.index_cast %mul3A_195 : i32 to index
        %get3A_204 = tpu.vector_load %arg11[%get3A_202, %get3A_203] {strides = array<i32>} : memref<16x1024xf32, #tpu.memory_space<vmem>>, vector<1x16xf32>,
        %get3A_205 = vector.shape_cast %get3A_204 : vector<1x16xf32> to vector<16xf32>
        %mul3A_206 = vector.broadcast %squeeze3A_63 : f32 to vector<16xf32>
        %mul3A_207 = arith.mulf %mul3A_206, %get3A_205 : vector<16xf32>
        %add3A_208 = arith.addf %get3A_200, %mul3A_207 : vector<16xf32>
        %get3A_209 = arith.constant 3 : i32
        %get3A_210 = arith.index_cast %get3A_209 : i32 to index
        %get3A_211 = arith.index_cast %mul3A_195 : i32 to index
        %get3A_212 = tpu.vector_load %arg12[%get3A_210, %get3A_211] {strides = array<i32>} : memref<16x1024xf32, #tpu.memory_space<vmem>>, vector<1x16xf32>,
        %get3A_213 = vector.shape_cast %get3A_212 : vector<1x16xf32> to vector<16xf32>
        %mul3A_214 = vector.broadcast %squeeze3A_65 : f32 to vector<16xf32>
        %mul3A_215 = arith.mulf %mul3A_214, %get3A_213 : vector<16xf32>
        %add3A_216 = arith.addf %add3A_208, %mul3A_215 : vector<16xf32>
        %swap3A = arith.constant 3 : i32
        %swap3A_217 = arith.index_cast %swap3A : i32 to index
        %swap3A_218 = arith.index_cast %mul3A_195 : i32 to index
        %swap3A_219 = tpu.vector_load %arg13[%swap3A_217, %swap3A_218] {strides = array<i32>} : memref<16x1024xf32, #tpu.memory_space<vmem>>, vector<1x16xf32>,
        %swap3A_220 = vector.shape_cast %swap3A_219 : vector<1x16xf32> to vector<16xf32>
        %swap3A_221 = vector.shape_cast %add3A_216 : vector<16xf32> to vector<1x16xf32>
        tpu.vector_store %arg13[%swap3A_217, %swap3A_218], %swap3A_221 {strides = array<i32>} : memref<16x1024xf32, #tpu.memory_space<vmem>>, vector<1x16xf32>,
      }
      %scan3A_71 = arith.constant 64 : i32
      %slice3A_72 = vector.extract_strided_slice %get3A_30 {offsets = [4], sizes = [1], strides = [1]} : vector<16xf32> to vector<1xf32>
      %squeeze3A_73 = vector.extract %slice3A_72[0] : f32 from vector<1xf32>
      %slice3A_74 = vector.extract_strided_slice %get3A_33 {offsets = [4], sizes = [1], strides = [1]} : vector<16xf32> to vector<1xf32>
      %squeeze3A_75 = vector.extract %slice3A_74[0] : f32 from vector<1xf32>
      %scan3A_76 = arith.constant 0 : i32
      %scan3A_77 = arith.constant 0 : i32
      %scan3A_78 = arith.constant 64 : i32
      %scan3A_79 = arith.addi %scan3A_77, %scan3A_78 : i32
      %scan3A_80 = arith.constant 1 : i32
      scf.for %scan3A_193 = %scan3A_77 to %scan3A_79 step %scan3A_80  : i32 {
        %mul3A_194 = arith.constant 16 : i32
        %mul3A_195 = arith.muli %scan3A_193, %mul3A_194 : i32
        %get3A_196 = arith.constant 4 : i32
        %get3A_197 = arith.index_cast %get3A_196 : i32 to index
        %get3A_198 = arith.index_cast %mul3A_195 : i32 to index
        %get3A_199 = tpu.vector_load %arg13[%get3A_197, %get3A_198] {strides = array<i32>} : memref<16x1024xf32, #tpu.memory_space<vmem>>, vector<1x16xf32>,
        %get3A_200 = vector.shape_cast %get3A_199 : vector<1x16xf32> to vector<16xf32>
        %get3A_201 = arith.constant 4 : i32
        %get3A_202 = arith.index_cast %get3A_201 : i32 to index
        %get3A_203 = arith.index_cast %mul3A_195 : i32 to index
        %get3A_204 = tpu.vector_load %arg11[%get3A_202, %get3A_203] {strides = array<i32>} : memref<16x1024xf32, #tpu.memory_space<vmem>>, vector<1x16xf32>,
        %get3A_205 = vector.shape_cast %get3A_204 : vector<1x16xf32> to vector<16xf32>
        %mul3A_206 = vector.broadcast %squeeze3A_73 : f32 to vector<16xf32>
        %mul3A_207 = arith.mulf %mul3A_206, %get3A_205 : vector<16xf32>
        %add3A_208 = arith.addf %get3A_200, %mul3A_207 : vector<16xf32>
        %get3A_209 = arith.constant 4 : i32
        %get3A_210 = arith.index_cast %get3A_209 : i32 to index
        %get3A_211 = arith.index_cast %mul3A_195 : i32 to index
        %get3A_212 = tpu.vector_load %arg12[%get3A_210, %get3A_211] {strides = array<i32>} : memref<16x1024xf32, #tpu.memory_space<vmem>>, vector<1x16xf32>,
        %get3A_213 = vector.shape_cast %get3A_212 : vector<1x16xf32> to vector<16xf32>
        %mul3A_214 = vector.broadcast %squeeze3A_75 : f32 to vector<16xf32>
        %mul3A_215 = arith.mulf %mul3A_214, %get3A_213 : vector<16xf32>
        %add3A_216 = arith.addf %add3A_208, %mul3A_215 : vector<16xf32>
        %swap3A = arith.constant 4 : i32
        %swap3A_217 = arith.index_cast %swap3A : i32 to index
        %swap3A_218 = arith.index_cast %mul3A_195 : i32 to index
        %swap3A_219 = tpu.vector_load %arg13[%swap3A_217, %swap3A_218] {strides = array<i32>} : memref<16x1024xf32, #tpu.memory_space<vmem>>, vector<1x16xf32>,
        %swap3A_220 = vector.shape_cast %swap3A_219 : vector<1x16xf32> to vector<16xf32>
        %swap3A_221 = vector.shape_cast %add3A_216 : vector<16xf32> to vector<1x16xf32>
        tpu.vector_store %arg13[%swap3A_217, %swap3A_218], %swap3A_221 {strides = array<i32>} : memref<16x1024xf32, #tpu.memory_space<vmem>>, vector<1x16xf32>,
      }
      %scan3A_81 = arith.constant 64 : i32
      %slice3A_82 = vector.extract_strided_slice %get3A_30 {offsets = [5], sizes = [1], strides = [1]} : vector<16xf32> to vector<1xf32>
      %squeeze3A_83 = vector.extract %slice3A_82[0] : f32 from vector<1xf32>
      %slice3A_84 = vector.extract_strided_slice %get3A_33 {offsets = [5], sizes = [1], strides = [1]} : vector<16xf32> to vector<1xf32>
      %squeeze3A_85 = vector.extract %slice3A_84[0] : f32 from vector<1xf32>
      %scan3A_86 = arith.constant 0 : i32
      %scan3A_87 = arith.constant 0 : i32
      %scan3A_88 = arith.constant 64 : i32
      %scan3A_89 = arith.addi %scan3A_87, %scan3A_88 : i32
      %scan3A_90 = arith.constant 1 : i32
      scf.for %scan3A_193 = %scan3A_87 to %scan3A_89 step %scan3A_90  : i32 {
        %mul3A_194 = arith.constant 16 : i32
        %mul3A_195 = arith.muli %scan3A_193, %mul3A_194 : i32
        %get3A_196 = arith.constant 5 : i32
        %get3A_197 = arith.index_cast %get3A_196 : i32 to index
        %get3A_198 = arith.index_cast %mul3A_195 : i32 to index
        %get3A_199 = tpu.vector_load %arg13[%get3A_197, %get3A_198] {strides = array<i32>} : memref<16x1024xf32, #tpu.memory_space<vmem>>, vector<1x16xf32>,
        %get3A_200 = vector.shape_cast %get3A_199 : vector<1x16xf32> to vector<16xf32>
        %get3A_201 = arith.constant 5 : i32
        %get3A_202 = arith.index_cast %get3A_201 : i32 to index
        %get3A_203 = arith.index_cast %mul3A_195 : i32 to index
        %get3A_204 = tpu.vector_load %arg11[%get3A_202, %get3A_203] {strides = array<i32>} : memref<16x1024xf32, #tpu.memory_space<vmem>>, vector<1x16xf32>,
        %get3A_205 = vector.shape_cast %get3A_204 : vector<1x16xf32> to vector<16xf32>
        %mul3A_206 = vector.broadcast %squeeze3A_83 : f32 to vector<16xf32>
        %mul3A_207 = arith.mulf %mul3A_206, %get3A_205 : vector<16xf32>
        %add3A_208 = arith.addf %get3A_200, %mul3A_207 : vector<16xf32>
        %get3A_209 = arith.constant 5 : i32
        %get3A_210 = arith.index_cast %get3A_209 : i32 to index
        %get3A_211 = arith.index_cast %mul3A_195 : i32 to index
        %get3A_212 = tpu.vector_load %arg12[%get3A_210, %get3A_211] {strides = array<i32>} : memref<16x1024xf32, #tpu.memory_space<vmem>>, vector<1x16xf32>,
        %get3A_213 = vector.shape_cast %get3A_212 : vector<1x16xf32> to vector<16xf32>
        %mul3A_214 = vector.broadcast %squeeze3A_85 : f32 to vector<16xf32>
        %mul3A_215 = arith.mulf %mul3A_214, %get3A_213 : vector<16xf32>
        %add3A_216 = arith.addf %add3A_208, %mul3A_215 : vector<16xf32>
        %swap3A = arith.constant 5 : i32
        %swap3A_217 = arith.index_cast %swap3A : i32 to index
        %swap3A_218 = arith.index_cast %mul3A_195 : i32 to index
        %swap3A_219 = tpu.vector_load %arg13[%swap3A_217, %swap3A_218] {strides = array<i32>} : memref<16x1024xf32, #tpu.memory_space<vmem>>, vector<1x16xf32>,
        %swap3A_220 = vector.shape_cast %swap3A_219 : vector<1x16xf32> to vector<16xf32>
        %swap3A_221 = vector.shape_cast %add3A_216 : vector<16xf32> to vector<1x16xf32>
        tpu.vector_store %arg13[%swap3A_217, %swap3A_218], %swap3A_221 {strides = array<i32>} : memref<16x1024xf32, #tpu.memory_space<vmem>>, vector<1x16xf32>,
      }
      %scan3A_91 = arith.constant 64 : i32
      %slice3A_92 = vector.extract_strided_slice %get3A_30 {offsets = [6], sizes = [1], strides = [1]} : vector<16xf32> to vector<1xf32>
      %squeeze3A_93 = vector.extract %slice3A_92[0] : f32 from vector<1xf32>
      %slice3A_94 = vector.extract_strided_slice %get3A_33 {offsets = [6], sizes = [1], strides = [1]} : vector<16xf32> to vector<1xf32>
      %squeeze3A_95 = vector.extract %slice3A_94[0] : f32 from vector<1xf32>
      %scan3A_96 = arith.constant 0 : i32
      %scan3A_97 = arith.constant 0 : i32
      %scan3A_98 = arith.constant 64 : i32
      %scan3A_99 = arith.addi %scan3A_97, %scan3A_98 : i32
      %scan3A_100 = arith.constant 1 : i32
      scf.for %scan3A_193 = %scan3A_97 to %scan3A_99 step %scan3A_100  : i32 {
        %mul3A_194 = arith.constant 16 : i32
        %mul3A_195 = arith.muli %scan3A_193, %mul3A_194 : i32
        %get3A_196 = arith.constant 6 : i32
        %get3A_197 = arith.index_cast %get3A_196 : i32 to index
        %get3A_198 = arith.index_cast %mul3A_195 : i32 to index
        %get3A_199 = tpu.vector_load %arg13[%get3A_197, %get3A_198] {strides = array<i32>} : memref<16x1024xf32, #tpu.memory_space<vmem>>, vector<1x16xf32>,
        %get3A_200 = vector.shape_cast %get3A_199 : vector<1x16xf32> to vector<16xf32>
        %get3A_201 = arith.constant 6 : i32
        %get3A_202 = arith.index_cast %get3A_201 : i32 to index
        %get3A_203 = arith.index_cast %mul3A_195 : i32 to index
        %get3A_204 = tpu.vector_load %arg11[%get3A_202, %get3A_203] {strides = array<i32>} : memref<16x1024xf32, #tpu.memory_space<vmem>>, vector<1x16xf32>,
        %get3A_205 = vector.shape_cast %get3A_204 : vector<1x16xf32> to vector<16xf32>
        %mul3A_206 = vector.broadcast %squeeze3A_93 : f32 to vector<16xf32>
        %mul3A_207 = arith.mulf %mul3A_206, %get3A_205 : vector<16xf32>
        %add3A_208 = arith.addf %get3A_200, %mul3A_207 : vector<16xf32>
        %get3A_209 = arith.constant 6 : i32
        %get3A_210 = arith.index_cast %get3A_209 : i32 to index
        %get3A_211 = arith.index_cast %mul3A_195 : i32 to index
        %get3A_212 = tpu.vector_load %arg12[%get3A_210, %get3A_211] {strides = array<i32>} : memref<16x1024xf32, #tpu.memory_space<vmem>>, vector<1x16xf32>,
        %get3A_213 = vector.shape_cast %get3A_212 : vector<1x16xf32> to vector<16xf32>
        %mul3A_214 = vector.broadcast %squeeze3A_95 : f32 to vector<16xf32>
        %mul3A_215 = arith.mulf %mul3A_214, %get3A_213 : vector<16xf32>
        %add3A_216 = arith.addf %add3A_208, %mul3A_215 : vector<16xf32>
        %swap3A = arith.constant 6 : i32
        %swap3A_217 = arith.index_cast %swap3A : i32 to index
        %swap3A_218 = arith.index_cast %mul3A_195 : i32 to index
        %swap3A_219 = tpu.vector_load %arg13[%swap3A_217, %swap3A_218] {strides = array<i32>} : memref<16x1024xf32, #tpu.memory_space<vmem>>, vector<1x16xf32>,
        %swap3A_220 = vector.shape_cast %swap3A_219 : vector<1x16xf32> to vector<16xf32>
        %swap3A_221 = vector.shape_cast %add3A_216 : vector<16xf32> to vector<1x16xf32>
        tpu.vector_store %arg13[%swap3A_217, %swap3A_218], %swap3A_221 {strides = array<i32>} : memref<16x1024xf32, #tpu.memory_space<vmem>>, vector<1x16xf32>,
      }
      %scan3A_101 = arith.constant 64 : i32
      %slice3A_102 = vector.extract_strided_slice %get3A_30 {offsets = [7], sizes = [1], strides = [1]} : vector<16xf32> to vector<1xf32>
      %squeeze3A_103 = vector.extract %slice3A_102[0] : f32 from vector<1xf32>
      %slice3A_104 = vector.extract_strided_slice %get3A_33 {offsets = [7], sizes = [1], strides = [1]} : vector<16xf32> to vector<1xf32>
      %squeeze3A_105 = vector.extract %slice3A_104[0] : f32 from vector<1xf32>
      %scan3A_106 = arith.constant 0 : i32
      %scan3A_107 = arith.constant 0 : i32
      %scan3A_108 = arith.constant 64 : i32
      %scan3A_109 = arith.addi %scan3A_107, %scan3A_108 : i32
      %scan3A_110 = arith.constant 1 : i32
      scf.for %scan3A_193 = %scan3A_107 to %scan3A_109 step %scan3A_110  : i32 {
        %mul3A_194 = arith.constant 16 : i32
        %mul3A_195 = arith.muli %scan3A_193, %mul3A_194 : i32
        %get3A_196 = arith.constant 7 : i32
        %get3A_197 = arith.index_cast %get3A_196 : i32 to index
        %get3A_198 = arith.index_cast %mul3A_195 : i32 to index
        %get3A_199 = tpu.vector_load %arg13[%get3A_197, %get3A_198] {strides = array<i32>} : memref<16x1024xf32, #tpu.memory_space<vmem>>, vector<1x16xf32>,
        %get3A_200 = vector.shape_cast %get3A_199 : vector<1x16xf32> to vector<16xf32>
        %get3A_201 = arith.constant 7 : i32
        %get3A_202 = arith.index_cast %get3A_201 : i32 to index
        %get3A_203 = arith.index_cast %mul3A_195 : i32 to index
        %get3A_204 = tpu.vector_load %arg11[%get3A_202, %get3A_203] {strides = array<i32>} : memref<16x1024xf32, #tpu.memory_space<vmem>>, vector<1x16xf32>,
        %get3A_205 = vector.shape_cast %get3A_204 : vector<1x16xf32> to vector<16xf32>
        %mul3A_206 = vector.broadcast %squeeze3A_103 : f32 to vector<16xf32>
        %mul3A_207 = arith.mulf %mul3A_206, %get3A_205 : vector<16xf32>
        %add3A_208 = arith.addf %get3A_200, %mul3A_207 : vector<16xf32>
        %get3A_209 = arith.constant 7 : i32
        %get3A_210 = arith.index_cast %get3A_209 : i32 to index
        %get3A_211 = arith.index_cast %mul3A_195 : i32 to index
        %get3A_212 = tpu.vector_load %arg12[%get3A_210, %get3A_211] {strides = array<i32>} : memref<16x1024xf32, #tpu.memory_space<vmem>>, vector<1x16xf32>,
        %get3A_213 = vector.shape_cast %get3A_212 : vector<1x16xf32> to vector<16xf32>
        %mul3A_214 = vector.broadcast %squeeze3A_105 : f32 to vector<16xf32>
        %mul3A_215 = arith.mulf %mul3A_214, %get3A_213 : vector<16xf32>
        %add3A_216 = arith.addf %add3A_208, %mul3A_215 : vector<16xf32>
        %swap3A = arith.constant 7 : i32
        %swap3A_217 = arith.index_cast %swap3A : i32 to index
        %swap3A_218 = arith.index_cast %mul3A_195 : i32 to index
        %swap3A_219 = tpu.vector_load %arg13[%swap3A_217, %swap3A_218] {strides = array<i32>} : memref<16x1024xf32, #tpu.memory_space<vmem>>, vector<1x16xf32>,
        %swap3A_220 = vector.shape_cast %swap3A_219 : vector<1x16xf32> to vector<16xf32>
        %swap3A_221 = vector.shape_cast %add3A_216 : vector<16xf32> to vector<1x16xf32>
        tpu.vector_store %arg13[%swap3A_217, %swap3A_218], %swap3A_221 {strides = array<i32>} : memref<16x1024xf32, #tpu.memory_space<vmem>>, vector<1x16xf32>,
      }
      %scan3A_111 = arith.constant 64 : i32
      %slice3A_112 = vector.extract_strided_slice %get3A_30 {offsets = [8], sizes = [1], strides = [1]} : vector<16xf32> to vector<1xf32>
      %squeeze3A_113 = vector.extract %slice3A_112[0] : f32 from vector<1xf32>
      %slice3A_114 = vector.extract_strided_slice %get3A_33 {offsets = [8], sizes = [1], strides = [1]} : vector<16xf32> to vector<1xf32>
      %squeeze3A_115 = vector.extract %slice3A_114[0] : f32 from vector<1xf32>
      %scan3A_116 = arith.constant 0 : i32
      %scan3A_117 = arith.constant 0 : i32
      %scan3A_118 = arith.constant 64 : i32
      %scan3A_119 = arith.addi %scan3A_117, %scan3A_118 : i32
      %scan3A_120 = arith.constant 1 : i32
      scf.for %scan3A_193 = %scan3A_117 to %scan3A_119 step %scan3A_120  : i32 {
        %mul3A_194 = arith.constant 16 : i32
        %mul3A_195 = arith.muli %scan3A_193, %mul3A_194 : i32
        %get3A_196 = arith.constant 8 : i32
        %get3A_197 = arith.index_cast %get3A_196 : i32 to index
        %get3A_198 = arith.index_cast %mul3A_195 : i32 to index
        %get3A_199 = tpu.vector_load %arg13[%get3A_197, %get3A_198] {strides = array<i32>} : memref<16x1024xf32, #tpu.memory_space<vmem>>, vector<1x16xf32>,
        %get3A_200 = vector.shape_cast %get3A_199 : vector<1x16xf32> to vector<16xf32>
        %get3A_201 = arith.constant 8 : i32
        %get3A_202 = arith.index_cast %get3A_201 : i32 to index
        %get3A_203 = arith.index_cast %mul3A_195 : i32 to index
        %get3A_204 = tpu.vector_load %arg11[%get3A_202, %get3A_203] {strides = array<i32>} : memref<16x1024xf32, #tpu.memory_space<vmem>>, vector<1x16xf32>,
        %get3A_205 = vector.shape_cast %get3A_204 : vector<1x16xf32> to vector<16xf32>
        %mul3A_206 = vector.broadcast %squeeze3A_113 : f32 to vector<16xf32>
        %mul3A_207 = arith.mulf %mul3A_206, %get3A_205 : vector<16xf32>
        %add3A_208 = arith.addf %get3A_200, %mul3A_207 : vector<16xf32>
        %get3A_209 = arith.constant 8 : i32
        %get3A_210 = arith.index_cast %get3A_209 : i32 to index
        %get3A_211 = arith.index_cast %mul3A_195 : i32 to index
        %get3A_212 = tpu.vector_load %arg12[%get3A_210, %get3A_211] {strides = array<i32>} : memref<16x1024xf32, #tpu.memory_space<vmem>>, vector<1x16xf32>,
        %get3A_213 = vector.shape_cast %get3A_212 : vector<1x16xf32> to vector<16xf32>
        %mul3A_214 = vector.broadcast %squeeze3A_115 : f32 to vector<16xf32>
        %mul3A_215 = arith.mulf %mul3A_214, %get3A_213 : vector<16xf32>
        %add3A_216 = arith.addf %add3A_208, %mul3A_215 : vector<16xf32>
        %swap3A = arith.constant 8 : i32
        %swap3A_217 = arith.index_cast %swap3A : i32 to index
        %swap3A_218 = arith.index_cast %mul3A_195 : i32 to index
        %swap3A_219 = tpu.vector_load %arg13[%swap3A_217, %swap3A_218] {strides = array<i32>} : memref<16x1024xf32, #tpu.memory_space<vmem>>, vector<1x16xf32>,
        %swap3A_220 = vector.shape_cast %swap3A_219 : vector<1x16xf32> to vector<16xf32>
        %swap3A_221 = vector.shape_cast %add3A_216 : vector<16xf32> to vector<1x16xf32>
        tpu.vector_store %arg13[%swap3A_217, %swap3A_218], %swap3A_221 {strides = array<i32>} : memref<16x1024xf32, #tpu.memory_space<vmem>>, vector<1x16xf32>,
      }
      %scan3A_121 = arith.constant 64 : i32
      %slice3A_122 = vector.extract_strided_slice %get3A_30 {offsets = [9], sizes = [1], strides = [1]} : vector<16xf32> to vector<1xf32>
      %squeeze3A_123 = vector.extract %slice3A_122[0] : f32 from vector<1xf32>
      %slice3A_124 = vector.extract_strided_slice %get3A_33 {offsets = [9], sizes = [1], strides = [1]} : vector<16xf32> to vector<1xf32>
      %squeeze3A_125 = vector.extract %slice3A_124[0] : f32 from vector<1xf32>
      %scan3A_126 = arith.constant 0 : i32
      %scan3A_127 = arith.constant 0 : i32
      %scan3A_128 = arith.constant 64 : i32
      %scan3A_129 = arith.addi %scan3A_127, %scan3A_128 : i32
      %scan3A_130 = arith.constant 1 : i32
      scf.for %scan3A_193 = %scan3A_127 to %scan3A_129 step %scan3A_130  : i32 {
        %mul3A_194 = arith.constant 16 : i32
        %mul3A_195 = arith.muli %scan3A_193, %mul3A_194 : i32
        %get3A_196 = arith.constant 9 : i32
        %get3A_197 = arith.index_cast %get3A_196 : i32 to index
        %get3A_198 = arith.index_cast %mul3A_195 : i32 to index
        %get3A_199 = tpu.vector_load %arg13[%get3A_197, %get3A_198] {strides = array<i32>} : memref<16x1024xf32, #tpu.memory_space<vmem>>, vector<1x16xf32>,
        %get3A_200 = vector.shape_cast %get3A_199 : vector<1x16xf32> to vector<16xf32>
        %get3A_201 = arith.constant 9 : i32
        %get3A_202 = arith.index_cast %get3A_201 : i32 to index
        %get3A_203 = arith.index_cast %mul3A_195 : i32 to index
        %get3A_204 = tpu.vector_load %arg11[%get3A_202, %get3A_203] {strides = array<i32>} : memref<16x1024xf32, #tpu.memory_space<vmem>>, vector<1x16xf32>,
        %get3A_205 = vector.shape_cast %get3A_204 : vector<1x16xf32> to vector<16xf32>
        %mul3A_206 = vector.broadcast %squeeze3A_123 : f32 to vector<16xf32>
        %mul3A_207 = arith.mulf %mul3A_206, %get3A_205 : vector<16xf32>
        %add3A_208 = arith.addf %get3A_200, %mul3A_207 : vector<16xf32>
        %get3A_209 = arith.constant 9 : i32
        %get3A_210 = arith.index_cast %get3A_209 : i32 to index
        %get3A_211 = arith.index_cast %mul3A_195 : i32 to index
        %get3A_212 = tpu.vector_load %arg12[%get3A_210, %get3A_211] {strides = array<i32>} : memref<16x1024xf32, #tpu.memory_space<vmem>>, vector<1x16xf32>,
        %get3A_213 = vector.shape_cast %get3A_212 : vector<1x16xf32> to vector<16xf32>
        %mul3A_214 = vector.broadcast %squeeze3A_125 : f32 to vector<16xf32>
        %mul3A_215 = arith.mulf %mul3A_214, %get3A_213 : vector<16xf32>
        %add3A_216 = arith.addf %add3A_208, %mul3A_215 : vector<16xf32>
        %swap3A = arith.constant 9 : i32
        %swap3A_217 = arith.index_cast %swap3A : i32 to index
        %swap3A_218 = arith.index_cast %mul3A_195 : i32 to index
        %swap3A_219 = tpu.vector_load %arg13[%swap3A_217, %swap3A_218] {strides = array<i32>} : memref<16x1024xf32, #tpu.memory_space<vmem>>, vector<1x16xf32>,
        %swap3A_220 = vector.shape_cast %swap3A_219 : vector<1x16xf32> to vector<16xf32>
        %swap3A_221 = vector.shape_cast %add3A_216 : vector<16xf32> to vector<1x16xf32>
        tpu.vector_store %arg13[%swap3A_217, %swap3A_218], %swap3A_221 {strides = array<i32>} : memref<16x1024xf32, #tpu.memory_space<vmem>>, vector<1x16xf32>,
      }
      %scan3A_131 = arith.constant 64 : i32
      %slice3A_132 = vector.extract_strided_slice %get3A_30 {offsets = [10], sizes = [1], strides = [1]} : vector<16xf32> to vector<1xf32>
      %squeeze3A_133 = vector.extract %slice3A_132[0] : f32 from vector<1xf32>
      %slice3A_134 = vector.extract_strided_slice %get3A_33 {offsets = [10], sizes = [1], strides = [1]} : vector<16xf32> to vector<1xf32>
      %squeeze3A_135 = vector.extract %slice3A_134[0] : f32 from vector<1xf32>
      %scan3A_136 = arith.constant 0 : i32
      %scan3A_137 = arith.constant 0 : i32
      %scan3A_138 = arith.constant 64 : i32
      %scan3A_139 = arith.addi %scan3A_137, %scan3A_138 : i32
      %scan3A_140 = arith.constant 1 : i32
      scf.for %scan3A_193 = %scan3A_137 to %scan3A_139 step %scan3A_140  : i32 {
        %mul3A_194 = arith.constant 16 : i32
        %mul3A_195 = arith.muli %scan3A_193, %mul3A_194 : i32
        %get3A_196 = arith.constant 10 : i32
        %get3A_197 = arith.index_cast %get3A_196 : i32 to index
        %get3A_198 = arith.index_cast %mul3A_195 : i32 to index
        %get3A_199 = tpu.vector_load %arg13[%get3A_197, %get3A_198] {strides = array<i32>} : memref<16x1024xf32, #tpu.memory_space<vmem>>, vector<1x16xf32>,
        %get3A_200 = vector.shape_cast %get3A_199 : vector<1x16xf32> to vector<16xf32>
        %get3A_201 = arith.constant 10 : i32
        %get3A_202 = arith.index_cast %get3A_201 : i32 to index
        %get3A_203 = arith.index_cast %mul3A_195 : i32 to index
        %get3A_204 = tpu.vector_load %arg11[%get3A_202, %get3A_203] {strides = array<i32>} : memref<16x1024xf32, #tpu.memory_space<vmem>>, vector<1x16xf32>,
        %get3A_205 = vector.shape_cast %get3A_204 : vector<1x16xf32> to vector<16xf32>
        %mul3A_206 = vector.broadcast %squeeze3A_133 : f32 to vector<16xf32>
        %mul3A_207 = arith.mulf %mul3A_206, %get3A_205 : vector<16xf32>
        %add3A_208 = arith.addf %get3A_200, %mul3A_207 : vector<16xf32>
        %get3A_209 = arith.constant 10 : i32
        %get3A_210 = arith.index_cast %get3A_209 : i32 to index
        %get3A_211 = arith.index_cast %mul3A_195 : i32 to index
        %get3A_212 = tpu.vector_load %arg12[%get3A_210, %get3A_211] {strides = array<i32>} : memref<16x1024xf32, #tpu.memory_space<vmem>>, vector<1x16xf32>,
        %get3A_213 = vector.shape_cast %get3A_212 : vector<1x16xf32> to vector<16xf32>
        %mul3A_214 = vector.broadcast %squeeze3A_135 : f32 to vector<16xf32>
        %mul3A_215 = arith.mulf %mul3A_214, %get3A_213 : vector<16xf32>
        %add3A_216 = arith.addf %add3A_208, %mul3A_215 : vector<16xf32>
        %swap3A = arith.constant 10 : i32
        %swap3A_217 = arith.index_cast %swap3A : i32 to index
        %swap3A_218 = arith.index_cast %mul3A_195 : i32 to index
        %swap3A_219 = tpu.vector_load %arg13[%swap3A_217, %swap3A_218] {strides = array<i32>} : memref<16x1024xf32, #tpu.memory_space<vmem>>, vector<1x16xf32>,
        %swap3A_220 = vector.shape_cast %swap3A_219 : vector<1x16xf32> to vector<16xf32>
        %swap3A_221 = vector.shape_cast %add3A_216 : vector<16xf32> to vector<1x16xf32>
        tpu.vector_store %arg13[%swap3A_217, %swap3A_218], %swap3A_221 {strides = array<i32>} : memref<16x1024xf32, #tpu.memory_space<vmem>>, vector<1x16xf32>,
      }
      %scan3A_141 = arith.constant 64 : i32
      %slice3A_142 = vector.extract_strided_slice %get3A_30 {offsets = [11], sizes = [1], strides = [1]} : vector<16xf32> to vector<1xf32>
      %squeeze3A_143 = vector.extract %slice3A_142[0] : f32 from vector<1xf32>
      %slice3A_144 = vector.extract_strided_slice %get3A_33 {offsets = [11], sizes = [1], strides = [1]} : vector<16xf32> to vector<1xf32>
      %squeeze3A_145 = vector.extract %slice3A_144[0] : f32 from vector<1xf32>
      %scan3A_146 = arith.constant 0 : i32
      %scan3A_147 = arith.constant 0 : i32
      %scan3A_148 = arith.constant 64 : i32
      %scan3A_149 = arith.addi %scan3A_147, %scan3A_148 : i32
      %scan3A_150 = arith.constant 1 : i32
      scf.for %scan3A_193 = %scan3A_147 to %scan3A_149 step %scan3A_150  : i32 {
        %mul3A_194 = arith.constant 16 : i32
        %mul3A_195 = arith.muli %scan3A_193, %mul3A_194 : i32
        %get3A_196 = arith.constant 11 : i32
        %get3A_197 = arith.index_cast %get3A_196 : i32 to index
        %get3A_198 = arith.index_cast %mul3A_195 : i32 to index
        %get3A_199 = tpu.vector_load %arg13[%get3A_197, %get3A_198] {strides = array<i32>} : memref<16x1024xf32, #tpu.memory_space<vmem>>, vector<1x16xf32>,
        %get3A_200 = vector.shape_cast %get3A_199 : vector<1x16xf32> to vector<16xf32>
        %get3A_201 = arith.constant 11 : i32
        %get3A_202 = arith.index_cast %get3A_201 : i32 to index
        %get3A_203 = arith.index_cast %mul3A_195 : i32 to index
        %get3A_204 = tpu.vector_load %arg11[%get3A_202, %get3A_203] {strides = array<i32>} : memref<16x1024xf32, #tpu.memory_space<vmem>>, vector<1x16xf32>,
        %get3A_205 = vector.shape_cast %get3A_204 : vector<1x16xf32> to vector<16xf32>
        %mul3A_206 = vector.broadcast %squeeze3A_143 : f32 to vector<16xf32>
        %mul3A_207 = arith.mulf %mul3A_206, %get3A_205 : vector<16xf32>
        %add3A_208 = arith.addf %get3A_200, %mul3A_207 : vector<16xf32>
        %get3A_209 = arith.constant 11 : i32
        %get3A_210 = arith.index_cast %get3A_209 : i32 to index
        %get3A_211 = arith.index_cast %mul3A_195 : i32 to index
        %get3A_212 = tpu.vector_load %arg12[%get3A_210, %get3A_211] {strides = array<i32>} : memref<16x1024xf32, #tpu.memory_space<vmem>>, vector<1x16xf32>,
        %get3A_213 = vector.shape_cast %get3A_212 : vector<1x16xf32> to vector<16xf32>
        %mul3A_214 = vector.broadcast %squeeze3A_145 : f32 to vector<16xf32>
        %mul3A_215 = arith.mulf %mul3A_214, %get3A_213 : vector<16xf32>
        %add3A_216 = arith.addf %add3A_208, %mul3A_215 : vector<16xf32>
        %swap3A = arith.constant 11 : i32
        %swap3A_217 = arith.index_cast %swap3A : i32 to index
        %swap3A_218 = arith.index_cast %mul3A_195 : i32 to index
        %swap3A_219 = tpu.vector_load %arg13[%swap3A_217, %swap3A_218] {strides = array<i32>} : memref<16x1024xf32, #tpu.memory_space<vmem>>, vector<1x16xf32>,
        %swap3A_220 = vector.shape_cast %swap3A_219 : vector<1x16xf32> to vector<16xf32>
        %swap3A_221 = vector.shape_cast %add3A_216 : vector<16xf32> to vector<1x16xf32>
        tpu.vector_store %arg13[%swap3A_217, %swap3A_218], %swap3A_221 {strides = array<i32>} : memref<16x1024xf32, #tpu.memory_space<vmem>>, vector<1x16xf32>,
      }
      %scan3A_151 = arith.constant 64 : i32
      %slice3A_152 = vector.extract_strided_slice %get3A_30 {offsets = [12], sizes = [1], strides = [1]} : vector<16xf32> to vector<1xf32>
      %squeeze3A_153 = vector.extract %slice3A_152[0] : f32 from vector<1xf32>
      %slice3A_154 = vector.extract_strided_slice %get3A_33 {offsets = [12], sizes = [1], strides = [1]} : vector<16xf32> to vector<1xf32>
      %squeeze3A_155 = vector.extract %slice3A_154[0] : f32 from vector<1xf32>
      %scan3A_156 = arith.constant 0 : i32
      %scan3A_157 = arith.constant 0 : i32
      %scan3A_158 = arith.constant 64 : i32
      %scan3A_159 = arith.addi %scan3A_157, %scan3A_158 : i32
      %scan3A_160 = arith.constant 1 : i32
      scf.for %scan3A_193 = %scan3A_157 to %scan3A_159 step %scan3A_160  : i32 {
        %mul3A_194 = arith.constant 16 : i32
        %mul3A_195 = arith.muli %scan3A_193, %mul3A_194 : i32
        %get3A_196 = arith.constant 12 : i32
        %get3A_197 = arith.index_cast %get3A_196 : i32 to index
        %get3A_198 = arith.index_cast %mul3A_195 : i32 to index
        %get3A_199 = tpu.vector_load %arg13[%get3A_197, %get3A_198] {strides = array<i32>} : memref<16x1024xf32, #tpu.memory_space<vmem>>, vector<1x16xf32>,
        %get3A_200 = vector.shape_cast %get3A_199 : vector<1x16xf32> to vector<16xf32>
        %get3A_201 = arith.constant 12 : i32
        %get3A_202 = arith.index_cast %get3A_201 : i32 to index
        %get3A_203 = arith.index_cast %mul3A_195 : i32 to index
        %get3A_204 = tpu.vector_load %arg11[%get3A_202, %get3A_203] {strides = array<i32>} : memref<16x1024xf32, #tpu.memory_space<vmem>>, vector<1x16xf32>,
        %get3A_205 = vector.shape_cast %get3A_204 : vector<1x16xf32> to vector<16xf32>
        %mul3A_206 = vector.broadcast %squeeze3A_153 : f32 to vector<16xf32>
        %mul3A_207 = arith.mulf %mul3A_206, %get3A_205 : vector<16xf32>
        %add3A_208 = arith.addf %get3A_200, %mul3A_207 : vector<16xf32>
        %get3A_209 = arith.constant 12 : i32
        %get3A_210 = arith.index_cast %get3A_209 : i32 to index
        %get3A_211 = arith.index_cast %mul3A_195 : i32 to index
        %get3A_212 = tpu.vector_load %arg12[%get3A_210, %get3A_211] {strides = array<i32>} : memref<16x1024xf32, #tpu.memory_space<vmem>>, vector<1x16xf32>,
        %get3A_213 = vector.shape_cast %get3A_212 : vector<1x16xf32> to vector<16xf32>
        %mul3A_214 = vector.broadcast %squeeze3A_155 : f32 to vector<16xf32>
        %mul3A_215 = arith.mulf %mul3A_214, %get3A_213 : vector<16xf32>
        %add3A_216 = arith.addf %add3A_208, %mul3A_215 : vector<16xf32>
        %swap3A = arith.constant 12 : i32
        %swap3A_217 = arith.index_cast %swap3A : i32 to index
        %swap3A_218 = arith.index_cast %mul3A_195 : i32 to index
        %swap3A_219 = tpu.vector_load %arg13[%swap3A_217, %swap3A_218] {strides = array<i32>} : memref<16x1024xf32, #tpu.memory_space<vmem>>, vector<1x16xf32>,
        %swap3A_220 = vector.shape_cast %swap3A_219 : vector<1x16xf32> to vector<16xf32>
        %swap3A_221 = vector.shape_cast %add3A_216 : vector<16xf32> to vector<1x16xf32>
        tpu.vector_store %arg13[%swap3A_217, %swap3A_218], %swap3A_221 {strides = array<i32>} : memref<16x1024xf32, #tpu.memory_space<vmem>>, vector<1x16xf32>,
      }
      %scan3A_161 = arith.constant 64 : i32
      %slice3A_162 = vector.extract_strided_slice %get3A_30 {offsets = [13], sizes = [1], strides = [1]} : vector<16xf32> to vector<1xf32>
      %squeeze3A_163 = vector.extract %slice3A_162[0] : f32 from vector<1xf32>
      %slice3A_164 = vector.extract_strided_slice %get3A_33 {offsets = [13], sizes = [1], strides = [1]} : vector<16xf32> to vector<1xf32>
      %squeeze3A_165 = vector.extract %slice3A_164[0] : f32 from vector<1xf32>
      %scan3A_166 = arith.constant 0 : i32
      %scan3A_167 = arith.constant 0 : i32
      %scan3A_168 = arith.constant 64 : i32
      %scan3A_169 = arith.addi %scan3A_167, %scan3A_168 : i32
      %scan3A_170 = arith.constant 1 : i32
      scf.for %scan3A_193 = %scan3A_167 to %scan3A_169 step %scan3A_170  : i32 {
        %mul3A_194 = arith.constant 16 : i32
        %mul3A_195 = arith.muli %scan3A_193, %mul3A_194 : i32
        %get3A_196 = arith.constant 13 : i32
        %get3A_197 = arith.index_cast %get3A_196 : i32 to index
        %get3A_198 = arith.index_cast %mul3A_195 : i32 to index
        %get3A_199 = tpu.vector_load %arg13[%get3A_197, %get3A_198] {strides = array<i32>} : memref<16x1024xf32, #tpu.memory_space<vmem>>, vector<1x16xf32>,
        %get3A_200 = vector.shape_cast %get3A_199 : vector<1x16xf32> to vector<16xf32>
        %get3A_201 = arith.constant 13 : i32
        %get3A_202 = arith.index_cast %get3A_201 : i32 to index
        %get3A_203 = arith.index_cast %mul3A_195 : i32 to index
        %get3A_204 = tpu.vector_load %arg11[%get3A_202, %get3A_203] {strides = array<i32>} : memref<16x1024xf32, #tpu.memory_space<vmem>>, vector<1x16xf32>,
        %get3A_205 = vector.shape_cast %get3A_204 : vector<1x16xf32> to vector<16xf32>
        %mul3A_206 = vector.broadcast %squeeze3A_163 : f32 to vector<16xf32>
        %mul3A_207 = arith.mulf %mul3A_206, %get3A_205 : vector<16xf32>
        %add3A_208 = arith.addf %get3A_200, %mul3A_207 : vector<16xf32>
        %get3A_209 = arith.constant 13 : i32
        %get3A_210 = arith.index_cast %get3A_209 : i32 to index
        %get3A_211 = arith.index_cast %mul3A_195 : i32 to index
        %get3A_212 = tpu.vector_load %arg12[%get3A_210, %get3A_211] {strides = array<i32>} : memref<16x1024xf32, #tpu.memory_space<vmem>>, vector<1x16xf32>,
        %get3A_213 = vector.shape_cast %get3A_212 : vector<1x16xf32> to vector<16xf32>
        %mul3A_214 = vector.broadcast %squeeze3A_165 : f32 to vector<16xf32>
        %mul3A_215 = arith.mulf %mul3A_214, %get3A_213 : vector<16xf32>
        %add3A_216 = arith.addf %add3A_208, %mul3A_215 : vector<16xf32>
        %swap3A = arith.constant 13 : i32
        %swap3A_217 = arith.index_cast %swap3A : i32 to index
        %swap3A_218 = arith.index_cast %mul3A_195 : i32 to index
        %swap3A_219 = tpu.vector_load %arg13[%swap3A_217, %swap3A_218] {strides = array<i32>} : memref<16x1024xf32, #tpu.memory_space<vmem>>, vector<1x16xf32>,
        %swap3A_220 = vector.shape_cast %swap3A_219 : vector<1x16xf32> to vector<16xf32>
        %swap3A_221 = vector.shape_cast %add3A_216 : vector<16xf32> to vector<1x16xf32>
        tpu.vector_store %arg13[%swap3A_217, %swap3A_218], %swap3A_221 {strides = array<i32>} : memref<16x1024xf32, #tpu.memory_space<vmem>>, vector<1x16xf32>,
      }
      %scan3A_171 = arith.constant 64 : i32
      %slice3A_172 = vector.extract_strided_slice %get3A_30 {offsets = [14], sizes = [1], strides = [1]} : vector<16xf32> to vector<1xf32>
      %squeeze3A_173 = vector.extract %slice3A_172[0] : f32 from vector<1xf32>
      %slice3A_174 = vector.extract_strided_slice %get3A_33 {offsets = [14], sizes = [1], strides = [1]} : vector<16xf32> to vector<1xf32>
      %squeeze3A_175 = vector.extract %slice3A_174[0] : f32 from vector<1xf32>
      %scan3A_176 = arith.constant 0 : i32
      %scan3A_177 = arith.constant 0 : i32
      %scan3A_178 = arith.constant 64 : i32
      %scan3A_179 = arith.addi %scan3A_177, %scan3A_178 : i32
      %scan3A_180 = arith.constant 1 : i32
      scf.for %scan3A_193 = %scan3A_177 to %scan3A_179 step %scan3A_180  : i32 {
        %mul3A_194 = arith.constant 16 : i32
        %mul3A_195 = arith.muli %scan3A_193, %mul3A_194 : i32
        %get3A_196 = arith.constant 14 : i32
        %get3A_197 = arith.index_cast %get3A_196 : i32 to index
        %get3A_198 = arith.index_cast %mul3A_195 : i32 to index
        %get3A_199 = tpu.vector_load %arg13[%get3A_197, %get3A_198] {strides = array<i32>} : memref<16x1024xf32, #tpu.memory_space<vmem>>, vector<1x16xf32>,
        %get3A_200 = vector.shape_cast %get3A_199 : vector<1x16xf32> to vector<16xf32>
        %get3A_201 = arith.constant 14 : i32
        %get3A_202 = arith.index_cast %get3A_201 : i32 to index
        %get3A_203 = arith.index_cast %mul3A_195 : i32 to index
        %get3A_204 = tpu.vector_load %arg11[%get3A_202, %get3A_203] {strides = array<i32>} : memref<16x1024xf32, #tpu.memory_space<vmem>>, vector<1x16xf32>,
        %get3A_205 = vector.shape_cast %get3A_204 : vector<1x16xf32> to vector<16xf32>
        %mul3A_206 = vector.broadcast %squeeze3A_173 : f32 to vector<16xf32>
        %mul3A_207 = arith.mulf %mul3A_206, %get3A_205 : vector<16xf32>
        %add3A_208 = arith.addf %get3A_200, %mul3A_207 : vector<16xf32>
        %get3A_209 = arith.constant 14 : i32
        %get3A_210 = arith.index_cast %get3A_209 : i32 to index
        %get3A_211 = arith.index_cast %mul3A_195 : i32 to index
        %get3A_212 = tpu.vector_load %arg12[%get3A_210, %get3A_211] {strides = array<i32>} : memref<16x1024xf32, #tpu.memory_space<vmem>>, vector<1x16xf32>,
        %get3A_213 = vector.shape_cast %get3A_212 : vector<1x16xf32> to vector<16xf32>
        %mul3A_214 = vector.broadcast %squeeze3A_175 : f32 to vector<16xf32>
        %mul3A_215 = arith.mulf %mul3A_214, %get3A_213 : vector<16xf32>
        %add3A_216 = arith.addf %add3A_208, %mul3A_215 : vector<16xf32>
        %swap3A = arith.constant 14 : i32
        %swap3A_217 = arith.index_cast %swap3A : i32 to index
        %swap3A_218 = arith.index_cast %mul3A_195 : i32 to index
        %swap3A_219 = tpu.vector_load %arg13[%swap3A_217, %swap3A_218] {strides = array<i32>} : memref<16x1024xf32, #tpu.memory_space<vmem>>, vector<1x16xf32>,
        %swap3A_220 = vector.shape_cast %swap3A_219 : vector<1x16xf32> to vector<16xf32>
        %swap3A_221 = vector.shape_cast %add3A_216 : vector<16xf32> to vector<1x16xf32>
        tpu.vector_store %arg13[%swap3A_217, %swap3A_218], %swap3A_221 {strides = array<i32>} : memref<16x1024xf32, #tpu.memory_space<vmem>>, vector<1x16xf32>,
      }
      %scan3A_181 = arith.constant 64 : i32
      %slice3A_182 = vector.extract_strided_slice %get3A_30 {offsets = [15], sizes = [1], strides = [1]} : vector<16xf32> to vector<1xf32>
      %squeeze3A_183 = vector.extract %slice3A_182[0] : f32 from vector<1xf32>
      %slice3A_184 = vector.extract_strided_slice %get3A_33 {offsets = [15], sizes = [1], strides = [1]} : vector<16xf32> to vector<1xf32>
      %squeeze3A_185 = vector.extract %slice3A_184[0] : f32 from vector<1xf32>
      %scan3A_186 = arith.constant 0 : i32
      %scan3A_187 = arith.constant 0 : i32
      %scan3A_188 = arith.constant 64 : i32
      %scan3A_189 = arith.addi %scan3A_187, %scan3A_188 : i32
      %scan3A_190 = arith.constant 1 : i32
      scf.for %scan3A_193 = %scan3A_187 to %scan3A_189 step %scan3A_190  : i32 {
        %mul3A_194 = arith.constant 16 : i32
        %mul3A_195 = arith.muli %scan3A_193, %mul3A_194 : i32
        %get3A_196 = arith.constant 15 : i32
        %get3A_197 = arith.index_cast %get3A_196 : i32 to index
        %get3A_198 = arith.index_cast %mul3A_195 : i32 to index
        %get3A_199 = tpu.vector_load %arg13[%get3A_197, %get3A_198] {strides = array<i32>} : memref<16x1024xf32, #tpu.memory_space<vmem>>, vector<1x16xf32>,
        %get3A_200 = vector.shape_cast %get3A_199 : vector<1x16xf32> to vector<16xf32>
        %get3A_201 = arith.constant 15 : i32
        %get3A_202 = arith.index_cast %get3A_201 : i32 to index
        %get3A_203 = arith.index_cast %mul3A_195 : i32 to index
        %get3A_204 = tpu.vector_load %arg11[%get3A_202, %get3A_203] {strides = array<i32>} : memref<16x1024xf32, #tpu.memory_space<vmem>>, vector<1x16xf32>,
        %get3A_205 = vector.shape_cast %get3A_204 : vector<1x16xf32> to vector<16xf32>
        %mul3A_206 = vector.broadcast %squeeze3A_183 : f32 to vector<16xf32>
        %mul3A_207 = arith.mulf %mul3A_206, %get3A_205 : vector<16xf32>
        %add3A_208 = arith.addf %get3A_200, %mul3A_207 : vector<16xf32>
        %get3A_209 = arith.constant 15 : i32
        %get3A_210 = arith.index_cast %get3A_209 : i32 to index
        %get3A_211 = arith.index_cast %mul3A_195 : i32 to index
        %get3A_212 = tpu.vector_load %arg12[%get3A_210, %get3A_211] {strides = array<i32>} : memref<16x1024xf32, #tpu.memory_space<vmem>>, vector<1x16xf32>,
        %get3A_213 = vector.shape_cast %get3A_212 : vector<1x16xf32> to vector<16xf32>
        %mul3A_214 = vector.broadcast %squeeze3A_185 : f32 to vector<16xf32>
        %mul3A_215 = arith.mulf %mul3A_214, %get3A_213 : vector<16xf32>
        %add3A_216 = arith.addf %add3A_208, %mul3A_215 : vector<16xf32>
        %swap3A = arith.constant 15 : i32
        %swap3A_217 = arith.index_cast %swap3A : i32 to index
        %swap3A_218 = arith.index_cast %mul3A_195 : i32 to index
        %swap3A_219 = tpu.vector_load %arg13[%swap3A_217, %swap3A_218] {strides = array<i32>} : memref<16x1024xf32, #tpu.memory_space<vmem>>, vector<1x16xf32>,
        %swap3A_220 = vector.shape_cast %swap3A_219 : vector<1x16xf32> to vector<16xf32>
        %swap3A_221 = vector.shape_cast %add3A_216 : vector<16xf32> to vector<1x16xf32>
        tpu.vector_store %arg13[%swap3A_217, %swap3A_218], %swap3A_221 {strides = array<i32>} : memref<16x1024xf32, #tpu.memory_space<vmem>>, vector<1x16xf32>,
      }
      %scan3A_191 = arith.constant 64 : i32
      %add3A_192 = arith.addi %mul3A_2, %mul3A_13 : i32
      "tpu.region"() ({
        %run_scoped3A_193 = tpu.sem_alloc : memref<!tpu.dma_semaphore, #tpu.memory_space<semaphore_mem>>
        %dma_start3A_194 = arith.constant 0 : i32
        %dma_start3A_195 = tpu.memref_slice %arg6[%add3A_192, %dma_start3A_194] : memref<2048x1024xf32, #tpu.memory_space<hbm>> -> memref<16x1024xf32, #tpu.memory_space<hbm>>
        %dma_start3A_196 = arith.constant 0 : i32
        %dma_start3A_197 = tpu.memref_slice %arg6[%add3A_192, %dma_start3A_196] : memref<2048x1024xf32, #tpu.memory_space<hbm>> -> memref<16x1024xf32, #tpu.memory_space<hbm>>
        tpu.enqueue_dma source(%arg13 : memref<16x1024xf32, #tpu.memory_space<vmem>>) target(%dma_start3A_197 : memref<16x1024xf32, #tpu.memory_space<hbm>>) target_semaphore(%run_scoped3A_193 : memref<!tpu.dma_semaphore, #tpu.memory_space<semaphore_mem>>)
        %dma_wait3A_198 = arith.constant 0 : i32
        %dma_wait3A_199 = tpu.memref_slice %arg6[%add3A_192, %dma_wait3A_198] : memref<2048x1024xf32, #tpu.memory_space<hbm>> -> memref<16x1024xf32, #tpu.memory_space<hbm>>
        %dma_wait3A_200 = arith.constant 0 : i32
        %dma_wait3A_201 = tpu.memref_slice %arg6[%add3A_192, %dma_wait3A_200] : memref<2048x1024xf32, #tpu.memory_space<hbm>> -> memref<16x1024xf32, #tpu.memory_space<hbm>>
        tpu.wait_dma2 semaphore(%run_scoped3A_193 : memref<!tpu.dma_semaphore, #tpu.memory_space<semaphore_mem>>) src(%arg13 : memref<16x1024xf32, #tpu.memory_space<vmem>>) dst(%dma_wait3A_201 : memref<16x1024xf32, #tpu.memory_space<hbm>>)
        tpu.yield
      }) : () -> ()
    }
    %scan3A_10 = arith.constant 4 : i32
    return
  }
}

#map = affine_map<(d0, d1) -> (0, 0)>
module attributes {stable_mosaic.version = 14 : i64} {
  func.func @disp(%arg0: i32, %arg1: i32, %arg2: memref<2048x1024xf32, #tpu.memory_space<hbm>>, %arg3: memref<2x2048xi32, #tpu.memory_space<hbm>>, %arg4: memref<6144x1024xf32, #tpu.memory_space<hbm>>, %arg5: memref<64xi32, #tpu.memory_space<vmem>>, %arg6: memref<64xi32, #tpu.memory_space<vmem>>, %arg7: memref<64x1024xf32, #tpu.memory_space<vmem>>, %arg8: memref<!tpu.dma_semaphore, #tpu.memory_space<semaphore_mem>>, %arg9: memref<!tpu.dma_semaphore, #tpu.memory_space<semaphore_mem>>) attributes {dimension_semantics = [#tpu.dimension_semantics<core_parallel>, #tpu.dimension_semantics<subcore_parallel>], iteration_bounds = array<i64: 2, 16>, scalar_prefetch = 0 : i64, scratch_operands = 5 : i64, tpu.core_type = #tpu.core_type<sc_vector_subcore>, window_params = [{transform_indices = #map}, {transform_indices = #map}, {transform_indices = #map}]} {
    %mul3A = arith.constant 2 : i32
    %mul3A_0 = arith.muli %arg1, %mul3A : i32
    %add3A = arith.addi %mul3A_0, %arg0 : i32
    %mul3A_1 = arith.constant 64 : i32
    %mul3A_2 = arith.muli %add3A, %mul3A_1 : i32
    %run_scoped3A = arith.constant 0 : i32
    "tpu.region"() ({
      %run_scoped3A_14 = tpu.sem_alloc : memref<!tpu.dma_semaphore, #tpu.memory_space<semaphore_mem>>
      %dma_start3A_15 = tpu.memref_slice %arg3[%run_scoped3A, %mul3A_2] : memref<2x2048xi32, #tpu.memory_space<hbm>> -> memref<1x64xi32, #tpu.memory_space<hbm>>
      %dma_start3A_16 = tpu.memref_squeeze %dma_start3A_15 : memref<1x64xi32, #tpu.memory_space<hbm>> -> memref<64xi32, #tpu.memory_space<hbm>>
      %dma_start3A_17 = tpu.memref_slice %arg3[%run_scoped3A, %mul3A_2] : memref<2x2048xi32, #tpu.memory_space<hbm>> -> memref<1x64xi32, #tpu.memory_space<hbm>>
      %dma_start3A_18 = tpu.memref_squeeze %dma_start3A_17 : memref<1x64xi32, #tpu.memory_space<hbm>> -> memref<64xi32, #tpu.memory_space<hbm>>
      tpu.enqueue_dma source(%dma_start3A_18 : memref<64xi32, #tpu.memory_space<hbm>>) target(%arg5 : memref<64xi32, #tpu.memory_space<vmem>>) target_semaphore(%run_scoped3A_14 : memref<!tpu.dma_semaphore, #tpu.memory_space<semaphore_mem>>)
      %dma_wait3A_19 = tpu.memref_slice %arg3[%run_scoped3A, %mul3A_2] : memref<2x2048xi32, #tpu.memory_space<hbm>> -> memref<1x64xi32, #tpu.memory_space<hbm>>
      %dma_wait3A_20 = tpu.memref_squeeze %dma_wait3A_19 : memref<1x64xi32, #tpu.memory_space<hbm>> -> memref<64xi32, #tpu.memory_space<hbm>>
      %dma_wait3A_21 = tpu.memref_slice %arg3[%run_scoped3A, %mul3A_2] : memref<2x2048xi32, #tpu.memory_space<hbm>> -> memref<1x64xi32, #tpu.memory_space<hbm>>
      %dma_wait3A_22 = tpu.memref_squeeze %dma_wait3A_21 : memref<1x64xi32, #tpu.memory_space<hbm>> -> memref<64xi32, #tpu.memory_space<hbm>>
      tpu.wait_dma2 semaphore(%run_scoped3A_14 : memref<!tpu.dma_semaphore, #tpu.memory_space<semaphore_mem>>) src(%dma_wait3A_22 : memref<64xi32, #tpu.memory_space<hbm>>) dst(%arg5 : memref<64xi32, #tpu.memory_space<vmem>>)
      tpu.yield
    }) : () -> ()
    %run_scoped3A_3 = arith.constant 1 : i32
    "tpu.region"() ({
      %run_scoped3A_14 = tpu.sem_alloc : memref<!tpu.dma_semaphore, #tpu.memory_space<semaphore_mem>>
      %dma_start3A_15 = tpu.memref_slice %arg3[%run_scoped3A_3, %mul3A_2] : memref<2x2048xi32, #tpu.memory_space<hbm>> -> memref<1x64xi32, #tpu.memory_space<hbm>>
      %dma_start3A_16 = tpu.memref_squeeze %dma_start3A_15 : memref<1x64xi32, #tpu.memory_space<hbm>> -> memref<64xi32, #tpu.memory_space<hbm>>
      %dma_start3A_17 = tpu.memref_slice %arg3[%run_scoped3A_3, %mul3A_2] : memref<2x2048xi32, #tpu.memory_space<hbm>> -> memref<1x64xi32, #tpu.memory_space<hbm>>
      %dma_start3A_18 = tpu.memref_squeeze %dma_start3A_17 : memref<1x64xi32, #tpu.memory_space<hbm>> -> memref<64xi32, #tpu.memory_space<hbm>>
      tpu.enqueue_dma source(%dma_start3A_18 : memref<64xi32, #tpu.memory_space<hbm>>) target(%arg6 : memref<64xi32, #tpu.memory_space<vmem>>) target_semaphore(%run_scoped3A_14 : memref<!tpu.dma_semaphore, #tpu.memory_space<semaphore_mem>>)
      %dma_wait3A_19 = tpu.memref_slice %arg3[%run_scoped3A_3, %mul3A_2] : memref<2x2048xi32, #tpu.memory_space<hbm>> -> memref<1x64xi32, #tpu.memory_space<hbm>>
      %dma_wait3A_20 = tpu.memref_squeeze %dma_wait3A_19 : memref<1x64xi32, #tpu.memory_space<hbm>> -> memref<64xi32, #tpu.memory_space<hbm>>
      %dma_wait3A_21 = tpu.memref_slice %arg3[%run_scoped3A_3, %mul3A_2] : memref<2x2048xi32, #tpu.memory_space<hbm>> -> memref<1x64xi32, #tpu.memory_space<hbm>>
      %dma_wait3A_22 = tpu.memref_squeeze %dma_wait3A_21 : memref<1x64xi32, #tpu.memory_space<hbm>> -> memref<64xi32, #tpu.memory_space<hbm>>
      tpu.wait_dma2 semaphore(%run_scoped3A_14 : memref<!tpu.dma_semaphore, #tpu.memory_space<semaphore_mem>>) src(%dma_wait3A_22 : memref<64xi32, #tpu.memory_space<hbm>>) dst(%arg6 : memref<64xi32, #tpu.memory_space<vmem>>)
      tpu.yield
    }) : () -> ()
    "tpu.region"() ({
      %run_scoped3A_14 = tpu.sem_alloc : memref<!tpu.dma_semaphore, #tpu.memory_space<semaphore_mem>>
      %dma_start3A_15 = arith.constant 0 : i32
      %dma_start3A_16 = tpu.memref_slice %arg2[%mul3A_2, %dma_start3A_15] : memref<2048x1024xf32, #tpu.memory_space<hbm>> -> memref<64x1024xf32, #tpu.memory_space<hbm>>
      %dma_start3A_17 = arith.constant 0 : i32
      %dma_start3A_18 = tpu.memref_slice %arg2[%mul3A_2, %dma_start3A_17] : memref<2048x1024xf32, #tpu.memory_space<hbm>> -> memref<64x1024xf32, #tpu.memory_space<hbm>>
      tpu.enqueue_dma source(%dma_start3A_18 : memref<64x1024xf32, #tpu.memory_space<hbm>>) target(%arg7 : memref<64x1024xf32, #tpu.memory_space<vmem>>) target_semaphore(%run_scoped3A_14 : memref<!tpu.dma_semaphore, #tpu.memory_space<semaphore_mem>>)
      %dma_wait3A_19 = arith.constant 0 : i32
      %dma_wait3A_20 = tpu.memref_slice %arg2[%mul3A_2, %dma_wait3A_19] : memref<2048x1024xf32, #tpu.memory_space<hbm>> -> memref<64x1024xf32, #tpu.memory_space<hbm>>
      %dma_wait3A_21 = arith.constant 0 : i32
      %dma_wait3A_22 = tpu.memref_slice %arg2[%mul3A_2, %dma_wait3A_21] : memref<2048x1024xf32, #tpu.memory_space<hbm>> -> memref<64x1024xf32, #tpu.memory_space<hbm>>
      tpu.wait_dma2 semaphore(%run_scoped3A_14 : memref<!tpu.dma_semaphore, #tpu.memory_space<semaphore_mem>>) src(%dma_wait3A_22 : memref<64x1024xf32, #tpu.memory_space<hbm>>) dst(%arg7 : memref<64x1024xf32, #tpu.memory_space<vmem>>)
      tpu.yield
    }) : () -> ()
    %dma_start3A = arith.constant 0 : i32
    %dma_start3A_4 = arith.constant 0 : i32
    %dma_start3A_5 = tpu.memref_slice %arg4[%dma_start3A, %dma_start3A_4] : memref<6144x1024xf32, #tpu.memory_space<hbm>> -> memref<6144x1024xf32, #tpu.memory_space<hbm>>
    tpu.enqueue_indirect_dma source(%arg7 : memref<64x1024xf32, #tpu.memory_space<vmem>>) target(%dma_start3A_5 : memref<6144x1024xf32, #tpu.memory_space<hbm>>) offsets(%arg5 : memref<64xi32, #tpu.memory_space<vmem>>) semaphore(%arg8 : memref<!tpu.dma_semaphore, #tpu.memory_space<semaphore_mem>>)
    %dma_start3A_6 = arith.constant 0 : i32
    %dma_start3A_7 = arith.constant 0 : i32
    %dma_start3A_8 = tpu.memref_slice %arg4[%dma_start3A_6, %dma_start3A_7] : memref<6144x1024xf32, #tpu.memory_space<hbm>> -> memref<6144x1024xf32, #tpu.memory_space<hbm>>
    tpu.enqueue_indirect_dma source(%arg7 : memref<64x1024xf32, #tpu.memory_space<vmem>>) target(%dma_start3A_8 : memref<6144x1024xf32, #tpu.memory_space<hbm>>) offsets(%arg6 : memref<64xi32, #tpu.memory_space<vmem>>) semaphore(%arg9 : memref<!tpu.dma_semaphore, #tpu.memory_space<semaphore_mem>>)
    %dma_wait3A = arith.constant 0 : i32
    %dma_wait3A_9 = arith.constant 0 : i32
    %dma_wait3A_10 = tpu.memref_slice %arg4[%dma_wait3A, %dma_wait3A_9] : memref<6144x1024xf32, #tpu.memory_space<hbm>> -> memref<6144x1024xf32, #tpu.memory_space<hbm>>
    tpu.wait_indirect_dma semaphore(%arg8 : memref<!tpu.dma_semaphore, #tpu.memory_space<semaphore_mem>>) src(%arg7 : memref<64x1024xf32, #tpu.memory_space<vmem>>) dst(%dma_wait3A_10 : memref<6144x1024xf32, #tpu.memory_space<hbm>>)
    %dma_wait3A_11 = arith.constant 0 : i32
    %dma_wait3A_12 = arith.constant 0 : i32
    %dma_wait3A_13 = tpu.memref_slice %arg4[%dma_wait3A_11, %dma_wait3A_12] : memref<6144x1024xf32, #tpu.memory_space<hbm>> -> memref<6144x1024xf32, #tpu.memory_space<hbm>>
    tpu.wait_indirect_dma semaphore(%arg9 : memref<!tpu.dma_semaphore, #tpu.memory_space<semaphore_mem>>) src(%arg7 : memref<64x1024xf32, #tpu.memory_space<vmem>>) dst(%dma_wait3A_13 : memref<6144x1024xf32, #tpu.memory_space<hbm>>)
    return
  }
}

module attributes {stable_mosaic.version = 14 : i64} {
  func.func @_kr_body(%arg0: i32, %arg1: memref<2048x8xf32, #tpu.memory_space<vmem>>, %arg2: memref<1x8xf32, #tpu.memory_space<vmem>>, %arg3: memref<2x2048xi32, #tpu.memory_space<vmem>>, %arg4: memref<2x2048xf32, #tpu.memory_space<vmem>>, %arg5: memref<1x8xi32, #tpu.memory_space<vmem>>) attributes {dimension_semantics = [#tpu.dimension_semantics<arbitrary>], iteration_bounds = array<i64: 1>, scalar_prefetch = 0 : i64, scratch_operands = 0 : i64, tpu.core_type = #tpu.core_type<tc>, window_params = [{pipeline_mode = #tpu.pipeline_mode<synchronous>, transform_indices = @transform_0, window_bounds = array<i64: 2048, 8>}, {pipeline_mode = #tpu.pipeline_mode<synchronous>, transform_indices = @transform_1, window_bounds = array<i64: 1, 8>}, {pipeline_mode = #tpu.pipeline_mode<synchronous>, transform_indices = @transform_2, window_bounds = array<i64: 2, 2048>}, {pipeline_mode = #tpu.pipeline_mode<synchronous>, transform_indices = @transform_3, window_bounds = array<i64: 2, 2048>}, {pipeline_mode = #tpu.pipeline_mode<synchronous>, transform_indices = @transform_4, window_bounds = array<i64: 1, 8>}]} {
    %get3A = arith.constant 0 : index
    %get3A_0 = arith.constant 0 : index
    %get3A_1 = vector.load %arg1[%get3A, %get3A_0] : memref<2048x8xf32, #tpu.memory_space<vmem>>, vector<2048x8xf32>
    %get3A_2 = arith.constant 0 : index
    %get3A_3 = arith.constant 0 : index
    %get3A_4 = vector.load %arg2[%get3A_2, %get3A_3] : memref<1x8xf32, #tpu.memory_space<vmem>>, vector<1x8xf32>
    %add3A = vector.broadcast %get3A_4 : vector<1x8xf32> to vector<2048x8xf32>
    %add3A_5 = arith.addf %get3A_1, %add3A : vector<2048x8xf32>
    %iota3A = tpu.iota {dimensions = array<i32: 0>} : vector<8x4xi32>
    %jit3A = arith.constant 2 : i32
    %div3A = vector.broadcast %jit3A : i32 to vector<8x4xi32>
    %div3A_6 = arith.divsi %iota3A, %div3A : vector<8x4xi32>
    %sign3A = arith.constant 0 : i32
    %sign3A_7 = vector.broadcast %sign3A : i32 to vector<8x4xi32>
    %sign3A_8 = arith.cmpi sgt, %iota3A, %sign3A_7 : vector<8x4xi32>
    %sign3A_9 = arith.extui %sign3A_8 : vector<8x4xi1> to vector<8x4xi32>
    %sign3A_10 = arith.constant 0 : i32
    %sign3A_11 = vector.broadcast %sign3A_10 : i32 to vector<8x4xi32>
    %sign3A_12 = arith.cmpi slt, %iota3A, %sign3A_11 : vector<8x4xi32>
    %sign3A_13 = arith.extui %sign3A_12 : vector<8x4xi1> to vector<8x4xi32>
    %sign3A_14 = arith.subi %sign3A_9, %sign3A_13 : vector<8x4xi32>
    %sign3A_15 = arith.constant 0 : i32
    %sign3A_16 = arith.cmpi sgt, %jit3A, %sign3A_15 : i32
    %sign3A_17 = arith.extui %sign3A_16 : i1 to i32
    %sign3A_18 = arith.constant 0 : i32
    %sign3A_19 = arith.cmpi slt, %jit3A, %sign3A_18 : i32
    %sign3A_20 = arith.extui %sign3A_19 : i1 to i32
    %sign3A_21 = arith.subi %sign3A_17, %sign3A_20 : i32
    %ne3A = vector.broadcast %sign3A_21 : i32 to vector<8x4xi32>
    %ne3A_22 = arith.cmpi ne, %sign3A_14, %ne3A : vector<8x4xi32>
    %rem3A = vector.broadcast %jit3A : i32 to vector<8x4xi32>
    %rem3A_23 = arith.remsi %iota3A, %rem3A : vector<8x4xi32>
    %ne3A_24 = arith.constant 0 : i32
    %ne3A_25 = vector.broadcast %ne3A_24 : i32 to vector<8x4xi32>
    %ne3A_26 = arith.cmpi ne, %rem3A_23, %ne3A_25 : vector<8x4xi32>
    %and3A = arith.andi %ne3A_22, %ne3A_26 : vector<8x4xi1>
    %sub3A = arith.constant 1 : i32
    %sub3A_27 = vector.broadcast %sub3A : i32 to vector<8x4xi32>
    %sub3A_28 = arith.subi %div3A_6, %sub3A_27 : vector<8x4xi32>
    %select_n3A = arith.select %and3A, %sub3A_28, %div3A_6 : vector<8x4xi1>, vector<8x4xi32>
    %iota3A_29 = tpu.iota {dimensions = array<i32: 1>} : vector<8x4xi32>
    %eq3A = arith.cmpi eq, %select_n3A, %iota3A_29 : vector<8x4xi32>
    %convert_element_type3A = arith.extui %eq3A : vector<8x4xi1> to vector<8x4xi32>
    %convert_element_type3A_30 = arith.sitofp %convert_element_type3A : vector<8x4xi32> to vector<8x4xf32>
    %dot_general3A = arith.constant dense<0.000000e+00> : vector<2048x4xf32>
    %dot_general3A_31 = tpu.matmul %add3A_5, %convert_element_type3A_30, %dot_general3A {dimension_numbers = #tpu.dot_dimension_numbers<[1], [0], [0], [1], [0, 0, 1, 1], [], []>, precision = #tpu.contract_precision<fp32>, transpose_lhs_hint = false} : vector<2048x8xf32>, vector<8x4xf32>, vector<2048x4xf32> -> vector<2048x4xf32>
    %iota3A_32 = tpu.iota {dimensions = array<i32: 1>} : vector<2048x4xi32>
    %broadcast_in_dim3A = arith.constant 0.000000e+00 : f32
    %broadcast_in_dim3A_33 = vector.broadcast %broadcast_in_dim3A : f32 to vector<2048x4xf32>
    %slice3A = vector.extract_strided_slice %dot_general3A_31 {offsets = [0, 0], sizes = [2048, 1], strides = [1, 1]} : vector<2048x4xf32> to vector<2048x1xf32>
    %gt3A = vector.broadcast %slice3A : vector<2048x1xf32> to vector<2048x4xf32>
    %gt3A_34 = arith.cmpf ogt, %gt3A, %dot_general3A_31 : vector<2048x4xf32>
    %eq3A_35 = vector.broadcast %slice3A : vector<2048x1xf32> to vector<2048x4xf32>
    %eq3A_36 = arith.cmpf oeq, %eq3A_35, %dot_general3A_31 : vector<2048x4xf32>
    %lt3A = arith.constant 0 : i32
    %lt3A_37 = vector.broadcast %lt3A : i32 to vector<2048x4xi32>
    %lt3A_38 = arith.cmpi slt, %iota3A_32, %lt3A_37 : vector<2048x4xi32>
    %and3A_39 = arith.andi %eq3A_36, %lt3A_38 : vector<2048x4xi1>
    %or3A = arith.ori %gt3A_34, %and3A_39 : vector<2048x4xi1>
    %convert_element_type3A_40 = arith.extui %or3A : vector<2048x4xi1> to vector<2048x4xi32>
    %convert_element_type3A_41 = arith.sitofp %convert_element_type3A_40 : vector<2048x4xi32> to vector<2048x4xf32>
    %add3A_42 = arith.addf %broadcast_in_dim3A_33, %convert_element_type3A_41 : vector<2048x4xf32>
    %slice3A_43 = vector.extract_strided_slice %dot_general3A_31 {offsets = [0, 1], sizes = [2048, 1], strides = [1, 1]} : vector<2048x4xf32> to vector<2048x1xf32>
    %gt3A_44 = vector.broadcast %slice3A_43 : vector<2048x1xf32> to vector<2048x4xf32>
    %gt3A_45 = arith.cmpf ogt, %gt3A_44, %dot_general3A_31 : vector<2048x4xf32>
    %eq3A_46 = vector.broadcast %slice3A_43 : vector<2048x1xf32> to vector<2048x4xf32>
    %eq3A_47 = arith.cmpf oeq, %eq3A_46, %dot_general3A_31 : vector<2048x4xf32>
    %lt3A_48 = arith.constant 1 : i32
    %lt3A_49 = vector.broadcast %lt3A_48 : i32 to vector<2048x4xi32>
    %lt3A_50 = arith.cmpi slt, %iota3A_32, %lt3A_49 : vector<2048x4xi32>
    %and3A_51 = arith.andi %eq3A_47, %lt3A_50 : vector<2048x4xi1>
    %or3A_52 = arith.ori %gt3A_45, %and3A_51 : vector<2048x4xi1>
    %convert_element_type3A_53 = arith.extui %or3A_52 : vector<2048x4xi1> to vector<2048x4xi32>
    %convert_element_type3A_54 = arith.sitofp %convert_element_type3A_53 : vector<2048x4xi32> to vector<2048x4xf32>
    %add3A_55 = arith.addf %add3A_42, %convert_element_type3A_54 : vector<2048x4xf32>
    %slice3A_56 = vector.extract_strided_slice %dot_general3A_31 {offsets = [0, 2], sizes = [2048, 1], strides = [1, 1]} : vector<2048x4xf32> to vector<2048x1xf32>
    %gt3A_57 = vector.broadcast %slice3A_56 : vector<2048x1xf32> to vector<2048x4xf32>
    %gt3A_58 = arith.cmpf ogt, %gt3A_57, %dot_general3A_31 : vector<2048x4xf32>
    %eq3A_59 = vector.broadcast %slice3A_56 : vector<2048x1xf32> to vector<2048x4xf32>
    %eq3A_60 = arith.cmpf oeq, %eq3A_59, %dot_general3A_31 : vector<2048x4xf32>
    %lt3A_61 = arith.constant 2 : i32
    %lt3A_62 = vector.broadcast %lt3A_61 : i32 to vector<2048x4xi32>
    %lt3A_63 = arith.cmpi slt, %iota3A_32, %lt3A_62 : vector<2048x4xi32>
    %and3A_64 = arith.andi %eq3A_60, %lt3A_63 : vector<2048x4xi1>
    %or3A_65 = arith.ori %gt3A_58, %and3A_64 : vector<2048x4xi1>
    %convert_element_type3A_66 = arith.extui %or3A_65 : vector<2048x4xi1> to vector<2048x4xi32>
    %convert_element_type3A_67 = arith.sitofp %convert_element_type3A_66 : vector<2048x4xi32> to vector<2048x4xf32>
    %add3A_68 = arith.addf %add3A_55, %convert_element_type3A_67 : vector<2048x4xf32>
    %slice3A_69 = vector.extract_strided_slice %dot_general3A_31 {offsets = [0, 3], sizes = [2048, 1], strides = [1, 1]} : vector<2048x4xf32> to vector<2048x1xf32>
    %gt3A_70 = vector.broadcast %slice3A_69 : vector<2048x1xf32> to vector<2048x4xf32>
    %gt3A_71 = arith.cmpf ogt, %gt3A_70, %dot_general3A_31 : vector<2048x4xf32>
    %eq3A_72 = vector.broadcast %slice3A_69 : vector<2048x1xf32> to vector<2048x4xf32>
    %eq3A_73 = arith.cmpf oeq, %eq3A_72, %dot_general3A_31 : vector<2048x4xf32>
    %lt3A_74 = arith.constant 3 : i32
    %lt3A_75 = vector.broadcast %lt3A_74 : i32 to vector<2048x4xi32>
    %lt3A_76 = arith.cmpi slt, %iota3A_32, %lt3A_75 : vector<2048x4xi32>
    %and3A_77 = arith.andi %eq3A_73, %lt3A_76 : vector<2048x4xi1>
    %or3A_78 = arith.ori %gt3A_71, %and3A_77 : vector<2048x4xi1>
    %convert_element_type3A_79 = arith.extui %or3A_78 : vector<2048x4xi1> to vector<2048x4xi32>
    %convert_element_type3A_80 = arith.sitofp %convert_element_type3A_79 : vector<2048x4xi32> to vector<2048x4xf32>
    %add3A_81 = arith.addf %add3A_68, %convert_element_type3A_80 : vector<2048x4xf32>
    %lt3A_82 = arith.constant 2.000000e+00 : f32
    %lt3A_83 = vector.broadcast %lt3A_82 : f32 to vector<2048x4xf32>
    %lt3A_84 = arith.cmpf olt, %add3A_81, %lt3A_83 : vector<2048x4xf32>
    %convert_element_type3A_85 = arith.extui %lt3A_84 : vector<2048x4xi1> to vector<2048x4xi32>
    %convert_element_type3A_86 = arith.sitofp %convert_element_type3A_85 : vector<2048x4xi32> to vector<2048x4xf32>
    %transpose3A = tpu.transpose %convert_element_type3A_30, [1, 0] : vector<8x4xf32> -> vector<4x8xf32>
    %dot_general3A_87 = arith.constant dense<0.000000e+00> : vector<2048x8xf32>
    %dot_general3A_88 = tpu.matmul %convert_element_type3A_86, %transpose3A, %dot_general3A_87 {dimension_numbers = #tpu.dot_dimension_numbers<[1], [0], [0], [1], [0, 0, 1, 1], [], []>, precision = #tpu.contract_precision<fp32>, transpose_lhs_hint = false} : vector<2048x4xf32>, vector<4x8xf32>, vector<2048x8xf32> -> vector<2048x8xf32>
    %gt3A_89 = arith.constant 5.000000e-01 : f32
    %gt3A_90 = vector.broadcast %gt3A_89 : f32 to vector<2048x8xf32>
    %gt3A_91 = arith.cmpf ogt, %dot_general3A_88, %gt3A_90 : vector<2048x8xf32>
    %jit3A_92 = arith.constant -1.000000e+30 : f32
    %broadcast_in_dim3A_93 = vector.broadcast %jit3A_92 : f32 to vector<2048x8xf32>
    %select_n3A_94 = arith.select %gt3A_91, %add3A_5, %broadcast_in_dim3A_93 : vector<2048x8xi1>, vector<2048x8xf32>
    %iota3A_95 = tpu.iota {dimensions = array<i32: 1>} : vector<2048x8xi32>
    %broadcast_in_dim3A_96 = arith.constant 0.000000e+00 : f32
    %broadcast_in_dim3A_97 = vector.broadcast %broadcast_in_dim3A_96 : f32 to vector<2048x8xf32>
    %slice3A_98 = vector.extract_strided_slice %select_n3A_94 {offsets = [0, 0], sizes = [2048, 1], strides = [1, 1]} : vector<2048x8xf32> to vector<2048x1xf32>
    %gt3A_99 = vector.broadcast %slice3A_98 : vector<2048x1xf32> to vector<2048x8xf32>
    %gt3A_100 = arith.cmpf ogt, %gt3A_99, %select_n3A_94 : vector<2048x8xf32>
    %eq3A_101 = vector.broadcast %slice3A_98 : vector<2048x1xf32> to vector<2048x8xf32>
    %eq3A_102 = arith.cmpf oeq, %eq3A_101, %select_n3A_94 : vector<2048x8xf32>
    %lt3A_103 = arith.constant 0 : i32
    %lt3A_104 = vector.broadcast %lt3A_103 : i32 to vector<2048x8xi32>
    %lt3A_105 = arith.cmpi slt, %iota3A_95, %lt3A_104 : vector<2048x8xi32>
    %and3A_106 = arith.andi %eq3A_102, %lt3A_105 : vector<2048x8xi1>
    %or3A_107 = arith.ori %gt3A_100, %and3A_106 : vector<2048x8xi1>
    %convert_element_type3A_108 = arith.extui %or3A_107 : vector<2048x8xi1> to vector<2048x8xi32>
    %convert_element_type3A_109 = arith.sitofp %convert_element_type3A_108 : vector<2048x8xi32> to vector<2048x8xf32>
    %add3A_110 = arith.addf %broadcast_in_dim3A_97, %convert_element_type3A_109 : vector<2048x8xf32>
    %slice3A_111 = vector.extract_strided_slice %select_n3A_94 {offsets = [0, 1], sizes = [2048, 1], strides = [1, 1]} : vector<2048x8xf32> to vector<2048x1xf32>
    %gt3A_112 = vector.broadcast %slice3A_111 : vector<2048x1xf32> to vector<2048x8xf32>
    %gt3A_113 = arith.cmpf ogt, %gt3A_112, %select_n3A_94 : vector<2048x8xf32>
    %eq3A_114 = vector.broadcast %slice3A_111 : vector<2048x1xf32> to vector<2048x8xf32>
    %eq3A_115 = arith.cmpf oeq, %eq3A_114, %select_n3A_94 : vector<2048x8xf32>
    %lt3A_116 = arith.constant 1 : i32
    %lt3A_117 = vector.broadcast %lt3A_116 : i32 to vector<2048x8xi32>
    %lt3A_118 = arith.cmpi slt, %iota3A_95, %lt3A_117 : vector<2048x8xi32>
    %and3A_119 = arith.andi %eq3A_115, %lt3A_118 : vector<2048x8xi1>
    %or3A_120 = arith.ori %gt3A_113, %and3A_119 : vector<2048x8xi1>
    %convert_element_type3A_121 = arith.extui %or3A_120 : vector<2048x8xi1> to vector<2048x8xi32>
    %convert_element_type3A_122 = arith.sitofp %convert_element_type3A_121 : vector<2048x8xi32> to vector<2048x8xf32>
    %add3A_123 = arith.addf %add3A_110, %convert_element_type3A_122 : vector<2048x8xf32>
    %slice3A_124 = vector.extract_strided_slice %select_n3A_94 {offsets = [0, 2], sizes = [2048, 1], strides = [1, 1]} : vector<2048x8xf32> to vector<2048x1xf32>
    %gt3A_125 = vector.broadcast %slice3A_124 : vector<2048x1xf32> to vector<2048x8xf32>
    %gt3A_126 = arith.cmpf ogt, %gt3A_125, %select_n3A_94 : vector<2048x8xf32>
    %eq3A_127 = vector.broadcast %slice3A_124 : vector<2048x1xf32> to vector<2048x8xf32>
    %eq3A_128 = arith.cmpf oeq, %eq3A_127, %select_n3A_94 : vector<2048x8xf32>
    %lt3A_129 = arith.constant 2 : i32
    %lt3A_130 = vector.broadcast %lt3A_129 : i32 to vector<2048x8xi32>
    %lt3A_131 = arith.cmpi slt, %iota3A_95, %lt3A_130 : vector<2048x8xi32>
    %and3A_132 = arith.andi %eq3A_128, %lt3A_131 : vector<2048x8xi1>
    %or3A_133 = arith.ori %gt3A_126, %and3A_132 : vector<2048x8xi1>
    %convert_element_type3A_134 = arith.extui %or3A_133 : vector<2048x8xi1> to vector<2048x8xi32>
    %convert_element_type3A_135 = arith.sitofp %convert_element_type3A_134 : vector<2048x8xi32> to vector<2048x8xf32>
    %add3A_136 = arith.addf %add3A_123, %convert_element_type3A_135 : vector<2048x8xf32>
    %slice3A_137 = vector.extract_strided_slice %select_n3A_94 {offsets = [0, 3], sizes = [2048, 1], strides = [1, 1]} : vector<2048x8xf32> to vector<2048x1xf32>
    %gt3A_138 = vector.broadcast %slice3A_137 : vector<2048x1xf32> to vector<2048x8xf32>
    %gt3A_139 = arith.cmpf ogt, %gt3A_138, %select_n3A_94 : vector<2048x8xf32>
    %eq3A_140 = vector.broadcast %slice3A_137 : vector<2048x1xf32> to vector<2048x8xf32>
    %eq3A_141 = arith.cmpf oeq, %eq3A_140, %select_n3A_94 : vector<2048x8xf32>
    %lt3A_142 = arith.constant 3 : i32
    %lt3A_143 = vector.broadcast %lt3A_142 : i32 to vector<2048x8xi32>
    %lt3A_144 = arith.cmpi slt, %iota3A_95, %lt3A_143 : vector<2048x8xi32>
    %and3A_145 = arith.andi %eq3A_141, %lt3A_144 : vector<2048x8xi1>
    %or3A_146 = arith.ori %gt3A_139, %and3A_145 : vector<2048x8xi1>
    %convert_element_type3A_147 = arith.extui %or3A_146 : vector<2048x8xi1> to vector<2048x8xi32>
    %convert_element_type3A_148 = arith.sitofp %convert_element_type3A_147 : vector<2048x8xi32> to vector<2048x8xf32>
    %add3A_149 = arith.addf %add3A_136, %convert_element_type3A_148 : vector<2048x8xf32>
    %slice3A_150 = vector.extract_strided_slice %select_n3A_94 {offsets = [0, 4], sizes = [2048, 1], strides = [1, 1]} : vector<2048x8xf32> to vector<2048x1xf32>
    %gt3A_151 = vector.broadcast %slice3A_150 : vector<2048x1xf32> to vector<2048x8xf32>
    %gt3A_152 = arith.cmpf ogt, %gt3A_151, %select_n3A_94 : vector<2048x8xf32>
    %eq3A_153 = vector.broadcast %slice3A_150 : vector<2048x1xf32> to vector<2048x8xf32>
    %eq3A_154 = arith.cmpf oeq, %eq3A_153, %select_n3A_94 : vector<2048x8xf32>
    %lt3A_155 = arith.constant 4 : i32
    %lt3A_156 = vector.broadcast %lt3A_155 : i32 to vector<2048x8xi32>
    %lt3A_157 = arith.cmpi slt, %iota3A_95, %lt3A_156 : vector<2048x8xi32>
    %and3A_158 = arith.andi %eq3A_154, %lt3A_157 : vector<2048x8xi1>
    %or3A_159 = arith.ori %gt3A_152, %and3A_158 : vector<2048x8xi1>
    %convert_element_type3A_160 = arith.extui %or3A_159 : vector<2048x8xi1> to vector<2048x8xi32>
    %convert_element_type3A_161 = arith.sitofp %convert_element_type3A_160 : vector<2048x8xi32> to vector<2048x8xf32>
    %add3A_162 = arith.addf %add3A_149, %convert_element_type3A_161 : vector<2048x8xf32>
    %slice3A_163 = vector.extract_strided_slice %select_n3A_94 {offsets = [0, 5], sizes = [2048, 1], strides = [1, 1]} : vector<2048x8xf32> to vector<2048x1xf32>
    %gt3A_164 = vector.broadcast %slice3A_163 : vector<2048x1xf32> to vector<2048x8xf32>
    %gt3A_165 = arith.cmpf ogt, %gt3A_164, %select_n3A_94 : vector<2048x8xf32>
    %eq3A_166 = vector.broadcast %slice3A_163 : vector<2048x1xf32> to vector<2048x8xf32>
    %eq3A_167 = arith.cmpf oeq, %eq3A_166, %select_n3A_94 : vector<2048x8xf32>
    %lt3A_168 = arith.constant 5 : i32
    %lt3A_169 = vector.broadcast %lt3A_168 : i32 to vector<2048x8xi32>
    %lt3A_170 = arith.cmpi slt, %iota3A_95, %lt3A_169 : vector<2048x8xi32>
    %and3A_171 = arith.andi %eq3A_167, %lt3A_170 : vector<2048x8xi1>
    %or3A_172 = arith.ori %gt3A_165, %and3A_171 : vector<2048x8xi1>
    %convert_element_type3A_173 = arith.extui %or3A_172 : vector<2048x8xi1> to vector<2048x8xi32>
    %convert_element_type3A_174 = arith.sitofp %convert_element_type3A_173 : vector<2048x8xi32> to vector<2048x8xf32>
    %add3A_175 = arith.addf %add3A_162, %convert_element_type3A_174 : vector<2048x8xf32>
    %slice3A_176 = vector.extract_strided_slice %select_n3A_94 {offsets = [0, 6], sizes = [2048, 1], strides = [1, 1]} : vector<2048x8xf32> to vector<2048x1xf32>
    %gt3A_177 = vector.broadcast %slice3A_176 : vector<2048x1xf32> to vector<2048x8xf32>
    %gt3A_178 = arith.cmpf ogt, %gt3A_177, %select_n3A_94 : vector<2048x8xf32>
    %eq3A_179 = vector.broadcast %slice3A_176 : vector<2048x1xf32> to vector<2048x8xf32>
    %eq3A_180 = arith.cmpf oeq, %eq3A_179, %select_n3A_94 : vector<2048x8xf32>
    %lt3A_181 = arith.constant 6 : i32
    %lt3A_182 = vector.broadcast %lt3A_181 : i32 to vector<2048x8xi32>
    %lt3A_183 = arith.cmpi slt, %iota3A_95, %lt3A_182 : vector<2048x8xi32>
    %and3A_184 = arith.andi %eq3A_180, %lt3A_183 : vector<2048x8xi1>
    %or3A_185 = arith.ori %gt3A_178, %and3A_184 : vector<2048x8xi1>
    %convert_element_type3A_186 = arith.extui %or3A_185 : vector<2048x8xi1> to vector<2048x8xi32>
    %convert_element_type3A_187 = arith.sitofp %convert_element_type3A_186 : vector<2048x8xi32> to vector<2048x8xf32>
    %add3A_188 = arith.addf %add3A_175, %convert_element_type3A_187 : vector<2048x8xf32>
    %slice3A_189 = vector.extract_strided_slice %select_n3A_94 {offsets = [0, 7], sizes = [2048, 1], strides = [1, 1]} : vector<2048x8xf32> to vector<2048x1xf32>
    %gt3A_190 = vector.broadcast %slice3A_189 : vector<2048x1xf32> to vector<2048x8xf32>
    %gt3A_191 = arith.cmpf ogt, %gt3A_190, %select_n3A_94 : vector<2048x8xf32>
    %eq3A_192 = vector.broadcast %slice3A_189 : vector<2048x1xf32> to vector<2048x8xf32>
    %eq3A_193 = arith.cmpf oeq, %eq3A_192, %select_n3A_94 : vector<2048x8xf32>
    %lt3A_194 = arith.constant 7 : i32
    %lt3A_195 = vector.broadcast %lt3A_194 : i32 to vector<2048x8xi32>
    %lt3A_196 = arith.cmpi slt, %iota3A_95, %lt3A_195 : vector<2048x8xi32>
    %and3A_197 = arith.andi %eq3A_193, %lt3A_196 : vector<2048x8xi1>
    %or3A_198 = arith.ori %gt3A_191, %and3A_197 : vector<2048x8xi1>
    %convert_element_type3A_199 = arith.extui %or3A_198 : vector<2048x8xi1> to vector<2048x8xi32>
    %convert_element_type3A_200 = arith.sitofp %convert_element_type3A_199 : vector<2048x8xi32> to vector<2048x8xf32>
    %add3A_201 = arith.addf %add3A_188, %convert_element_type3A_200 : vector<2048x8xf32>
    %lt3A_202 = arith.constant 2.000000e+00 : f32
    %lt3A_203 = vector.broadcast %lt3A_202 : f32 to vector<2048x8xf32>
    %lt3A_204 = arith.cmpf olt, %add3A_201, %lt3A_203 : vector<2048x8xf32>
    %and3A_205 = arith.andi %gt3A_91, %lt3A_204 : vector<2048x8xi1>
    %jit3A_206 = arith.constant 0.000000e+00 : f32
    %broadcast_in_dim3A_207 = vector.broadcast %jit3A_206 : f32 to vector<2048x8xf32>
    %select_n3A_208 = arith.select %and3A_205, %get3A_1, %broadcast_in_dim3A_207 : vector<2048x8xi1>, vector<2048x8xf32>
    %reduce_sum3A = arith.constant dense<0.000000e+00> : vector<2048xf32>
    %reduce_sum3A_209 = vector.multi_reduction <add>, %select_n3A_208, %reduce_sum3A [1] : vector<2048x8xf32> to vector<2048xf32>
    %broadcast_in_dim3A_210 = vector.shape_cast %reduce_sum3A_209 : vector<2048xf32> to vector<2048x1xf32>
    %add3A_211 = arith.constant 9.99999968E-21 : f32
    %add3A_212 = vector.broadcast %add3A_211 : f32 to vector<2048x1xf32>
    %add3A_213 = arith.addf %broadcast_in_dim3A_210, %add3A_212 : vector<2048x1xf32>
    %div3A_214 = vector.broadcast %add3A_213 : vector<2048x1xf32> to vector<2048x8xf32>
    %div3A_215 = arith.divf %select_n3A_208, %div3A_214 : vector<2048x8xf32>
    %mul3A = arith.constant 1.000000e+00 : f32
    %mul3A_216 = vector.broadcast %mul3A : f32 to vector<2048x8xf32>
    %mul3A_217 = arith.mulf %div3A_215, %mul3A_216 : vector<2048x8xf32>
    %convert_element_type3A_218 = arith.extui %and3A_205 : vector<2048x8xi1> to vector<2048x8xi32>
    %convert_element_type3A_219 = arith.sitofp %convert_element_type3A_218 : vector<2048x8xi32> to vector<2048x8xf32>
    %iota3A_220 = tpu.iota {dimensions = array<i32: 0>} : vector<256x256xi32>
    %iota3A_221 = tpu.iota {dimensions = array<i32: 1>} : vector<256x256xi32>
    %lt3A_222 = arith.cmpi slt, %iota3A_221, %iota3A_220 : vector<256x256xi32>
    %convert_element_type3A_223 = arith.extui %lt3A_222 : vector<256x256xi1> to vector<256x256xi32>
    %convert_element_type3A_224 = arith.sitofp %convert_element_type3A_223 : vector<256x256xi32> to vector<256x256xf32>
    %broadcast_in_dim3A_225 = arith.constant 0.000000e+00 : f32
    %broadcast_in_dim3A_226 = vector.broadcast %broadcast_in_dim3A_225 : f32 to vector<1x8xf32>
    %slice3A_227 = vector.extract_strided_slice %convert_element_type3A_219 {offsets = [0, 0], sizes = [256, 8], strides = [1, 1]} : vector<2048x8xf32> to vector<256x8xf32>
    %dot_general3A_228 = arith.constant dense<0.000000e+00> : vector<256x8xf32>
    %dot_general3A_229 = tpu.matmul %convert_element_type3A_224, %slice3A_227, %dot_general3A_228 {dimension_numbers = #tpu.dot_dimension_numbers<[1], [0], [0], [1], [0, 0, 1, 1], [], []>, precision = #tpu.contract_precision<fp32>, transpose_lhs_hint = false} : vector<256x256xf32>, vector<256x8xf32>, vector<256x8xf32> -> vector<256x8xf32>
    %add3A_230 = vector.broadcast %broadcast_in_dim3A_226 : vector<1x8xf32> to vector<256x8xf32>
    %add3A_231 = arith.addf %dot_general3A_229, %add3A_230 : vector<256x8xf32>
    %reduce_sum3A_232 = arith.constant dense<0.000000e+00> : vector<8xf32>
    %reduce_sum3A_233 = vector.multi_reduction <add>, %slice3A_227, %reduce_sum3A_232 [0] : vector<256x8xf32> to vector<8xf32>
    %broadcast_in_dim3A_234 = vector.shape_cast %reduce_sum3A_233 : vector<8xf32> to vector<1x8xf32>
    %add3A_235 = arith.addf %broadcast_in_dim3A_226, %broadcast_in_dim3A_234 : vector<1x8xf32>
    %slice3A_236 = vector.extract_strided_slice %convert_element_type3A_219 {offsets = [256, 0], sizes = [256, 8], strides = [1, 1]} : vector<2048x8xf32> to vector<256x8xf32>
    %dot_general3A_237 = arith.constant dense<0.000000e+00> : vector<256x8xf32>
    %dot_general3A_238 = tpu.matmul %convert_element_type3A_224, %slice3A_236, %dot_general3A_237 {dimension_numbers = #tpu.dot_dimension_numbers<[1], [0], [0], [1], [0, 0, 1, 1], [], []>, precision = #tpu.contract_precision<fp32>, transpose_lhs_hint = false} : vector<256x256xf32>, vector<256x8xf32>, vector<256x8xf32> -> vector<256x8xf32>
    %add3A_239 = vector.broadcast %add3A_235 : vector<1x8xf32> to vector<256x8xf32>
    %add3A_240 = arith.addf %dot_general3A_238, %add3A_239 : vector<256x8xf32>
    %reduce_sum3A_241 = arith.constant dense<0.000000e+00> : vector<8xf32>
    %reduce_sum3A_242 = vector.multi_reduction <add>, %slice3A_236, %reduce_sum3A_241 [0] : vector<256x8xf32> to vector<8xf32>
    %broadcast_in_dim3A_243 = vector.shape_cast %reduce_sum3A_242 : vector<8xf32> to vector<1x8xf32>
    %add3A_244 = arith.addf %add3A_235, %broadcast_in_dim3A_243 : vector<1x8xf32>
    %slice3A_245 = vector.extract_strided_slice %convert_element_type3A_219 {offsets = [512, 0], sizes = [256, 8], strides = [1, 1]} : vector<2048x8xf32> to vector<256x8xf32>
    %dot_general3A_246 = arith.constant dense<0.000000e+00> : vector<256x8xf32>
    %dot_general3A_247 = tpu.matmul %convert_element_type3A_224, %slice3A_245, %dot_general3A_246 {dimension_numbers = #tpu.dot_dimension_numbers<[1], [0], [0], [1], [0, 0, 1, 1], [], []>, precision = #tpu.contract_precision<fp32>, transpose_lhs_hint = false} : vector<256x256xf32>, vector<256x8xf32>, vector<256x8xf32> -> vector<256x8xf32>
    %add3A_248 = vector.broadcast %add3A_244 : vector<1x8xf32> to vector<256x8xf32>
    %add3A_249 = arith.addf %dot_general3A_247, %add3A_248 : vector<256x8xf32>
    %reduce_sum3A_250 = arith.constant dense<0.000000e+00> : vector<8xf32>
    %reduce_sum3A_251 = vector.multi_reduction <add>, %slice3A_245, %reduce_sum3A_250 [0] : vector<256x8xf32> to vector<8xf32>
    %broadcast_in_dim3A_252 = vector.shape_cast %reduce_sum3A_251 : vector<8xf32> to vector<1x8xf32>
    %add3A_253 = arith.addf %add3A_244, %broadcast_in_dim3A_252 : vector<1x8xf32>
    %slice3A_254 = vector.extract_strided_slice %convert_element_type3A_219 {offsets = [768, 0], sizes = [256, 8], strides = [1, 1]} : vector<2048x8xf32> to vector<256x8xf32>
    %dot_general3A_255 = arith.constant dense<0.000000e+00> : vector<256x8xf32>
    %dot_general3A_256 = tpu.matmul %convert_element_type3A_224, %slice3A_254, %dot_general3A_255 {dimension_numbers = #tpu.dot_dimension_numbers<[1], [0], [0], [1], [0, 0, 1, 1], [], []>, precision = #tpu.contract_precision<fp32>, transpose_lhs_hint = false} : vector<256x256xf32>, vector<256x8xf32>, vector<256x8xf32> -> vector<256x8xf32>
    %add3A_257 = vector.broadcast %add3A_253 : vector<1x8xf32> to vector<256x8xf32>
    %add3A_258 = arith.addf %dot_general3A_256, %add3A_257 : vector<256x8xf32>
    %reduce_sum3A_259 = arith.constant dense<0.000000e+00> : vector<8xf32>
    %reduce_sum3A_260 = vector.multi_reduction <add>, %slice3A_254, %reduce_sum3A_259 [0] : vector<256x8xf32> to vector<8xf32>
    %broadcast_in_dim3A_261 = vector.shape_cast %reduce_sum3A_260 : vector<8xf32> to vector<1x8xf32>
    %add3A_262 = arith.addf %add3A_253, %broadcast_in_dim3A_261 : vector<1x8xf32>
    %slice3A_263 = vector.extract_strided_slice %convert_element_type3A_219 {offsets = [1024, 0], sizes = [256, 8], strides = [1, 1]} : vector<2048x8xf32> to vector<256x8xf32>
    %dot_general3A_264 = arith.constant dense<0.000000e+00> : vector<256x8xf32>
    %dot_general3A_265 = tpu.matmul %convert_element_type3A_224, %slice3A_263, %dot_general3A_264 {dimension_numbers = #tpu.dot_dimension_numbers<[1], [0], [0], [1], [0, 0, 1, 1], [], []>, precision = #tpu.contract_precision<fp32>, transpose_lhs_hint = false} : vector<256x256xf32>, vector<256x8xf32>, vector<256x8xf32> -> vector<256x8xf32>
    %add3A_266 = vector.broadcast %add3A_262 : vector<1x8xf32> to vector<256x8xf32>
    %add3A_267 = arith.addf %dot_general3A_265, %add3A_266 : vector<256x8xf32>
    %reduce_sum3A_268 = arith.constant dense<0.000000e+00> : vector<8xf32>
    %reduce_sum3A_269 = vector.multi_reduction <add>, %slice3A_263, %reduce_sum3A_268 [0] : vector<256x8xf32> to vector<8xf32>
    %broadcast_in_dim3A_270 = vector.shape_cast %reduce_sum3A_269 : vector<8xf32> to vector<1x8xf32>
    %add3A_271 = arith.addf %add3A_262, %broadcast_in_dim3A_270 : vector<1x8xf32>
    %slice3A_272 = vector.extract_strided_slice %convert_element_type3A_219 {offsets = [1280, 0], sizes = [256, 8], strides = [1, 1]} : vector<2048x8xf32> to vector<256x8xf32>
    %dot_general3A_273 = arith.constant dense<0.000000e+00> : vector<256x8xf32>
    %dot_general3A_274 = tpu.matmul %convert_element_type3A_224, %slice3A_272, %dot_general3A_273 {dimension_numbers = #tpu.dot_dimension_numbers<[1], [0], [0], [1], [0, 0, 1, 1], [], []>, precision = #tpu.contract_precision<fp32>, transpose_lhs_hint = false} : vector<256x256xf32>, vector<256x8xf32>, vector<256x8xf32> -> vector<256x8xf32>
    %add3A_275 = vector.broadcast %add3A_271 : vector<1x8xf32> to vector<256x8xf32>
    %add3A_276 = arith.addf %dot_general3A_274, %add3A_275 : vector<256x8xf32>
    %reduce_sum3A_277 = arith.constant dense<0.000000e+00> : vector<8xf32>
    %reduce_sum3A_278 = vector.multi_reduction <add>, %slice3A_272, %reduce_sum3A_277 [0] : vector<256x8xf32> to vector<8xf32>
    %broadcast_in_dim3A_279 = vector.shape_cast %reduce_sum3A_278 : vector<8xf32> to vector<1x8xf32>
    %add3A_280 = arith.addf %add3A_271, %broadcast_in_dim3A_279 : vector<1x8xf32>
    %slice3A_281 = vector.extract_strided_slice %convert_element_type3A_219 {offsets = [1536, 0], sizes = [256, 8], strides = [1, 1]} : vector<2048x8xf32> to vector<256x8xf32>
    %dot_general3A_282 = arith.constant dense<0.000000e+00> : vector<256x8xf32>
    %dot_general3A_283 = tpu.matmul %convert_element_type3A_224, %slice3A_281, %dot_general3A_282 {dimension_numbers = #tpu.dot_dimension_numbers<[1], [0], [0], [1], [0, 0, 1, 1], [], []>, precision = #tpu.contract_precision<fp32>, transpose_lhs_hint = false} : vector<256x256xf32>, vector<256x8xf32>, vector<256x8xf32> -> vector<256x8xf32>
    %add3A_284 = vector.broadcast %add3A_280 : vector<1x8xf32> to vector<256x8xf32>
    %add3A_285 = arith.addf %dot_general3A_283, %add3A_284 : vector<256x8xf32>
    %reduce_sum3A_286 = arith.constant dense<0.000000e+00> : vector<8xf32>
    %reduce_sum3A_287 = vector.multi_reduction <add>, %slice3A_281, %reduce_sum3A_286 [0] : vector<256x8xf32> to vector<8xf32>
    %broadcast_in_dim3A_288 = vector.shape_cast %reduce_sum3A_287 : vector<8xf32> to vector<1x8xf32>
    %add3A_289 = arith.addf %add3A_280, %broadcast_in_dim3A_288 : vector<1x8xf32>
    %slice3A_290 = vector.extract_strided_slice %convert_element_type3A_219 {offsets = [1792, 0], sizes = [256, 8], strides = [1, 1]} : vector<2048x8xf32> to vector<256x8xf32>
    %dot_general3A_291 = arith.constant dense<0.000000e+00> : vector<256x8xf32>
    %dot_general3A_292 = tpu.matmul %convert_element_type3A_224, %slice3A_290, %dot_general3A_291 {dimension_numbers = #tpu.dot_dimension_numbers<[1], [0], [0], [1], [0, 0, 1, 1], [], []>, precision = #tpu.contract_precision<fp32>, transpose_lhs_hint = false} : vector<256x256xf32>, vector<256x8xf32>, vector<256x8xf32> -> vector<256x8xf32>
    %add3A_293 = vector.broadcast %add3A_289 : vector<1x8xf32> to vector<256x8xf32>
    %add3A_294 = arith.addf %dot_general3A_292, %add3A_293 : vector<256x8xf32>
    %reduce_sum3A_295 = arith.constant dense<0.000000e+00> : vector<8xf32>
    %reduce_sum3A_296 = vector.multi_reduction <add>, %slice3A_290, %reduce_sum3A_295 [0] : vector<256x8xf32> to vector<8xf32>
    %broadcast_in_dim3A_297 = vector.shape_cast %reduce_sum3A_296 : vector<8xf32> to vector<1x8xf32>
    %add3A_298 = arith.addf %add3A_289, %broadcast_in_dim3A_297 : vector<1x8xf32>
    %concatenate3A = tpu.concatenate %add3A_231, %add3A_240, %add3A_249, %add3A_258, %add3A_267, %add3A_276, %add3A_285, %add3A_294 in 0 : vector<256x8xf32>, vector<256x8xf32>, vector<256x8xf32>, vector<256x8xf32>, vector<256x8xf32>, vector<256x8xf32>, vector<256x8xf32>, vector<256x8xf32> -> vector<2048x8xf32>
    %add3A_299 = arith.constant 2.550000e+02 : f32
    %add3A_300 = vector.broadcast %add3A_299 : f32 to vector<1x8xf32>
    %add3A_301 = arith.addf %add3A_298, %add3A_300 : vector<1x8xf32>
    %mul3A_302 = arith.constant 3.906250e-03 : f32
    %mul3A_303 = vector.broadcast %mul3A_302 : f32 to vector<1x8xf32>
    %mul3A_304 = arith.mulf %add3A_301, %mul3A_303 : vector<1x8xf32>
    %floor3A = math.floor %mul3A_304 : vector<1x8xf32>
    %iota3A_305 = tpu.iota {dimensions = array<i32: 0>} : vector<8x8xi32>
    %iota3A_306 = tpu.iota {dimensions = array<i32: 1>} : vector<8x8xi32>
    %lt3A_307 = arith.cmpi slt, %iota3A_305, %iota3A_306 : vector<8x8xi32>
    %convert_element_type3A_308 = arith.extui %lt3A_307 : vector<8x8xi1> to vector<8x8xi32>
    %convert_element_type3A_309 = arith.sitofp %convert_element_type3A_308 : vector<8x8xi32> to vector<8x8xf32>
    %dot_general3A_310 = arith.constant dense<0.000000e+00> : vector<1x8xf32>
    %dot_general3A_311 = tpu.matmul %floor3A, %convert_element_type3A_309, %dot_general3A_310 {dimension_numbers = #tpu.dot_dimension_numbers<[1], [0], [0], [1], [0, 0, 1, 1], [], []>, precision = #tpu.contract_precision<fp32>, transpose_lhs_hint = false} : vector<1x8xf32>, vector<8x8xf32>, vector<1x8xf32> -> vector<1x8xf32>
    %mul3A_312 = arith.constant 2.560000e+02 : f32
    %mul3A_313 = vector.broadcast %mul3A_312 : f32 to vector<1x8xf32>
    %mul3A_314 = arith.mulf %dot_general3A_311, %mul3A_313 : vector<1x8xf32>
    %add3A_315 = vector.broadcast %mul3A_314 : vector<1x8xf32> to vector<2048x8xf32>
    %add3A_316 = arith.addf %add3A_315, %concatenate3A : vector<2048x8xf32>
    %dot_general3A_317 = arith.constant dense<0.000000e+00> : vector<2048x8xf32>
    %dot_general3A_318 = tpu.matmul %convert_element_type3A_219, %convert_element_type3A_309, %dot_general3A_317 {dimension_numbers = #tpu.dot_dimension_numbers<[1], [0], [0], [1], [0, 0, 1, 1], [], []>, precision = #tpu.contract_precision<fp32>, transpose_lhs_hint = false} : vector<2048x8xf32>, vector<8x8xf32>, vector<2048x8xf32> -> vector<2048x8xf32>
    %eq3A_319 = arith.constant 0.000000e+00 : f32
    %eq3A_320 = vector.broadcast %eq3A_319 : f32 to vector<2048x8xf32>
    %eq3A_321 = arith.cmpf oeq, %dot_general3A_318, %eq3A_320 : vector<2048x8xf32>
    %convert_element_type3A_322 = arith.extui %eq3A_321 : vector<2048x8xi1> to vector<2048x8xi32>
    %convert_element_type3A_323 = arith.sitofp %convert_element_type3A_322 : vector<2048x8xi32> to vector<2048x8xf32>
    %mul3A_324 = arith.mulf %convert_element_type3A_219, %convert_element_type3A_323 : vector<2048x8xf32>
    %eq3A_325 = arith.constant 1.000000e+00 : f32
    %eq3A_326 = vector.broadcast %eq3A_325 : f32 to vector<2048x8xf32>
    %eq3A_327 = arith.cmpf oeq, %dot_general3A_318, %eq3A_326 : vector<2048x8xf32>
    %convert_element_type3A_328 = arith.extui %eq3A_327 : vector<2048x8xi1> to vector<2048x8xi32>
    %convert_element_type3A_329 = arith.sitofp %convert_element_type3A_328 : vector<2048x8xi32> to vector<2048x8xf32>
    %mul3A_330 = arith.mulf %convert_element_type3A_219, %convert_element_type3A_329 : vector<2048x8xf32>
    %mul3A_331 = arith.mulf %mul3A_324, %add3A_316 : vector<2048x8xf32>
    %reduce_sum3A_332 = arith.constant dense<0.000000e+00> : vector<2048xf32>
    %reduce_sum3A_333 = vector.multi_reduction <add>, %mul3A_331, %reduce_sum3A_332 [1] : vector<2048x8xf32> to vector<2048xf32>
    %broadcast_in_dim3A_334 = vector.shape_cast %reduce_sum3A_333 : vector<2048xf32> to vector<2048x1xf32>
    %mul3A_335 = arith.mulf %mul3A_330, %add3A_316 : vector<2048x8xf32>
    %reduce_sum3A_336 = arith.constant dense<0.000000e+00> : vector<2048xf32>
    %reduce_sum3A_337 = vector.multi_reduction <add>, %mul3A_335, %reduce_sum3A_336 [1] : vector<2048x8xf32> to vector<2048xf32>
    %broadcast_in_dim3A_338 = vector.shape_cast %reduce_sum3A_337 : vector<2048xf32> to vector<2048x1xf32>
    %mul3A_339 = arith.mulf %mul3A_324, %mul3A_217 : vector<2048x8xf32>
    %reduce_sum3A_340 = arith.constant dense<0.000000e+00> : vector<2048xf32>
    %reduce_sum3A_341 = vector.multi_reduction <add>, %mul3A_339, %reduce_sum3A_340 [1] : vector<2048x8xf32> to vector<2048xf32>
    %broadcast_in_dim3A_342 = vector.shape_cast %reduce_sum3A_341 : vector<2048xf32> to vector<2048x1xf32>
    %mul3A_343 = arith.mulf %mul3A_330, %mul3A_217 : vector<2048x8xf32>
    %reduce_sum3A_344 = arith.constant dense<0.000000e+00> : vector<2048xf32>
    %reduce_sum3A_345 = vector.multi_reduction <add>, %mul3A_343, %reduce_sum3A_344 [1] : vector<2048x8xf32> to vector<2048xf32>
    %broadcast_in_dim3A_346 = vector.shape_cast %reduce_sum3A_345 : vector<2048xf32> to vector<2048x1xf32>
    %concatenate3A_347 = tpu.concatenate %broadcast_in_dim3A_334, %broadcast_in_dim3A_338 in 1 : vector<2048x1xf32>, vector<2048x1xf32> -> vector<2048x2xf32>
    %transpose3A_348 = tpu.transpose %concatenate3A_347, [1, 0] : vector<2048x2xf32> -> vector<2x2048xf32>
    %convert_element_type3A_349 = arith.fptosi %transpose3A_348 : vector<2x2048xf32> to vector<2x2048xi32>
    %swap3A = arith.constant 0 : index
    %swap3A_350 = arith.constant 0 : index
    %swap3A_351 = vector.load %arg3[%swap3A, %swap3A_350] : memref<2x2048xi32, #tpu.memory_space<vmem>>, vector<2x2048xi32>
    tpu.vector_store %arg3[%swap3A, %swap3A_350], %convert_element_type3A_349 {strides = array<i32>} : memref<2x2048xi32, #tpu.memory_space<vmem>>, vector<2x2048xi32>,
    %concatenate3A_352 = tpu.concatenate %broadcast_in_dim3A_342, %broadcast_in_dim3A_346 in 1 : vector<2048x1xf32>, vector<2048x1xf32> -> vector<2048x2xf32>
    %transpose3A_353 = tpu.transpose %concatenate3A_352, [1, 0] : vector<2048x2xf32> -> vector<2x2048xf32>
    %swap3A_354 = arith.constant 0 : index
    %swap3A_355 = arith.constant 0 : index
    %swap3A_356 = vector.load %arg4[%swap3A_354, %swap3A_355] : memref<2x2048xf32, #tpu.memory_space<vmem>>, vector<2x2048xf32>
    tpu.vector_store %arg4[%swap3A_354, %swap3A_355], %transpose3A_353 {strides = array<i32>} : memref<2x2048xf32, #tpu.memory_space<vmem>>, vector<2x2048xf32>,
    %convert_element_type3A_357 = arith.fptosi %add3A_298 : vector<1x8xf32> to vector<1x8xi32>
    %swap3A_358 = arith.constant 0 : index
    %swap3A_359 = arith.constant 0 : index
    %swap3A_360 = vector.load %arg5[%swap3A_358, %swap3A_359] : memref<1x8xi32, #tpu.memory_space<vmem>>, vector<1x8xi32>
    tpu.vector_store %arg5[%swap3A_358, %swap3A_359], %convert_element_type3A_357 {strides = array<i32>} : memref<1x8xi32, #tpu.memory_space<vmem>>, vector<1x8xi32>,
    return
  }
  func.func @transform_0(%arg0: i32) -> (i32, i32) {
    %c0_i32 = arith.constant 0 : i32
    %c0_i32_0 = arith.constant 0 : i32
    %c0_i32_1 = arith.constant 0 : i32
    return %c0_i32, %c0_i32_0 : i32, i32
  }
  func.func @transform_1(%arg0: i32) -> (i32, i32) {
    %c0_i32 = arith.constant 0 : i32
    %c0_i32_0 = arith.constant 0 : i32
    %c0_i32_1 = arith.constant 0 : i32
    return %c0_i32, %c0_i32_0 : i32, i32
  }
  func.func @transform_2(%arg0: i32) -> (i32, i32) {
    %c0_i32 = arith.constant 0 : i32
    %c0_i32_0 = arith.constant 0 : i32
    %c0_i32_1 = arith.constant 0 : i32
    return %c0_i32, %c0_i32_0 : i32, i32
  }
  func.func @transform_3(%arg0: i32) -> (i32, i32) {
    %c0_i32 = arith.constant 0 : i32
    %c0_i32_0 = arith.constant 0 : i32
    %c0_i32_1 = arith.constant 0 : i32
    return %c0_i32, %c0_i32_0 : i32, i32
  }
  func.func @transform_4(%arg0: i32) -> (i32, i32) {
    %c0_i32 = arith.constant 0 : i32
    %c0_i32_0 = arith.constant 0 : i32
    %c0_i32_1 = arith.constant 0 : i32
    return %c0_i32, %c0_i32_0 : i32, i32
  }
}

module attributes {stable_mosaic.version = 14 : i64} {
  func.func @_k3_body(%arg0: i32, %arg1: memref<256x1024xf32, #tpu.memory_space<vmem>>, %arg2: memref<256x1024xf32, #tpu.memory_space<vmem>>, %arg3: memref<1024x1024xbf16, #tpu.memory_space<vmem>>, %arg4: memref<1024x1024xbf16, #tpu.memory_space<vmem>>, %arg5: memref<1024x1024xbf16, #tpu.memory_space<vmem>>, %arg6: memref<256x1024xf32, #tpu.memory_space<vmem>>) attributes {dimension_semantics = [#tpu.dimension_semantics<arbitrary>], iteration_bounds = array<i64: 8>, scalar_prefetch = 0 : i64, scratch_operands = 0 : i64, tpu.core_type = #tpu.core_type<tc>, window_params = [{transform_indices = @transform_0, window_bounds = array<i64: 256, 1024>}, {transform_indices = @transform_1, window_bounds = array<i64: 256, 1024>}, {pipeline_mode = #tpu.pipeline_mode<synchronous>, transform_indices = @transform_2, window_bounds = array<i64: 1024, 1024>}, {pipeline_mode = #tpu.pipeline_mode<synchronous>, transform_indices = @transform_3, window_bounds = array<i64: 1024, 1024>}, {pipeline_mode = #tpu.pipeline_mode<synchronous>, transform_indices = @transform_4, window_bounds = array<i64: 1024, 1024>}, {transform_indices = @transform_5, window_bounds = array<i64: 256, 1024>}]} {
    %get3A = arith.constant 0 : index
    %get3A_0 = arith.constant 0 : index
    %get3A_1 = vector.load %arg2[%get3A, %get3A_0] : memref<256x1024xf32, #tpu.memory_space<vmem>>, vector<256x1024xf32>
    %get3A_2 = arith.constant 0 : index
    %get3A_3 = arith.constant 0 : index
    %get3A_4 = vector.load %arg3[%get3A_2, %get3A_3] : memref<1024x1024xbf16, #tpu.memory_space<vmem>>, vector<1024x1024xbf16>
    %convert_element_type3A = arith.truncf %get3A_1 : vector<256x1024xf32> to vector<256x1024xbf16>
    %dot_general3A = arith.constant dense<0.000000e+00> : vector<256x1024xf32>
    %dot_general3A_5 = tpu.matmul %convert_element_type3A, %get3A_4, %dot_general3A {dimension_numbers = #tpu.dot_dimension_numbers<[1], [0], [0], [1], [0, 0, 1, 1], [], []>, transpose_lhs_hint = false} : vector<256x1024xbf16>, vector<1024x1024xbf16>, vector<256x1024xf32> -> vector<256x1024xf32>
    %logistic3A = arith.negf %dot_general3A_5 : vector<256x1024xf32>
    %logistic3A_6 = math.exp %logistic3A : vector<256x1024xf32>
    %logistic3A_7 = arith.constant 1.000000e+00 : f32
    %logistic3A_8 = vector.broadcast %logistic3A_7 : f32 to vector<256x1024xf32>
    %logistic3A_9 = arith.addf %logistic3A_8, %logistic3A_6 : vector<256x1024xf32>
    %logistic3A_10 = arith.divf %logistic3A_8, %logistic3A_9 : vector<256x1024xf32>
    %mul3A = arith.mulf %dot_general3A_5, %logistic3A_10 : vector<256x1024xf32>
    %get3A_11 = arith.constant 0 : index
    %get3A_12 = arith.constant 0 : index
    %get3A_13 = vector.load %arg4[%get3A_11, %get3A_12] : memref<1024x1024xbf16, #tpu.memory_space<vmem>>, vector<1024x1024xbf16>
    %convert_element_type3A_14 = arith.truncf %get3A_1 : vector<256x1024xf32> to vector<256x1024xbf16>
    %dot_general3A_15 = arith.constant dense<0.000000e+00> : vector<256x1024xf32>
    %dot_general3A_16 = tpu.matmul %convert_element_type3A_14, %get3A_13, %dot_general3A_15 {dimension_numbers = #tpu.dot_dimension_numbers<[1], [0], [0], [1], [0, 0, 1, 1], [], []>, transpose_lhs_hint = false} : vector<256x1024xbf16>, vector<1024x1024xbf16>, vector<256x1024xf32> -> vector<256x1024xf32>
    %mul3A_17 = arith.mulf %mul3A, %dot_general3A_16 : vector<256x1024xf32>
    %get3A_18 = arith.constant 0 : index
    %get3A_19 = arith.constant 0 : index
    %get3A_20 = vector.load %arg5[%get3A_18, %get3A_19] : memref<1024x1024xbf16, #tpu.memory_space<vmem>>, vector<1024x1024xbf16>
    %convert_element_type3A_21 = arith.truncf %mul3A_17 : vector<256x1024xf32> to vector<256x1024xbf16>
    %dot_general3A_22 = arith.constant dense<0.000000e+00> : vector<256x1024xf32>
    %dot_general3A_23 = tpu.matmul %convert_element_type3A_21, %get3A_20, %dot_general3A_22 {dimension_numbers = #tpu.dot_dimension_numbers<[1], [0], [0], [1], [0, 0, 1, 1], [], []>, transpose_lhs_hint = false} : vector<256x1024xbf16>, vector<1024x1024xbf16>, vector<256x1024xf32> -> vector<256x1024xf32>
    %get3A_24 = arith.constant 0 : index
    %get3A_25 = arith.constant 0 : index
    %get3A_26 = vector.load %arg1[%get3A_24, %get3A_25] : memref<256x1024xf32, #tpu.memory_space<vmem>>, vector<256x1024xf32>
    %add3A = arith.addf %get3A_26, %dot_general3A_23 : vector<256x1024xf32>
    %swap3A = arith.constant 0 : index
    %swap3A_27 = arith.constant 0 : index
    %swap3A_28 = vector.load %arg6[%swap3A, %swap3A_27] : memref<256x1024xf32, #tpu.memory_space<vmem>>, vector<256x1024xf32>
    tpu.vector_store %arg6[%swap3A, %swap3A_27], %add3A {strides = array<i32>} : memref<256x1024xf32, #tpu.memory_space<vmem>>, vector<256x1024xf32>,
    return
  }
  func.func @transform_0(%arg0: i32) -> (i32, i32) {
    %c0_i32 = arith.constant 0 : i32
    %c0_i32_0 = arith.constant 0 : i32
    return %arg0, %c0_i32 : i32, i32
  }
  func.func @transform_1(%arg0: i32) -> (i32, i32) {
    %c0_i32 = arith.constant 0 : i32
    %c0_i32_0 = arith.constant 0 : i32
    return %arg0, %c0_i32 : i32, i32
  }
  func.func @transform_2(%arg0: i32) -> (i32, i32) {
    %c0_i32 = arith.constant 0 : i32
    %c0_i32_0 = arith.constant 0 : i32
    %c0_i32_1 = arith.constant 0 : i32
    return %c0_i32, %c0_i32_0 : i32, i32
  }
  func.func @transform_3(%arg0: i32) -> (i32, i32) {
    %c0_i32 = arith.constant 0 : i32
    %c0_i32_0 = arith.constant 0 : i32
    %c0_i32_1 = arith.constant 0 : i32
    return %c0_i32, %c0_i32_0 : i32, i32
  }
  func.func @transform_4(%arg0: i32) -> (i32, i32) {
    %c0_i32 = arith.constant 0 : i32
    %c0_i32_0 = arith.constant 0 : i32
    %c0_i32_1 = arith.constant 0 : i32
    return %c0_i32, %c0_i32_0 : i32, i32
  }
  func.func @transform_5(%arg0: i32) -> (i32, i32) {
    %c0_i32 = arith.constant 0 : i32
    %c0_i32_0 = arith.constant 0 : i32
    return %arg0, %c0_i32 : i32, i32
  }
}

module attributes {stable_mosaic.version = 14 : i64} {
  func.func @_k5_body(%arg0: i32, %arg1: memref<24xi32, #tpu.memory_space<smem>>, %arg2: memref<1xi32, #tpu.memory_space<smem>>, %arg3: memref<256x1024xf32, #tpu.memory_space<vmem>>, %arg4: memref<1x1024x512xbf16, #tpu.memory_space<vmem>>, %arg5: memref<1x1024x512xbf16, #tpu.memory_space<vmem>>, %arg6: memref<1x512x1024xbf16, #tpu.memory_space<vmem>>, %arg7: memref<256x1024xf32, #tpu.memory_space<vmem>>) attributes {dimension_semantics = [#tpu.dimension_semantics<arbitrary>], iteration_bounds = array<i64: 24>, scalar_prefetch = 2 : i64, scratch_operands = 0 : i64, tpu.core_type = #tpu.core_type<tc>, window_params = [{transform_indices = @transform_0, window_bounds = array<i64: 256, 1024>}, {transform_indices = @transform_1, window_bounds = array<i64: 1, 1024, 512>}, {transform_indices = @transform_2, window_bounds = array<i64: 1, 1024, 512>}, {transform_indices = @transform_3, window_bounds = array<i64: 1, 512, 1024>}, {transform_indices = @transform_4, window_bounds = array<i64: 256, 1024>}]} {
    %get3A = arith.constant 0 : index
    %get3A_0 = memref.load %arg2[%get3A] : memref<1xi32, #tpu.memory_space<smem>>
    %lt3A = arith.cmpi slt, %arg0, %get3A_0 : i32
    %convert_element_type3A = arith.extui %lt3A : i1 to i32
    %cond3A = arith.constant 0 : i32
    %cond3A_1 = arith.cmpi ne, %convert_element_type3A, %cond3A : i32
    scf.if %cond3A_1 {
      %get3A_2 = arith.constant 0 : index
      %get3A_3 = arith.constant 0 : index
      %get3A_4 = vector.load %arg3[%get3A_2, %get3A_3] : memref<256x1024xf32, #tpu.memory_space<vmem>>, vector<256x1024xf32>
      %convert_element_type3A_5 = arith.truncf %get3A_4 : vector<256x1024xf32> to vector<256x1024xbf16>
      %get3A_6 = arith.constant 0 : index
      %get3A_7 = arith.constant 0 : index
      %get3A_8 = arith.constant 0 : index
      %get3A_9 = vector.load %arg4[%get3A_6, %get3A_7, %get3A_8] : memref<1x1024x512xbf16, #tpu.memory_space<vmem>>, vector<1x1024x512xbf16>
      %get3A_10 = vector.shape_cast %get3A_9 : vector<1x1024x512xbf16> to vector<1024x512xbf16>
      %dot_general3A = arith.constant dense<0.000000e+00> : vector<256x512xf32>
      %dot_general3A_11 = tpu.matmul %convert_element_type3A_5, %get3A_10, %dot_general3A {dimension_numbers = #tpu.dot_dimension_numbers<[1], [0], [0], [1], [0, 0, 1, 1], [], []>, transpose_lhs_hint = false} : vector<256x1024xbf16>, vector<1024x512xbf16>, vector<256x512xf32> -> vector<256x512xf32>
      %get3A_12 = arith.constant 0 : index
      %get3A_13 = arith.constant 0 : index
      %get3A_14 = arith.constant 0 : index
      %get3A_15 = vector.load %arg5[%get3A_12, %get3A_13, %get3A_14] : memref<1x1024x512xbf16, #tpu.memory_space<vmem>>, vector<1x1024x512xbf16>
      %get3A_16 = vector.shape_cast %get3A_15 : vector<1x1024x512xbf16> to vector<1024x512xbf16>
      %dot_general3A_17 = arith.constant dense<0.000000e+00> : vector<256x512xf32>
      %dot_general3A_18 = tpu.matmul %convert_element_type3A_5, %get3A_16, %dot_general3A_17 {dimension_numbers = #tpu.dot_dimension_numbers<[1], [0], [0], [1], [0, 0, 1, 1], [], []>, transpose_lhs_hint = false} : vector<256x1024xbf16>, vector<1024x512xbf16>, vector<256x512xf32> -> vector<256x512xf32>
      %logistic3A = arith.negf %dot_general3A_11 : vector<256x512xf32>
      %logistic3A_19 = math.exp %logistic3A : vector<256x512xf32>
      %logistic3A_20 = arith.constant 1.000000e+00 : f32
      %logistic3A_21 = vector.broadcast %logistic3A_20 : f32 to vector<256x512xf32>
      %logistic3A_22 = arith.addf %logistic3A_21, %logistic3A_19 : vector<256x512xf32>
      %logistic3A_23 = arith.divf %logistic3A_21, %logistic3A_22 : vector<256x512xf32>
      %mul3A = arith.mulf %dot_general3A_11, %logistic3A_23 : vector<256x512xf32>
      %mul3A_24 = arith.mulf %mul3A, %dot_general3A_18 : vector<256x512xf32>
      %convert_element_type3A_25 = arith.truncf %mul3A_24 : vector<256x512xf32> to vector<256x512xbf16>
      %get3A_26 = arith.constant 0 : index
      %get3A_27 = arith.constant 0 : index
      %get3A_28 = arith.constant 0 : index
      %get3A_29 = vector.load %arg6[%get3A_26, %get3A_27, %get3A_28] : memref<1x512x1024xbf16, #tpu.memory_space<vmem>>, vector<1x512x1024xbf16>
      %get3A_30 = vector.shape_cast %get3A_29 : vector<1x512x1024xbf16> to vector<512x1024xbf16>
      %dot_general3A_31 = arith.constant dense<0.000000e+00> : vector<256x1024xf32>
      %dot_general3A_32 = tpu.matmul %convert_element_type3A_25, %get3A_30, %dot_general3A_31 {dimension_numbers = #tpu.dot_dimension_numbers<[1], [0], [0], [1], [0, 0, 1, 1], [], []>, transpose_lhs_hint = false} : vector<256x512xbf16>, vector<512x1024xbf16>, vector<256x1024xf32> -> vector<256x1024xf32>
      %swap3A = arith.constant 0 : index
      %swap3A_33 = arith.constant 0 : index
      %swap3A_34 = vector.load %arg7[%swap3A, %swap3A_33] : memref<256x1024xf32, #tpu.memory_space<vmem>>, vector<256x1024xf32>
      tpu.vector_store %arg7[%swap3A, %swap3A_33], %dot_general3A_32 {strides = array<i32>} : memref<256x1024xf32, #tpu.memory_space<vmem>>, vector<256x1024xf32>,
    } else {
    }
    return
  }
  func.func @transform_0(%arg0: i32, %arg1: memref<24xi32, #tpu.memory_space<smem>>, %arg2: memref<1xi32, #tpu.memory_space<smem>>) -> (i32, i32) {
    %c0_i32 = arith.constant 0 : i32
    %c0_i32_0 = arith.constant 0 : i32
    return %arg0, %c0_i32 : i32, i32
  }
  func.func @transform_1(%arg0: i32, %arg1: memref<24xi32, #tpu.memory_space<smem>>, %arg2: memref<1xi32, #tpu.memory_space<smem>>) -> (i32, i32, i32) {
    %get3A = arith.index_cast %arg0 : i32 to index
    %get3A_0 = memref.load %arg1[%get3A] : memref<24xi32, #tpu.memory_space<smem>>
    %c0_i32 = arith.constant 0 : i32
    %c0_i32_1 = arith.constant 0 : i32
    %c0_i32_2 = arith.constant 0 : i32
    return %get3A_0, %c0_i32, %c0_i32_1 : i32, i32, i32
  }
  func.func @transform_2(%arg0: i32, %arg1: memref<24xi32, #tpu.memory_space<smem>>, %arg2: memref<1xi32, #tpu.memory_space<smem>>) -> (i32, i32, i32) {
    %get3A = arith.index_cast %arg0 : i32 to index
    %get3A_0 = memref.load %arg1[%get3A] : memref<24xi32, #tpu.memory_space<smem>>
    %c0_i32 = arith.constant 0 : i32
    %c0_i32_1 = arith.constant 0 : i32
    %c0_i32_2 = arith.constant 0 : i32
    return %get3A_0, %c0_i32, %c0_i32_1 : i32, i32, i32
  }
  func.func @transform_3(%arg0: i32, %arg1: memref<24xi32, #tpu.memory_space<smem>>, %arg2: memref<1xi32, #tpu.memory_space<smem>>) -> (i32, i32, i32) {
    %get3A = arith.index_cast %arg0 : i32 to index
    %get3A_0 = memref.load %arg1[%get3A] : memref<24xi32, #tpu.memory_space<smem>>
    %c0_i32 = arith.constant 0 : i32
    %c0_i32_1 = arith.constant 0 : i32
    %c0_i32_2 = arith.constant 0 : i32
    return %get3A_0, %c0_i32, %c0_i32_1 : i32, i32, i32
  }
  func.func @transform_4(%arg0: i32, %arg1: memref<24xi32, #tpu.memory_space<smem>>, %arg2: memref<1xi32, #tpu.memory_space<smem>>) -> (i32, i32) {
    %c0_i32 = arith.constant 0 : i32
    %c0_i32_0 = arith.constant 0 : i32
    return %arg0, %c0_i32 : i32, i32
  }
}

</mosaic_0001>

<sc_bundles>
// kernel: kernel.10.cloned.1.call-start
scs
__scs_entry_jumppad:
0x0: {  	(pc) =	sbr.rel $0x88, $3  }
0x1: {  	(tag) =	ssettag $0x0;
	lr =	simm.s32 $0x1  }
0x2: {  	[smem:$0x3F8F] =	sst lr;
	_ =	strace $0xD0000000  }
0x3: {  	_ = 	snop  }
0x4: {  	_ = 	snop  }
0x5: {  	_ = 	snop  }
0x6: {  	_ = 	snop  }
0x7: {  	_ = 	snop  }
__scs_overlays_trampoline_lowered:
0x8: {  	[smem:$0x3F9E] =	sst s0  }
0x9: {  	[smem:$0x3F9F] =	sst s1  }
0xa: {  	[smem:$0x3FA0] =	sst s2  }
0xb: {  	[smem:$0x3FA1] =	sst s3  }
0xc: {  	[smem:$0x3FA2] =	sst s4  }
0xd: {  	[smem:$0x3FA3] =	sst s5  }
0xe: {  	[smem:$0x3FA4] =	sst s6  }
0xf: {  	[smem:$0x3FA5] =	sst s7  }
0x10: {  	[smem:$0x3FA6] =	sst s8  }
0x11: {  	[smem:$0x3FA7] =	sst s9;
	s0 =	simm.s32 @!p0 $0x0  }
0x12: {  	s1 =	sld [smem:$0x3F8D];
	s0 =	simm.s32 @p0 $0x1  }
0x13: {  	[smem:$0x3FA8] =	sst s0;
	s0 =	simm.s32 @!p1 $0x0  }
0x14: {  	s2 =	sld [smem:$0x3F8C];
	s0 =	simm.s32 @p1 $0x1  }
0x15: {  	[smem:$0x3FA9] =	sst s0;
	s0 =	simm.s32 @!p2 $0x0  }
0x16: {  	s3 =	sld [smem:$0x3FDB];
	s0 =	simm.s32 @p2 $0x1  }
0x17: {  	s4 =	simm.s32 $0x1BF5;
	[smem:$0x3FAB] =	sst s0  }
0x18: {  	s0 =	sld [smem:$0x3F8E];
	_ =	swait.ge [sflag:s4], $0x0  }
0x19: {  	s7 =	sld [smem:$0x3F8F]  }
0x1a: {  	s8 =	sadd.s32 $0xFFFFE003, lr  }
0x1b: {  	s9 =	sadd.s32 $0xFFFFFEF7, lr;
	s5 =	simm.s32 $0xFFFFFFFF;
	p2 =	slt.u32 s8, $0xFFFFF086  }
0x1c: {  	p1 =	slt.u32 s9, $0xF7A;
	s5 =	simm.s32 @!p2 $0x0  }
0x1d: {  	s5 =	simm.s32 @p1 $0x1;
	p0 =	seq.s32 s7, s2  }
0x1e: {  	s7 =	smul.u32 @!p0 $0xF7A, s2;
	p2 =	seq.s32 @!p0 s5, $0x0  }
0x1f: {  	s9 =	smul.u32 $0xF7A, s1;
	s8 =	simm.s32 @!p0 $0x1BF5;
	p2 =	por !p2, p0  }
0x20: {  	[sflag:s8] =	ssyncset.s32 @!p0 $0xFFFFF086;
	s6 =	sadd.s32 @!p0 s3, s7;
	s7 =	simm.s32 @!p0 $0x108  }
0x21: {  	s3 =	sadd.s32 s3, s9;
	s6 =	sadd.s32 @!p0 $0x88, s6;
	s7 =	simm.s32 @p2 $0x1082  }
0x22: {  	[simem:s7], [sflag:s8] =	dma.local @!p0 [hbm:s6], $0xF7A  }
0x23: {  	s9 =	sor.u32 $0xD0000000, s2;
	s6 =	simm.s32 $0x108;
	_ =	swait.ge @!p0 [sflag:s8], $0x0  }
0x24: {  	s3 =	sadd.s32 $0x88, s3;
	s6 =	simm.s32 @!p1 $0x1082;
	[sflag:s4] =	ssyncset.s32 $0xFFFFF086  }
0x25: {  	[simem:s6], [sflag:s4] =	dma.local [hbm:s3], $0xF7A  }
0x26: {  	[smem:$0x3F8F] =	sst s1;
	(tag) =	ssettag s2;
	_ =	strace s9  }
0x27: {  	s1 =	sld [smem:$0x3F9F]  }
0x28: {  	s2 =	sld [smem:$0x3FA0]  }
0x29: {  	s4 =	sld [smem:$0x3FA2]  }
0x2a: {  	p0 =	seq.s32 s5, $0x0;
	s5 =	sld [smem:$0x3FA3]  }
0x2b: {  	s6 =	sld [smem:$0x3FA4]  }
0x2c: {  	s7 =	sld [smem:$0x3FA5]  }
0x2d: {  	s3 =	simm.s32 $0x108;
	s8 =	sld [smem:$0x3FA6]  }
0x2e: {  	s3 =	simm.s32 @!p0 $0x1082;
	s9 =	sld [smem:$0x3FA7]  }
0x2f: {  	lr =	sadd.s32 s0, s3;
	s0 =	sld [smem:$0x3F9E]  }
0x30: {  	s3 =	sld [smem:$0x3FA1]  }
0x31: {  	[smem:$0x3FAA] =	sst s10  }
0x32: {  	s10 =	sld [smem:$0x3FA8];
	_ =	sdelay $0x3  }
0x33: {  	p0 =	seq.s32 s10, $0x1;
	s10 =	sld [smem:$0x3FAA];
	_ =	sdelay $0x3  }
0x34: {  	[smem:$0x3FAA] =	sst s10  }
0x35: {  	s10 =	sld [smem:$0x3FA9];
	_ =	sdelay $0x3  }
0x36: {  	p1 =	seq.s32 s10, $0x1;
	s10 =	sld [smem:$0x3FAA];
	_ =	sdelay $0x3  }
0x37: {  	[smem:$0x3FAA] =	sst s10  }
0x38: {  	s10 =	sld [smem:$0x3FAB]  }
0x39: {  	_ = 	snop;
	(pc) =	sbr.ind lr, $3  }
0x3a: {  	_ = 	snop  }
0x3b: {  	_ = 	snop  }
0x3c: {  	p2 =	seq.s32 s10, $0x1;
	s10 =	sld [smem:$0x3FAA]  }
0x3d: {  	_ =	shalt  }
0x3e: {  	_ =	shalt  }
0x3f: {  	_ =	shalt  }
0x40: {  	_ =	shalt  }
0x41: {  	_ =	shalt  }
0x42: {  	_ =	shalt  }
0x43: {  	_ =	shalt  }
0x44: {  	_ =	shalt  }
0x45: {  	_ =	shalt  }
0x46: {  	_ =	shalt  }
0x47: {  	_ =	shalt  }
0x48: {  	_ =	shalt  }
0x49: {  	_ =	shalt  }
0x4a: {  	_ =	shalt  }
0x4b: {  	_ =	shalt  }
0x4c: {  	_ =	shalt  }
0x4d: {  	_ =	shalt  }
0x4e: {  	_ =	shalt  }
0x4f: {  	_ =	shalt  }
0x50: {  	_ =	shalt  }
0x51: {  	_ =	shalt  }
0x52: {  	_ =	shalt  }
0x53: {  	_ =	shalt  }
0x54: {  	_ =	shalt  }
0x55: {  	_ =	shalt  }
0x56: {  	_ =	shalt  }
0x57: {  	_ =	shalt  }
0x58: {  	_ =	shalt  }
0x59: {  	_ =	shalt  }
0x5a: {  	_ =	shalt  }
0x5b: {  	_ =	shalt  }
0x5c: {  	_ =	shalt  }
0x5d: {  	_ =	shalt  }
0x5e: {  	_ =	shalt  }
0x5f: {  	_ =	shalt  }
0x60: {  	_ =	shalt  }
0x61: {  	_ =	shalt  }
0x62: {  	_ =	shalt  }
0x63: {  	_ =	shalt  }
0x64: {  	_ =	shalt  }
0x65: {  	_ =	shalt  }
0x66: {  	_ =	shalt  }
0x67: {  	_ =	shalt  }
0x68: {  	_ =	shalt  }
0x69: {  	_ =	shalt  }
0x6a: {  	_ =	shalt  }
0x6b: {  	_ =	shalt  }
0x6c: {  	_ =	shalt  }
0x6d: {  	_ =	shalt  }
0x6e: {  	_ =	shalt  }
0x6f: {  	_ =	shalt  }
0x70: {  	_ =	shalt  }
0x71: {  	_ =	shalt  }
0x72: {  	_ =	shalt  }
0x73: {  	_ =	shalt  }
0x74: {  	_ =	shalt  }
0x75: {  	_ =	shalt  }
0x76: {  	_ =	shalt  }
0x77: {  	_ =	shalt  }
0x78: {  	_ =	shalt  }
0x79: {  	_ =	shalt  }
0x7a: {  	_ =	shalt  }
0x7b: {  	_ =	shalt  }
0x7c: {  	_ =	shalt  }
0x7d: {  	_ =	shalt  }
0x7e: {  	_ =	shalt  }
0x7f: {  	_ =	shalt  }
0x80: {  	_ =	shalt  }
0x81: {  	_ =	shalt  }
0x82: {  	_ =	shalt  }
0x83: {  	_ =	shalt  }
0x84: {  	_ =	shalt  }
0x85: {  	_ =	shalt  }
0x86: {  	_ =	shalt  }
0x87: {  	_ =	shalt  }
.Lfunc_end0:
.L_simem_size_0:
called_computation.1_lowered:
.L_overlay_start_0:
0x88: {  	s2 =	sld [smem:$0x3FD9]  }
0x89: {  	s3 =	sld [smem:$0x3FFE];
	_ =	sdelay $0x1  }
0x8a: {  	s1 =	srdreg.scid  }
0x8b: {  	s0 =	sand.u32 $0x1, s1  }
0x8c: {  	s17 =	sshll.u32 s0, $0xA;
	s2 =	sadd.s32 s3, s2  }
0x8d: {  	s2 =	sadd.s32 s2, s17  }
0x8e: {  	[smem:$0x3FB6] =	sst s2  }
0x8f: {  	_ = 	snop  }
0x90: {  	s2 =	sld [smem:$0x3FD0];
	(tm) =	ssettm $0x1  }
0x91: {  	s18 =	sld [smem:$0x3FFB];
	_ =	sdelay $0x3  }
0x92: {  	_ =	strace s18  }
0x93: {  	s3 =	sld [smem:$0x3FFC];
	_ =	sdelay $0x3  }
0x94: {  	_ =	strace s3  }
0x95: {  	s3 =	sld [smem:$0x3FFD];
	_ =	sdelay $0x3  }
0x96: {  	_ =	strace s3  }
0x97: {  	_ =	strace $0x8FFFFFFF  }
0x98: {  	s19 =	sld [smem:$0x3FDB];
	_ =	sdelay $0x1  }
0x99: {  	s4 =	simm.s32 $_scs_section_size  }
0x9a: {  	s5 =	simm.s32 $_size__tile_overlayer_lowered;
	s6 =	simm.s32 $_tile_overlayer_lowered  }
0x9b: {  	s22 =	simm.s32 $0x1BFF;
	s21 =	sshll.u32 s6, $0x1;
	s3 =	sadd.s32 s4, s19  }
0x9c: {  	s7 =	simm.s32 $0x0;
	s20 =	sshll.u32 s5, $0x1;
	s5 =	sadd.s32 s21, s3  }
0x9d: {  	[timem:s7], [sflag:s22] =	dma.local [hbm:s5], s20  }
0x9e: {  	_ =	swait.ge [sflag:s22], s20  }
0x9f: {  	s4 =	ssub.s32 $0x0, s20;
	[sflag:s22] =	ssyncset.done $0x0  }
0xa0: {  	[sflag:s22] =	ssyncadd.s32 s4;
	_ =	sdelay $0x1  }
0xa1: {  	s23 =	simm.s32 $0x1B8B  }
0xa2: {  	_ =	swait.ge [sflag:s23], $0x1  }
0xa3: {  	[sflag:s23] =	ssyncset.done $0x0  }
0xa4: {  	s25 =	simm.s32 $0x1B8E;
	s24 =	sld [smem:$0x3FFE];
	[sflag:s23] =	ssyncadd.s32 $0xFFFFFFFF  }
0xa5: {  	s26 =	simm.s32 $execute0_lowered;
	[smem:$0x3FD2] =	sst s25  }
0xa6: {  	s5 =	sshll.u32 s26, $0x1;
	_ =	strace $0x80000049;
	[dreg:$0x1] =	wrdreg $0xFFFFFFFF  }
0xa7: {  	s28 =	simm.s32 $_size_execute0_lowered;
	s3 =	sadd.s32 s3, s5;
	[dreg:$0x0] =	wrdreg $0x0  }
0xa8: {  	s5 =	sshll.u32 s28, $0x1;
	[dreg:$0x2] =	wrdreg s3  }
0xa9: {  	[dreg:$0x3] =	wrdreg s5  }
0xaa: {  	[dreg:$0x4] =	wrdreg $0xC0  }
0xab: {  	_ =	task [dreg:s7], $0x5FFFF  }
0xac: {  	[dreg:$0x1] =	wrdreg $0xFFFFFFFF  }
0xad: {  	[dreg:$0x0] =	wrdreg $0x60  }
0xae: {  	[dreg:$0x2] =	wrdreg s24  }
0xaf: {  	[dreg:$0x3] =	wrdreg s2  }
0xb0: {  	[dreg:$0x4] =	wrdreg $0x9  }
0xb1: {  	_ =	task.clear_ibuf [dreg:s7], $0x5FFFF;
	_ =	strace $0x90000049  }
0xb2: {  	s29 =	simm.s32 $0x9;
	_ =	strace $0x8000004B  }
0xb3: {  	_ =	swait.ge [sflag:s29], $0x1  }
0xb4: {  	[sflag:s29] =	ssyncadd.s32 $0xFFFFFFFF  }
0xb5: {  	_ =	strace $0x9000004B  }
0xb6: {  	_ =	sfence  }
0xb7: {  	s30 =	sld [smem:$0x0];
	_ =	sdelay $0x2  }
0xb8: {  	s31 =	sshll.u32 s1, $0xD;
	s1 =	sshrl.u32 s1, $0x2  }
0xb9: {  	s3 =	sand.u32 $0x4000, s31;
	s1 =	sadd.s32 s1, s30  }
0xba: {  	s0 =	sor.u32 s3, s0;
	s1 =	sshll.u32 s1, $0x11  }
0xbb: {  	s0 =	sor.u32 s1, s0  }
0xbc: {  	s0 =	sadd.s32 $0x8F2B, s0  }
0xbd: {  	[sflag:s0] =	ssyncadd.remote.s32 $0x1  }
0xbe: {  	_ =	sfence.sel $0xFFFF  }
0xbf: {  	[dreg:$0x0] =	wrdreg $0xFFFFFFFF;
	(pc) =	sbr.abs _section_cstart, $3  }
0xc0: {  	[dreg:$0x1] =	wrdreg $0xFFFFFFFF  }
0xc1: {  	_ =	task.clear_ibuf [dreg:s7], $0x2FFFF;
	_ =	strace $0x9FFFFFFF  }
0xc2: {  	(tm) =	ssettm $0x7FFFFFFF  }
0xc3: {  	_ =	shalt  }
tec
execute0_lowered:
.L_overlay_start_1:
0x0: {  	(tag) =	ssettag $0x1  }
0x1: {  	s0 =	rddreg [dreg:$0x0]  }
0x2: {  	s1 =	srdreg.scid;
	s3 =	simm.s32 $0x0;
	s2 =	stileid.u32  }
0x3: {  	s15 =	simm.s32 $0x3;
	s28 =	simm.s32 $0x4200;
	s29 =	simm.s32 $0x4A00  }
0x4: {  	s30 =	simm.s32 $0x5200;
	s31 =	simm.s32 $0x5A00;
	s16 =	simm.s32 $0x7200  }
0x5: {  	s17 =	simm.s32 $0x7A00;
	s18 =	simm.s32 $0x8200;
	s1 =	sand.u32 $0x1, s1  }
0x6: {  	[smem:$0x7FF] =	sst s3;
	s2 =	sshll.u32 s2, $0x7;
	s4 =	sadd.s32 $0x181E00, s0  }
0x7: {  	s6 =	sadd.s32 $0x1800, s0;
	s21 =	sadd.s32 $0x41800, s0;
	s9 =	sadd.s32 $0x41A00, s0  }
0x8: {  	s11 =	sadd.s32 $0x181F00, s0;
	s12 =	sadd.s32 $0x182000, s0;
	s7 =	sshll.u32 s1, $0x6  }
0x9: {  	s13 =	sadd.s32 $0x182100, s0;
	s1 =	ssub.s32 $0x2, s1;
	s5 =	sor.u32 s7, s2  }
0xa: {  	s0 =	simm.s32 $0x6200;
	s22 =	sshrl.u32 s1, $0x1;
	s8 =	sshll.u32 s5, $0x1  }
0xb: {  	_ =	strace $0x8000004A;
	s1 =	ssub.s32 s1, s22;
	s10 =	sand.u32 $0xF00, s8  }
0xc: {  	s22 =	simm.s32 $0x1A00;
	s8 =	sor.u32 s7, s8;
	s7 =	sor.u32 s7, s10  }
0xd: {  	s26 =	smax.u32 s1, $0x1;
	s8 =	sshrl.u32 s8, $0x3;
	s7 =	sshrl.u32 s7, $0x3  }
0xe: {  	[dreg:$0x7] =	wrdreg s26;
	s8 =	sor.u32 $0x10, s8;
	s23 =	sadd.s32 s21, s7  }
0xf: {  	s1 =	simm.s32 $0x6A00;
	s2 =	sadd.s32 s21, s8;
	[dreg:$0x3] =	wrdreg s23  }
0x10: {  	s26 =	simm.s32 $0x3A00;
	s24 =	sadd.s32 s9, s7;
	[dreg:$0x4] =	wrdreg s2  }
0x11: {  	v2 =	vlaneseq.u32;
	s25 =	sadd.s32 s9, s8;
	s7 =	simm.s32 $0x1;
	[dreg:$0x5] =	wrdreg s24  }
0x12: {  	vm0 =	vmmov $0xffff;
	v1 =	vshrl.u32 v2, $0x3;
	s8 =	simm.s32 $0x2;
	s9 =	simm.s32 $0x0;
	[dreg:$0x6] =	wrdreg s25  }
0x13: {  	v0 =	vand.u32 $0x7, v2;
	v2 =	vor.u32 $0x8, v2;
	v1 =	vmul.u32 $0x8, v1;
	s23 =	simm.s32 $0x2200;
	s24 =	simm.s32 $0x2A00;
	s25 =	simm.s32 $0x3200  }
.LBB2_1:
0x14: {  	[dreg:$0x8] =	wrdreg s9  }
0x15: {  	s2 =	rddreg [dreg:$0x3]  }
0x16: {  	[tilespmem:s3], [sflag:$0x3] =	stream.linear.gather [hbm4b:s2+s3], $0x40, $0x38;
	[tilespmem:$0xC200] =	vst v63  }
0x17: {  	_ =	swait.ge [sflag:s15], $0x40  }
0x18: {  	[sflag:s15] =	ssyncset.done $0x0  }
0x19: {  	s10 =	simm.s32 $0x80;
	s9 =	rddreg [dreg:$0x4];
	[sflag:s15] =	ssyncadd.s32 $0xFFFFFFC0  }
0x1a: {  	[tilespmem:s10], [sflag:$0x3] =	stream.linear.gather [hbm4b:s9+s3], $0x40, $0x38;
	[tilespmem:$0xC200] =	vst v63  }
0x1b: {  	_ =	swait.ge [sflag:s15], $0x40  }
0x1c: {  	[sflag:s15] =	ssyncset.done $0x0  }
0x1d: {  	s19 =	simm.s32 $0x100;
	s14 =	rddreg [dreg:$0x5];
	[sflag:s15] =	ssyncadd.s32 $0xFFFFFFC0  }
0x1e: {  	[tilespmem:s19], [sflag:$0x3] =	stream.linear.gather [hbm4b:s14+s3], $0x40, $0x38;
	[tilespmem:$0xC200] =	vst v63  }
0x1f: {  	_ =	swait.ge [sflag:s15], $0x40  }
0x20: {  	[sflag:s15] =	ssyncset.done $0x0  }
0x21: {  	s21 =	simm.s32 $0x180;
	s20 =	rddreg [dreg:$0x6];
	[sflag:s15] =	ssyncadd.s32 $0xFFFFFFC0  }
0x22: {  	[tilespmem:s21], [sflag:$0x3] =	stream.linear.gather [hbm4b:s20+s3], $0x40, $0x38;
	[tilespmem:$0xC200] =	vst v63  }
0x23: {  	_ =	swait.ge [sflag:s15], $0x40  }
0x24: {  	[sflag:s15] =	ssyncset.done $0x0  }
0x25: {  	s10 =	simm.s32 $0x0;
	[sflag:s15] =	ssyncadd.s32 $0xFFFFFFC0  }
.LBB2_2:
0x26: {  	s2 =	sshll.u32 s10, $0x4  }
0x27: {  	v3 =	vld [tilespmem:s2+$0x0];
	_ =	sdelay $0x4  }
0x28: {  	v4 =	vshll.u32 v3, $0x3  }
0x29: {  	v3 =	vand.u32 $0x7, v3;
	v4 =	vand.u32 $0xFFFFFFC0, v4  }
0x2a: {  	v3 =	vor.u32 v3, v4  }
0x2b: {  	v4 =	vperm.xlane v3, v0;
	_ =	sdelay $0x1  }
0x2c: {  	v4 =	vadd.s32 v1, v4;
	_ =	sdelay $0x3  }
0x2d: {  	s9 =	simm.s32 $0x0;
	s14 =	simm.s32 $0x200  }
0x2e: {  	[tilespmem:s14], [sflag:$0x1] =	stream.indirect_vreg.gather [hbm4b:s4+s9], $0x80, v4, vm0, $0xb8;
	[tilespmem:$0xC200] =	vst v63  }
0x2f: {  	s20 =	simm.s32 $0xA00;
	v3 =	vperm.xlane v3, v2  }
0x30: {  	[tilespmem:s20], [sflag:$0x1] =	stream.indirect_vreg.gather [hbm4b:s11+s9], $0x80, v4, vm0, $0xb8;
	[tilespmem:$0xC200] =	vst v63  }
0x31: {  	s21 =	simm.s32 $0x1200;
	v3 =	vadd.s32 v1, v3  }
0x32: {  	[tilespmem:s21], [sflag:$0x1] =	stream.indirect_vreg.gather [hbm4b:s12+s9], $0x80, v4, vm0, $0xb8;
	[tilespmem:$0xC200] =	vst v63  }
0x33: {  	_ = 	snop  }
0x34: {  	[tilespmem:s22], [sflag:$0x1] =	stream.indirect_vreg.gather [hbm4b:s13+s9], $0x80, v4, vm0, $0xb8;
	[tilespmem:$0xC200] =	vst v63  }
0x35: {  	_ = 	snop  }
0x36: {  	[tilespmem:s23], [sflag:$0x1] =	stream.indirect_vreg.gather [hbm4b:s4+s9], $0x80, v3, vm0, $0xb8;
	[tilespmem:$0xC200] =	vst v63  }
0x37: {  	_ = 	snop  }
0x38: {  	[tilespmem:s24], [sflag:$0x1] =	stream.indirect_vreg.gather [hbm4b:s11+s9], $0x80, v3, vm0, $0xb8;
	[tilespmem:$0xC200] =	vst v63  }
0x39: {  	_ = 	snop  }
0x3a: {  	[tilespmem:s25], [sflag:$0x1] =	stream.indirect_vreg.gather [hbm4b:s12+s9], $0x80, v3, vm0, $0xb8;
	[tilespmem:$0xC200] =	vst v63  }
0x3b: {  	_ = 	snop  }
0x3c: {  	[tilespmem:s26], [sflag:$0x1] =	stream.indirect_vreg.gather [hbm4b:s13+s9], $0x80, v3, vm0, $0xb8;
	[tilespmem:$0xC200] =	vst v63  }
0x3d: {  	v3 =	vld [tilespmem:s2+$0x80];
	_ =	sdelay $0x4  }
0x3e: {  	v4 =	vshll.u32 v3, $0x3  }
0x3f: {  	v3 =	vand.u32 $0x7, v3;
	v4 =	vand.u32 $0xFFFFFFC0, v4  }
0x40: {  	v3 =	vor.u32 v3, v4  }
0x41: {  	v4 =	vperm.xlane v3, v0;
	_ =	sdelay $0x1  }
0x42: {  	v4 =	vadd.s32 v1, v4;
	_ =	sdelay $0x4  }
0x43: {  	[tilespmem:s28], [sflag:$0x2] =	stream.indirect_vreg.gather [hbm4b:s4+s9], $0x80, v4, vm0, $0xb8;
	[tilespmem:$0xC200] =	vst v63  }
0x44: {  	v3 =	vperm.xlane v3, v2  }
0x45: {  	[tilespmem:s29], [sflag:$0x2] =	stream.indirect_vreg.gather [hbm4b:s11+s9], $0x80, v4, vm0, $0xb8;
	[tilespmem:$0xC200] =	vst v63  }
0x46: {  	v3 =	vadd.s32 v1, v3  }
0x47: {  	[tilespmem:s30], [sflag:$0x2] =	stream.indirect_vreg.gather [hbm4b:s12+s9], $0x80, v4, vm0, $0xb8;
	[tilespmem:$0xC200] =	vst v63  }
0x48: {  	_ = 	snop  }
0x49: {  	[tilespmem:s31], [sflag:$0x2] =	stream.indirect_vreg.gather [hbm4b:s13+s9], $0x80, v4, vm0, $0xb8;
	[tilespmem:$0xC200] =	vst v63  }
0x4a: {  	_ = 	snop  }
0x4b: {  	[tilespmem:s0], [sflag:$0x2] =	stream.indirect_vreg.gather [hbm4b:s4+s9], $0x80, v3, vm0, $0xb8;
	[tilespmem:$0xC200] =	vst v63  }
0x4c: {  	_ = 	snop  }
0x4d: {  	[tilespmem:s1], [sflag:$0x2] =	stream.indirect_vreg.gather [hbm4b:s11+s9], $0x80, v3, vm0, $0xb8;
	[tilespmem:$0xC200] =	vst v63  }
0x4e: {  	s19 =	sor.u32 s5, s2  }
0x4f: {  	[tilespmem:s16], [sflag:$0x2] =	stream.indirect_vreg.gather [hbm4b:s12+s9], $0x80, v3, vm0, $0xb8;
	[tilespmem:$0xC200] =	vst v63  }
0x50: {  	s14 =	sshll.u32 s19, $0x7  }
0x51: {  	[tilespmem:s17], [sflag:$0x2] =	stream.indirect_vreg.gather [hbm4b:s13+s9], $0x80, v3, vm0, $0xb8;
	[tilespmem:$0xC200] =	vst v63  }
0x52: {  	s19 =	sadd.s32 s6, s14  }
0x53: {  	[tilespmem:s18], [sflag:$0x3] =	stream.linear.gather [hbm4b:s19+s9], $0x4000, $0x38;
	[tilespmem:$0xC200] =	vst v63  }
0x54: {  	_ =	swait.ge [sflag:s15], $0x4000  }
0x55: {  	[sflag:s15] =	ssyncset.done $0x0  }
0x56: {  	[sflag:s15] =	ssyncadd.s32 $0xFFFFC000  }
0x57: {  	_ =	swait.ge [sflag:s7], $0x4000  }
0x58: {  	[sflag:s7] =	ssyncset.done $0x0  }
0x59: {  	[sflag:s7] =	ssyncadd.s32 $0xFFFFC000  }
0x5a: {  	_ =	swait.ge [sflag:s8], $0x4000  }
0x5b: {  	[sflag:s8] =	ssyncset.done $0x0  }
0x5c: {  	[sflag:s8] =	ssyncadd.s32 $0xFFFFC000  }
0x5d: {  	s20 =	sand.u32 $0x70, s9;
	s9 =	sand.u32 $0x1C00, s9;
	v3 =	vld [tilespmem:s2+$0x100]  }
0x5e: {  	s9 =	sor.u32 s20, s9;
	v4 =	vld [tilespmem:s2+$0x180]  }
0x5f: {  	v7 =	vld [tilespmem:s9+$0x200]  }
0x60: {  	v8 =	vld [tilespmem:s9+$0x4200]  }
0x61: {  	v9 =	vld [tilespmem:s9+$0x8200]  }
0x62: {  	v6 =	vbroadcast v3, $0x0;
	_ =	sdelay $0x1  }
0x63: {  	v5 =	vbroadcast v4, $0x0;
	v7 =	vmul.f32 v7, v6;
	_ =	sdelay $0x1  }
0x64: {  	s21 =	simm.s32 $0x10;
	s2 =	simm.s32 $0x80;
	v8 =	vmul.f32 v8, v5;
	v7 =	vadd.f32 v7, v9  }
0x65: {  	s19 =	simm.s32 $0x20;
	s20 =	sand.u32 $0x70, s21;
	s21 =	sand.u32 $0x1C00, s2  }
.LBB2_3:
0x66: {  	p0 =	seq.s32 s19, $0x3F0;
	s20 =	sor.u32 s20, s21;
	v7 =	vadd.f32 v8, v7  }
0x67: {  	v8 =	vld [tilespmem:s20+$0x200]  }
0x68: {  	v9 =	vld [tilespmem:s20+$0x4200];
	[tilespmem:s9+$0x8200] =	vst v7;
	s9 =	smov.u32 s20  }
0x69: {  	v7 =	vld [tilespmem:s9+$0x8200];
	_ =	sdelay $0x1  }
.Ltmp0:
0x6a: {  	(pc) =	sbr.rel @!p0 .LBB2_3-.Ltmp0, $3  }
0x6b: {  	v8 =	vmul.f32 v8, v6;
	_ =	sdelay $0x1  }
0x6c: {  	s2 =	sadd.s32 $0x80, s2;
	v7 =	vadd.f32 v8, v7;
	v8 =	vmul.f32 v9, v5  }
0x6d: {  	s21 =	sand.u32 $0x1C00, s2;
	s20 =	sand.u32 $0x70, s19;
	s19 =	sadd.s32 $0x10, s19  }
0x6e: {  	s2 =	sor.u32 s20, s21;
	v7 =	vadd.f32 v8, v7  }
0x6f: {  	v8 =	vld [tilespmem:s2+$0x200]  }
0x70: {  	v9 =	vld [tilespmem:s2+$0x4200];
	[tilespmem:s9+$0x8200] =	vst v7  }
0x71: {  	v7 =	vld [tilespmem:s2+$0x8200];
	_ =	sdelay $0x2  }
0x72: {  	v6 =	vmul.f32 v8, v6;
	_ =	sdelay $0x1  }
0x73: {  	v5 =	vmul.f32 v9, v5;
	v6 =	vadd.f32 v6, v7;
	_ =	sdelay $0x1  }
0x74: {  	v5 =	vadd.f32 v5, v6  }
0x75: {  	s20 =	simm.s32 $0x0  }
0x76: {  	s21 =	sand.u32 $0x70, s20;
	[tilespmem:s2+$0x8200] =	vst v5;
	s2 =	sand.u32 $0x1C00, s20  }
0x77: {  	s9 =	sor.u32 s2, s21  }
0x78: {  	v7 =	vld [tilespmem:s9+$0x280]  }
0x79: {  	v8 =	vld [tilespmem:s9+$0x4280]  }
0x7a: {  	v9 =	vld [tilespmem:s9+$0x8280]  }
0x7b: {  	v6 =	vbroadcast v3, $0x1;
	_ =	sdelay $0x1  }
0x7c: {  	v5 =	vbroadcast v4, $0x1;
	v7 =	vmul.f32 v7, v6;
	_ =	sdelay $0x1  }
0x7d: {  	s19 =	simm.s32 $0x10;
	s2 =	simm.s32 $0x80;
	v8 =	vmul.f32 v8, v5;
	v7 =	vadd.f32 v7, v9  }
0x7e: {  	s20 =	sand.u32 $0x70, s19;
	s19 =	simm.s32 $0x20;
	s21 =	sand.u32 $0x1C00, s2  }
.LBB2_5:
0x7f: {  	p0 =	seq.s32 s19, $0x3F0;
	s20 =	sor.u32 s21, s20;
	v7 =	vadd.f32 v8, v7  }
0x80: {  	v8 =	vld [tilespmem:s20+$0x280]  }
0x81: {  	v9 =	vld [tilespmem:s20+$0x4280];
	[tilespmem:s9+$0x8280] =	vst v7;
	s9 =	smov.u32 s20  }
0x82: {  	v7 =	vld [tilespmem:s9+$0x8280];
	_ =	sdelay $0x1  }
.Ltmp1:
0x83: {  	(pc) =	sbr.rel @!p0 .LBB2_5-.Ltmp1, $3  }
0x84: {  	v8 =	vmul.f32 v8, v6;
	_ =	sdelay $0x1  }
0x85: {  	s2 =	sadd.s32 $0x80, s2;
	v7 =	vadd.f32 v8, v7;
	v8 =	vmul.f32 v9, v5  }
0x86: {  	s21 =	sand.u32 $0x1C00, s2;
	s20 =	sand.u32 $0x70, s19;
	s19 =	sadd.s32 $0x10, s19  }
0x87: {  	s2 =	sor.u32 s21, s20;
	v7 =	vadd.f32 v8, v7  }
0x88: {  	v8 =	vld [tilespmem:s2+$0x280]  }
0x89: {  	v9 =	vld [tilespmem:s2+$0x4280];
	[tilespmem:s9+$0x8280] =	vst v7  }
0x8a: {  	v7 =	vld [tilespmem:s2+$0x8280];
	_ =	sdelay $0x2  }
0x8b: {  	v6 =	vmul.f32 v8, v6;
	_ =	sdelay $0x1  }
0x8c: {  	v5 =	vmul.f32 v9, v5;
	v6 =	vadd.f32 v6, v7;
	_ =	sdelay $0x1  }
0x8d: {  	v5 =	vadd.f32 v5, v6  }
0x8e: {  	s20 =	simm.s32 $0x0  }
0x8f: {  	s21 =	sand.u32 $0x70, s20;
	[tilespmem:s2+$0x8280] =	vst v5;
	s2 =	sand.u32 $0x1C00, s20  }
0x90: {  	s9 =	sor.u32 s2, s21  }
0x91: {  	v7 =	vld [tilespmem:s9+$0x300]  }
0x92: {  	v8 =	vld [tilespmem:s9+$0x4300]  }
0x93: {  	v9 =	vld [tilespmem:s9+$0x8300]  }
0x94: {  	v6 =	vbroadcast v3, $0x2;
	_ =	sdelay $0x1  }
0x95: {  	v5 =	vbroadcast v4, $0x2;
	v7 =	vmul.f32 v7, v6;
	_ =	sdelay $0x1  }
0x96: {  	s19 =	simm.s32 $0x10;
	s2 =	simm.s32 $0x80;
	v8 =	vmul.f32 v8, v5;
	v7 =	vadd.f32 v7, v9  }
0x97: {  	s20 =	sand.u32 $0x70, s19;
	s19 =	simm.s32 $0x20;
	s21 =	sand.u32 $0x1C00, s2  }
.LBB2_7:
0x98: {  	p0 =	seq.s32 s19, $0x3F0;
	s20 =	sor.u32 s21, s20;
	v7 =	vadd.f32 v8, v7  }
0x99: {  	v8 =	vld [tilespmem:s20+$0x300]  }
0x9a: {  	v9 =	vld [tilespmem:s20+$0x4300];
	[tilespmem:s9+$0x8300] =	vst v7;
	s9 =	smov.u32 s20  }
0x9b: {  	v7 =	vld [tilespmem:s9+$0x8300];
	_ =	sdelay $0x1  }
.Ltmp2:
0x9c: {  	(pc) =	sbr.rel @!p0 .LBB2_7-.Ltmp2, $3  }
0x9d: {  	v8 =	vmul.f32 v8, v6;
	_ =	sdelay $0x1  }
0x9e: {  	s2 =	sadd.s32 $0x80, s2;
	v7 =	vadd.f32 v8, v7;
	v8 =	vmul.f32 v9, v5  }
0x9f: {  	s21 =	sand.u32 $0x1C00, s2;
	s20 =	sand.u32 $0x70, s19;
	s19 =	sadd.s32 $0x10, s19  }
0xa0: {  	s2 =	sor.u32 s21, s20;
	v7 =	vadd.f32 v8, v7  }
0xa1: {  	v8 =	vld [tilespmem:s2+$0x300]  }
0xa2: {  	v9 =	vld [tilespmem:s2+$0x4300];
	[tilespmem:s9+$0x8300] =	vst v7  }
0xa3: {  	v7 =	vld [tilespmem:s2+$0x8300];
	_ =	sdelay $0x2  }
0xa4: {  	v6 =	vmul.f32 v8, v6;
	_ =	sdelay $0x1  }
0xa5: {  	v5 =	vmul.f32 v9, v5;
	v6 =	vadd.f32 v6, v7;
	_ =	sdelay $0x1  }
0xa6: {  	v5 =	vadd.f32 v5, v6  }
0xa7: {  	s20 =	simm.s32 $0x0  }
0xa8: {  	s21 =	sand.u32 $0x70, s20;
	[tilespmem:s2+$0x8300] =	vst v5;
	s2 =	sand.u32 $0x1C00, s20  }
0xa9: {  	s9 =	sor.u32 s2, s21  }
0xaa: {  	v7 =	vld [tilespmem:s9+$0x380]  }
0xab: {  	v8 =	vld [tilespmem:s9+$0x4380]  }
0xac: {  	v9 =	vld [tilespmem:s9+$0x8380]  }
0xad: {  	v6 =	vbroadcast v3, $0x3;
	_ =	sdelay $0x1  }
0xae: {  	v5 =	vbroadcast v4, $0x3;
	v7 =	vmul.f32 v7, v6;
	_ =	sdelay $0x1  }
0xaf: {  	s19 =	simm.s32 $0x10;
	s2 =	simm.s32 $0x80;
	v8 =	vmul.f32 v8, v5;
	v7 =	vadd.f32 v7, v9  }
0xb0: {  	s20 =	sand.u32 $0x70, s19;
	s19 =	simm.s32 $0x20;
	s21 =	sand.u32 $0x1C00, s2  }
.LBB2_9:
0xb1: {  	p0 =	seq.s32 s19, $0x3F0;
	s20 =	sor.u32 s21, s20;
	v7 =	vadd.f32 v8, v7  }
0xb2: {  	v8 =	vld [tilespmem:s20+$0x380]  }
0xb3: {  	v9 =	vld [tilespmem:s20+$0x4380];
	[tilespmem:s9+$0x8380] =	vst v7;
	s9 =	smov.u32 s20  }
0xb4: {  	v7 =	vld [tilespmem:s9+$0x8380];
	_ =	sdelay $0x1  }
.Ltmp3:
0xb5: {  	(pc) =	sbr.rel @!p0 .LBB2_9-.Ltmp3, $3  }
0xb6: {  	v8 =	vmul.f32 v8, v6;
	_ =	sdelay $0x1  }
0xb7: {  	s2 =	sadd.s32 $0x80, s2;
	v7 =	vadd.f32 v8, v7;
	v8 =	vmul.f32 v9, v5  }
0xb8: {  	s21 =	sand.u32 $0x1C00, s2;
	s20 =	sand.u32 $0x70, s19;
	s19 =	sadd.s32 $0x10, s19  }
0xb9: {  	s2 =	sor.u32 s21, s20;
	v7 =	vadd.f32 v8, v7  }
0xba: {  	v8 =	vld [tilespmem:s2+$0x380]  }
0xbb: {  	v9 =	vld [tilespmem:s2+$0x4380];
	[tilespmem:s9+$0x8380] =	vst v7  }
0xbc: {  	v7 =	vld [tilespmem:s2+$0x8380];
	_ =	sdelay $0x2  }
0xbd: {  	v6 =	vmul.f32 v8, v6;
	_ =	sdelay $0x1  }
0xbe: {  	v5 =	vmul.f32 v9, v5;
	v6 =	vadd.f32 v6, v7;
	_ =	sdelay $0x1  }
0xbf: {  	v5 =	vadd.f32 v5, v6  }
0xc0: {  	s20 =	simm.s32 $0x0  }
0xc1: {  	s21 =	sand.u32 $0x70, s20;
	[tilespmem:s2+$0x8380] =	vst v5;
	s2 =	sand.u32 $0x1C00, s20  }
0xc2: {  	s9 =	sor.u32 s2, s21  }
0xc3: {  	v7 =	vld [tilespmem:s9+$0x400]  }
0xc4: {  	v8 =	vld [tilespmem:s9+$0x4400]  }
0xc5: {  	v9 =	vld [tilespmem:s9+$0x8400]  }
0xc6: {  	v6 =	vbroadcast v3, $0x4;
	_ =	sdelay $0x1  }
0xc7: {  	v5 =	vbroadcast v4, $0x4;
	v7 =	vmul.f32 v7, v6;
	_ =	sdelay $0x1  }
0xc8: {  	s19 =	simm.s32 $0x10;
	s2 =	simm.s32 $0x80;
	v8 =	vmul.f32 v8, v5;
	v7 =	vadd.f32 v7, v9  }
0xc9: {  	s20 =	sand.u32 $0x70, s19;
	s19 =	simm.s32 $0x20;
	s21 =	sand.u32 $0x1C00, s2  }
.LBB2_11:
0xca: {  	p0 =	seq.s32 s19, $0x3F0;
	s20 =	sor.u32 s21, s20;
	v7 =	vadd.f32 v8, v7  }
0xcb: {  	v8 =	vld [tilespmem:s20+$0x400]  }
0xcc: {  	v9 =	vld [tilespmem:s20+$0x4400];
	[tilespmem:s9+$0x8400] =	vst v7;
	s9 =	smov.u32 s20  }
0xcd: {  	v7 =	vld [tilespmem:s9+$0x8400];
	_ =	sdelay $0x1  }
.Ltmp4:
0xce: {  	(pc) =	sbr.rel @!p0 .LBB2_11-.Ltmp4, $3  }
0xcf: {  	v8 =	vmul.f32 v8, v6;
	_ =	sdelay $0x1  }
0xd0: {  	s2 =	sadd.s32 $0x80, s2;
	v7 =	vadd.f32 v8, v7;
	v8 =	vmul.f32 v9, v5  }
0xd1: {  	s21 =	sand.u32 $0x1C00, s2;
	s20 =	sand.u32 $0x70, s19;
	s19 =	sadd.s32 $0x10, s19  }
0xd2: {  	s2 =	sor.u32 s21, s20;
	v7 =	vadd.f32 v8, v7  }
0xd3: {  	v8 =	vld [tilespmem:s2+$0x400]  }
0xd4: {  	v9 =	vld [tilespmem:s2+$0x4400];
	[tilespmem:s9+$0x8400] =	vst v7  }
0xd5: {  	v7 =	vld [tilespmem:s2+$0x8400];
	_ =	sdelay $0x2  }
0xd6: {  	v6 =	vmul.f32 v8, v6;
	_ =	sdelay $0x1  }
0xd7: {  	v5 =	vmul.f32 v9, v5;
	v6 =	vadd.f32 v6, v7;
	_ =	sdelay $0x1  }
0xd8: {  	v5 =	vadd.f32 v5, v6  }
0xd9: {  	s20 =	simm.s32 $0x0  }
0xda: {  	s21 =	sand.u32 $0x70, s20;
	[tilespmem:s2+$0x8400] =	vst v5;
	s2 =	sand.u32 $0x1C00, s20  }
0xdb: {  	s9 =	sor.u32 s2, s21  }
0xdc: {  	v7 =	vld [tilespmem:s9+$0x480]  }
0xdd: {  	v8 =	vld [tilespmem:s9+$0x4480]  }
0xde: {  	v9 =	vld [tilespmem:s9+$0x8480]  }
0xdf: {  	v6 =	vbroadcast v3, $0x5;
	_ =	sdelay $0x1  }
0xe0: {  	v5 =	vbroadcast v4, $0x5;
	v7 =	vmul.f32 v7, v6;
	_ =	sdelay $0x1  }
0xe1: {  	s19 =	simm.s32 $0x10;
	s2 =	simm.s32 $0x80;
	v8 =	vmul.f32 v8, v5;
	v7 =	vadd.f32 v7, v9  }
0xe2: {  	s20 =	sand.u32 $0x70, s19;
	s19 =	simm.s32 $0x20;
	s21 =	sand.u32 $0x1C00, s2  }
.LBB2_13:
0xe3: {  	p0 =	seq.s32 s19, $0x3F0;
	s20 =	sor.u32 s21, s20;
	v7 =	vadd.f32 v8, v7  }
0xe4: {  	v8 =	vld [tilespmem:s20+$0x480]  }
0xe5: {  	v9 =	vld [tilespmem:s20+$0x4480];
	[tilespmem:s9+$0x8480] =	vst v7;
	s9 =	smov.u32 s20  }
0xe6: {  	v7 =	vld [tilespmem:s9+$0x8480];
	_ =	sdelay $0x1  }
.Ltmp5:
0xe7: {  	(pc) =	sbr.rel @!p0 .LBB2_13-.Ltmp5, $3  }
0xe8: {  	v8 =	vmul.f32 v8, v6;
	_ =	sdelay $0x1  }
0xe9: {  	s2 =	sadd.s32 $0x80, s2;
	v7 =	vadd.f32 v8, v7;
	v8 =	vmul.f32 v9, v5  }
0xea: {  	s21 =	sand.u32 $0x1C00, s2;
	s20 =	sand.u32 $0x70, s19;
	s19 =	sadd.s32 $0x10, s19  }
0xeb: {  	s2 =	sor.u32 s21, s20;
	v7 =	vadd.f32 v8, v7  }
0xec: {  	v8 =	vld [tilespmem:s2+$0x480]  }
0xed: {  	v9 =	vld [tilespmem:s2+$0x4480];
	[tilespmem:s9+$0x8480] =	vst v7  }
0xee: {  	v7 =	vld [tilespmem:s2+$0x8480];
	_ =	sdelay $0x2  }
0xef: {  	v6 =	vmul.f32 v8, v6;
	_ =	sdelay $0x1  }
0xf0: {  	v5 =	vmul.f32 v9, v5;
	v6 =	vadd.f32 v6, v7;
	_ =	sdelay $0x1  }
0xf1: {  	v5 =	vadd.f32 v5, v6  }
0xf2: {  	s20 =	simm.s32 $0x0  }
0xf3: {  	s21 =	sand.u32 $0x70, s20;
	[tilespmem:s2+$0x8480] =	vst v5;
	s2 =	sand.u32 $0x1C00, s20  }
0xf4: {  	s9 =	sor.u32 s2, s21  }
0xf5: {  	v7 =	vld [tilespmem:s9+$0x500]  }
0xf6: {  	v8 =	vld [tilespmem:s9+$0x4500]  }
0xf7: {  	v9 =	vld [tilespmem:s9+$0x8500]  }
0xf8: {  	v6 =	vbroadcast v3, $0x6;
	_ =	sdelay $0x1  }
0xf9: {  	v5 =	vbroadcast v4, $0x6;
	v7 =	vmul.f32 v7, v6;
	_ =	sdelay $0x1  }
0xfa: {  	s19 =	simm.s32 $0x10;
	s2 =	simm.s32 $0x80;
	v8 =	vmul.f32 v8, v5;
	v7 =	vadd.f32 v7, v9  }
0xfb: {  	s20 =	sand.u32 $0x70, s19;
	s19 =	simm.s32 $0x20;
	s21 =	sand.u32 $0x1C00, s2  }
.LBB2_15:
0xfc: {  	p0 =	seq.s32 s19, $0x3F0;
	s20 =	sor.u32 s21, s20;
	v7 =	vadd.f32 v8, v7  }
0xfd: {  	v8 =	vld [tilespmem:s20+$0x500]  }
0xfe: {  	v9 =	vld [tilespmem:s20+$0x4500];
	[tilespmem:s9+$0x8500] =	vst v7;
	s9 =	smov.u32 s20  }
0xff: {  	v7 =	vld [tilespmem:s9+$0x8500];
	_ =	sdelay $0x1  }
.Ltmp6:
0x100: {  	(pc) =	sbr.rel @!p0 .LBB2_15-.Ltmp6, $3  }
0x101: {  	v8 =	vmul.f32 v8, v6;
	_ =	sdelay $0x1  }
0x102: {  	s2 =	sadd.s32 $0x80, s2;
	v7 =	vadd.f32 v8, v7;
	v8 =	vmul.f32 v9, v5  }
0x103: {  	s21 =	sand.u32 $0x1C00, s2;
	s20 =	sand.u32 $0x70, s19;
	s19 =	sadd.s32 $0x10, s19  }
0x104: {  	s2 =	sor.u32 s21, s20;
	v7 =	vadd.f32 v8, v7  }
0x105: {  	v8 =	vld [tilespmem:s2+$0x500]  }
0x106: {  	v9 =	vld [tilespmem:s2+$0x4500];
	[tilespmem:s9+$0x8500] =	vst v7  }
0x107: {  	v7 =	vld [tilespmem:s2+$0x8500];
	_ =	sdelay $0x2  }
0x108: {  	v6 =	vmul.f32 v8, v6;
	_ =	sdelay $0x1  }
0x109: {  	v5 =	vmul.f32 v9, v5;
	v6 =	vadd.f32 v6, v7;
	_ =	sdelay $0x1  }
0x10a: {  	v5 =	vadd.f32 v5, v6  }
0x10b: {  	s21 =	simm.s32 $0x0  }
0x10c: {  	[tilespmem:s2+$0x8500] =	vst v5;
	s2 =	sor.u32 s21, s21  }
0x10d: {  	s9 =	sor.u32 $0x380, s2  }
0x10e: {  	v7 =	vld [tilespmem:s9+$0x200]  }
0x10f: {  	v8 =	vld [tilespmem:s9+$0x4200]  }
0x110: {  	v9 =	vld [tilespmem:s9+$0x8200]  }
0x111: {  	v6 =	vbroadcast v3, $0x7;
	_ =	sdelay $0x1  }
0x112: {  	v5 =	vbroadcast v4, $0x7;
	v7 =	vmul.f32 v7, v6;
	_ =	sdelay $0x1  }
0x113: {  	s19 =	simm.s32 $0x10;
	s2 =	simm.s32 $0x80;
	v8 =	vmul.f32 v8, v5;
	v7 =	vadd.f32 v7, v9  }
0x114: {  	s20 =	sor.u32 s2, s19;
	s19 =	simm.s32 $0x20  }
.LBB2_17:
0x115: {  	p0 =	seq.s32 s19, $0x3F0;
	s20 =	sor.u32 $0x380, s20;
	v7 =	vadd.f32 v8, v7  }
0x116: {  	v8 =	vld [tilespmem:s20+$0x200]  }
0x117: {  	v9 =	vld [tilespmem:s20+$0x4200];
	[tilespmem:s9+$0x8200] =	vst v7;
	s9 =	smov.u32 s20  }
0x118: {  	v7 =	vld [tilespmem:s9+$0x8200];
	_ =	sdelay $0x1  }
.Ltmp7:
0x119: {  	(pc) =	sbr.rel @!p0 .LBB2_17-.Ltmp7, $3  }
0x11a: {  	v8 =	vmul.f32 v8, v6;
	_ =	sdelay $0x1  }
0x11b: {  	s2 =	sadd.s32 $0x80, s2;
	v7 =	vadd.f32 v8, v7;
	v8 =	vmul.f32 v9, v5  }
0x11c: {  	s20 =	sor.u32 s2, s19;
	s19 =	sadd.s32 $0x10, s19  }
0x11d: {  	s2 =	sor.u32 $0x380, s20;
	v7 =	vadd.f32 v8, v7  }
0x11e: {  	v8 =	vld [tilespmem:s2+$0x200]  }
0x11f: {  	v9 =	vld [tilespmem:s2+$0x4200];
	[tilespmem:s9+$0x8200] =	vst v7  }
0x120: {  	v7 =	vld [tilespmem:s2+$0x8200];
	_ =	sdelay $0x2  }
0x121: {  	v6 =	vmul.f32 v8, v6;
	_ =	sdelay $0x1  }
0x122: {  	v5 =	vmul.f32 v9, v5;
	v6 =	vadd.f32 v6, v7;
	_ =	sdelay $0x1  }
0x123: {  	v5 =	vadd.f32 v5, v6  }
0x124: {  	s20 =	simm.s32 $0x0  }
0x125: {  	s21 =	sand.u32 $0x70, s20;
	[tilespmem:s2+$0x8200] =	vst v5;
	s2 =	sand.u32 $0x1C00, s20  }
0x126: {  	s9 =	sor.u32 s2, s21  }
0x127: {  	v7 =	vld [tilespmem:s9+$0x2200]  }
0x128: {  	v8 =	vld [tilespmem:s9+$0x6200]  }
0x129: {  	v9 =	vld [tilespmem:s9+$0xA200]  }
0x12a: {  	v6 =	vbroadcast v3, $0x8;
	_ =	sdelay $0x1  }
0x12b: {  	v5 =	vbroadcast v4, $0x8;
	v7 =	vmul.f32 v7, v6;
	_ =	sdelay $0x1  }
0x12c: {  	s19 =	simm.s32 $0x10;
	s2 =	simm.s32 $0x80;
	v8 =	vmul.f32 v8, v5;
	v7 =	vadd.f32 v7, v9  }
0x12d: {  	s20 =	sand.u32 $0x70, s19;
	s19 =	simm.s32 $0x20;
	s21 =	sand.u32 $0x1C00, s2  }
.LBB2_19:
0x12e: {  	p0 =	seq.s32 s19, $0x3F0;
	s20 =	sor.u32 s21, s20;
	v7 =	vadd.f32 v8, v7  }
0x12f: {  	v8 =	vld [tilespmem:s20+$0x2200]  }
0x130: {  	v9 =	vld [tilespmem:s20+$0x6200];
	[tilespmem:s9+$0xA200] =	vst v7;
	s9 =	smov.u32 s20  }
0x131: {  	v7 =	vld [tilespmem:s9+$0xA200];
	_ =	sdelay $0x1  }
.Ltmp8:
0x132: {  	(pc) =	sbr.rel @!p0 .LBB2_19-.Ltmp8, $3  }
0x133: {  	v8 =	vmul.f32 v8, v6;
	_ =	sdelay $0x1  }
0x134: {  	s2 =	sadd.s32 $0x80, s2;
	v7 =	vadd.f32 v8, v7;
	v8 =	vmul.f32 v9, v5  }
0x135: {  	s21 =	sand.u32 $0x1C00, s2;
	s20 =	sand.u32 $0x70, s19;
	s19 =	sadd.s32 $0x10, s19  }
0x136: {  	s2 =	sor.u32 s21, s20;
	v7 =	vadd.f32 v8, v7  }
0x137: {  	v8 =	vld [tilespmem:s2+$0x2200]  }
0x138: {  	v9 =	vld [tilespmem:s2+$0x6200];
	[tilespmem:s9+$0xA200] =	vst v7  }
0x139: {  	v7 =	vld [tilespmem:s2+$0xA200];
	_ =	sdelay $0x2  }
0x13a: {  	v6 =	vmul.f32 v8, v6;
	_ =	sdelay $0x1  }
0x13b: {  	v5 =	vmul.f32 v9, v5;
	v6 =	vadd.f32 v6, v7;
	_ =	sdelay $0x1  }
0x13c: {  	v5 =	vadd.f32 v5, v6  }
0x13d: {  	s20 =	simm.s32 $0x0  }
0x13e: {  	s21 =	sand.u32 $0x70, s20;
	[tilespmem:s2+$0xA200] =	vst v5;
	s2 =	sand.u32 $0x1C00, s20  }
0x13f: {  	s9 =	sor.u32 s2, s21  }
0x140: {  	v7 =	vld [tilespmem:s9+$0x2280]  }
0x141: {  	v8 =	vld [tilespmem:s9+$0x6280]  }
0x142: {  	v9 =	vld [tilespmem:s9+$0xA280]  }
0x143: {  	v6 =	vbroadcast v3, $0x9;
	_ =	sdelay $0x1  }
0x144: {  	v5 =	vbroadcast v4, $0x9;
	v7 =	vmul.f32 v7, v6;
	_ =	sdelay $0x1  }
0x145: {  	s19 =	simm.s32 $0x10;
	s2 =	simm.s32 $0x80;
	v8 =	vmul.f32 v8, v5;
	v7 =	vadd.f32 v7, v9  }
0x146: {  	s20 =	sand.u32 $0x70, s19;
	s19 =	simm.s32 $0x20;
	s21 =	sand.u32 $0x1C00, s2  }
.LBB2_21:
0x147: {  	p0 =	seq.s32 s19, $0x3F0;
	s20 =	sor.u32 s21, s20;
	v7 =	vadd.f32 v8, v7  }
0x148: {  	v8 =	vld [tilespmem:s20+$0x2280]  }
0x149: {  	v9 =	vld [tilespmem:s20+$0x6280];
	[tilespmem:s9+$0xA280] =	vst v7;
	s9 =	smov.u32 s20  }
0x14a: {  	v7 =	vld [tilespmem:s9+$0xA280];
	_ =	sdelay $0x1  }
.Ltmp9:
0x14b: {  	(pc) =	sbr.rel @!p0 .LBB2_21-.Ltmp9, $3  }
0x14c: {  	v8 =	vmul.f32 v8, v6;
	_ =	sdelay $0x1  }
0x14d: {  	s2 =	sadd.s32 $0x80, s2;
	v7 =	vadd.f32 v8, v7;
	v8 =	vmul.f32 v9, v5  }
0x14e: {  	s21 =	sand.u32 $0x1C00, s2;
	s20 =	sand.u32 $0x70, s19;
	s19 =	sadd.s32 $0x10, s19  }
0x14f: {  	s2 =	sor.u32 s21, s20;
	v7 =	vadd.f32 v8, v7  }
0x150: {  	v8 =	vld [tilespmem:s2+$0x2280]  }
0x151: {  	v9 =	vld [tilespmem:s2+$0x6280];
	[tilespmem:s9+$0xA280] =	vst v7  }
0x152: {  	v7 =	vld [tilespmem:s2+$0xA280];
	_ =	sdelay $0x2  }
0x153: {  	v6 =	vmul.f32 v8, v6;
	_ =	sdelay $0x1  }
0x154: {  	v5 =	vmul.f32 v9, v5;
	v6 =	vadd.f32 v6, v7;
	_ =	sdelay $0x1  }
0x155: {  	v5 =	vadd.f32 v5, v6  }
0x156: {  	s20 =	simm.s32 $0x0  }
0x157: {  	s21 =	sand.u32 $0x70, s20;
	[tilespmem:s2+$0xA280] =	vst v5;
	s2 =	sand.u32 $0x1C00, s20  }
0x158: {  	s9 =	sor.u32 s2, s21  }
0x159: {  	v7 =	vld [tilespmem:s9+$0x2300]  }
0x15a: {  	v8 =	vld [tilespmem:s9+$0x6300]  }
0x15b: {  	v9 =	vld [tilespmem:s9+$0xA300]  }
0x15c: {  	v6 =	vbroadcast v3, $0xA;
	_ =	sdelay $0x1  }
0x15d: {  	v5 =	vbroadcast v4, $0xA;
	v7 =	vmul.f32 v7, v6;
	_ =	sdelay $0x1  }
0x15e: {  	s19 =	simm.s32 $0x10;
	s2 =	simm.s32 $0x80;
	v8 =	vmul.f32 v8, v5;
	v7 =	vadd.f32 v7, v9  }
0x15f: {  	s20 =	sand.u32 $0x70, s19;
	s19 =	simm.s32 $0x20;
	s21 =	sand.u32 $0x1C00, s2  }
.LBB2_23:
0x160: {  	p0 =	seq.s32 s19, $0x3F0;
	s20 =	sor.u32 s21, s20;
	v7 =	vadd.f32 v8, v7  }
0x161: {  	v8 =	vld [tilespmem:s20+$0x2300]  }
0x162: {  	v9 =	vld [tilespmem:s20+$0x6300];
	[tilespmem:s9+$0xA300] =	vst v7;
	s9 =	smov.u32 s20  }
0x163: {  	v7 =	vld [tilespmem:s9+$0xA300];
	_ =	sdelay $0x1  }
.Ltmp10:
0x164: {  	(pc) =	sbr.rel @!p0 .LBB2_23-.Ltmp10, $3  }
0x165: {  	v8 =	vmul.f32 v8, v6;
	_ =	sdelay $0x1  }
0x166: {  	s2 =	sadd.s32 $0x80, s2;
	v7 =	vadd.f32 v8, v7;
	v8 =	vmul.f32 v9, v5  }
0x167: {  	s21 =	sand.u32 $0x1C00, s2;
	s20 =	sand.u32 $0x70, s19;
	s19 =	sadd.s32 $0x10, s19  }
0x168: {  	s2 =	sor.u32 s21, s20;
	v7 =	vadd.f32 v8, v7  }
0x169: {  	v8 =	vld [tilespmem:s2+$0x2300]  }
0x16a: {  	v9 =	vld [tilespmem:s2+$0x6300];
	[tilespmem:s9+$0xA300] =	vst v7  }
0x16b: {  	v7 =	vld [tilespmem:s2+$0xA300];
	_ =	sdelay $0x2  }
0x16c: {  	v6 =	vmul.f32 v8, v6;
	_ =	sdelay $0x1  }
0x16d: {  	v5 =	vmul.f32 v9, v5;
	v6 =	vadd.f32 v6, v7;
	_ =	sdelay $0x1  }
0x16e: {  	v5 =	vadd.f32 v5, v6  }
0x16f: {  	s20 =	simm.s32 $0x0  }
0x170: {  	s21 =	sand.u32 $0x70, s20;
	[tilespmem:s2+$0xA300] =	vst v5;
	s2 =	sand.u32 $0x1C00, s20  }
0x171: {  	s9 =	sor.u32 s2, s21  }
0x172: {  	v7 =	vld [tilespmem:s9+$0x2380]  }
0x173: {  	v8 =	vld [tilespmem:s9+$0x6380]  }
0x174: {  	v9 =	vld [tilespmem:s9+$0xA380]  }
0x175: {  	v6 =	vbroadcast v3, $0xB;
	_ =	sdelay $0x1  }
0x176: {  	v5 =	vbroadcast v4, $0xB;
	v7 =	vmul.f32 v7, v6;
	_ =	sdelay $0x1  }
0x177: {  	s19 =	simm.s32 $0x10;
	s2 =	simm.s32 $0x80;
	v8 =	vmul.f32 v8, v5;
	v7 =	vadd.f32 v7, v9  }
0x178: {  	s20 =	sand.u32 $0x70, s19;
	s19 =	simm.s32 $0x20;
	s21 =	sand.u32 $0x1C00, s2  }
.LBB2_25:
0x179: {  	p0 =	seq.s32 s19, $0x3F0;
	s20 =	sor.u32 s21, s20;
	v7 =	vadd.f32 v8, v7  }
0x17a: {  	v8 =	vld [tilespmem:s20+$0x2380]  }
0x17b: {  	v9 =	vld [tilespmem:s20+$0x6380];
	[tilespmem:s9+$0xA380] =	vst v7;
	s9 =	smov.u32 s20  }
0x17c: {  	v7 =	vld [tilespmem:s9+$0xA380];
	_ =	sdelay $0x1  }
.Ltmp11:
0x17d: {  	(pc) =	sbr.rel @!p0 .LBB2_25-.Ltmp11, $3  }
0x17e: {  	v8 =	vmul.f32 v8, v6;
	_ =	sdelay $0x1  }
0x17f: {  	s2 =	sadd.s32 $0x80, s2;
	v7 =	vadd.f32 v8, v7;
	v8 =	vmul.f32 v9, v5  }
0x180: {  	s21 =	sand.u32 $0x1C00, s2;
	s20 =	sand.u32 $0x70, s19;
	s19 =	sadd.s32 $0x10, s19  }
0x181: {  	s2 =	sor.u32 s21, s20;
	v7 =	vadd.f32 v8, v7  }
0x182: {  	v8 =	vld [tilespmem:s2+$0x2380]  }
0x183: {  	v9 =	vld [tilespmem:s2+$0x6380];
	[tilespmem:s9+$0xA380] =	vst v7  }
0x184: {  	v7 =	vld [tilespmem:s2+$0xA380];
	_ =	sdelay $0x2  }
0x185: {  	v6 =	vmul.f32 v8, v6;
	_ =	sdelay $0x1  }
0x186: {  	v5 =	vmul.f32 v9, v5;
	v6 =	vadd.f32 v6, v7;
	_ =	sdelay $0x1  }
0x187: {  	v5 =	vadd.f32 v5, v6  }
0x188: {  	s20 =	simm.s32 $0x0  }
0x189: {  	s21 =	sand.u32 $0x70, s20;
	[tilespmem:s2+$0xA380] =	vst v5;
	s2 =	sand.u32 $0x1C00, s20  }
0x18a: {  	s9 =	sor.u32 s2, s21  }
0x18b: {  	v7 =	vld [tilespmem:s9+$0x2400]  }
0x18c: {  	v8 =	vld [tilespmem:s9+$0x6400]  }
0x18d: {  	v9 =	vld [tilespmem:s9+$0xA400]  }
0x18e: {  	v6 =	vbroadcast v3, $0xC;
	_ =	sdelay $0x1  }
0x18f: {  	v5 =	vbroadcast v4, $0xC;
	v7 =	vmul.f32 v7, v6;
	_ =	sdelay $0x1  }
0x190: {  	s19 =	simm.s32 $0x10;
	s2 =	simm.s32 $0x80;
	v8 =	vmul.f32 v8, v5;
	v7 =	vadd.f32 v7, v9  }
0x191: {  	s20 =	sand.u32 $0x70, s19;
	s19 =	simm.s32 $0x20;
	s21 =	sand.u32 $0x1C00, s2  }
.LBB2_27:
0x192: {  	p0 =	seq.s32 s19, $0x3F0;
	s20 =	sor.u32 s21, s20;
	v7 =	vadd.f32 v8, v7  }
0x193: {  	v8 =	vld [tilespmem:s20+$0x2400]  }
0x194: {  	v9 =	vld [tilespmem:s20+$0x6400];
	[tilespmem:s9+$0xA400] =	vst v7;
	s9 =	smov.u32 s20  }
0x195: {  	v7 =	vld [tilespmem:s9+$0xA400];
	_ =	sdelay $0x1  }
.Ltmp12:
0x196: {  	(pc) =	sbr.rel @!p0 .LBB2_27-.Ltmp12, $3  }
0x197: {  	v8 =	vmul.f32 v8, v6;
	_ =	sdelay $0x1  }
0x198: {  	s2 =	sadd.s32 $0x80, s2;
	v7 =	vadd.f32 v8, v7;
	v8 =	vmul.f32 v9, v5  }
0x199: {  	s21 =	sand.u32 $0x1C00, s2;
	s20 =	sand.u32 $0x70, s19;
	s19 =	sadd.s32 $0x10, s19  }
0x19a: {  	s2 =	sor.u32 s21, s20;
	v7 =	vadd.f32 v8, v7  }
0x19b: {  	v8 =	vld [tilespmem:s2+$0x2400]  }
0x19c: {  	v9 =	vld [tilespmem:s2+$0x6400];
	[tilespmem:s9+$0xA400] =	vst v7  }
0x19d: {  	v7 =	vld [tilespmem:s2+$0xA400];
	_ =	sdelay $0x2  }
0x19e: {  	v6 =	vmul.f32 v8, v6;
	_ =	sdelay $0x1  }
0x19f: {  	v5 =	vmul.f32 v9, v5;
	v6 =	vadd.f32 v6, v7;
	_ =	sdelay $0x1  }
0x1a0: {  	v5 =	vadd.f32 v5, v6  }
0x1a1: {  	s20 =	simm.s32 $0x0  }
0x1a2: {  	s21 =	sand.u32 $0x70, s20;
	[tilespmem:s2+$0xA400] =	vst v5;
	s2 =	sand.u32 $0x1C00, s20  }
0x1a3: {  	s9 =	sor.u32 s2, s21  }
0x1a4: {  	v7 =	vld [tilespmem:s9+$0x2480]  }
0x1a5: {  	v8 =	vld [tilespmem:s9+$0x6480]  }
0x1a6: {  	v9 =	vld [tilespmem:s9+$0xA480]  }
0x1a7: {  	v6 =	vbroadcast v3, $0xD;
	_ =	sdelay $0x1  }
0x1a8: {  	v5 =	vbroadcast v4, $0xD;
	v7 =	vmul.f32 v7, v6;
	_ =	sdelay $0x1  }
0x1a9: {  	s19 =	simm.s32 $0x10;
	s2 =	simm.s32 $0x80;
	v8 =	vmul.f32 v8, v5;
	v7 =	vadd.f32 v7, v9  }
0x1aa: {  	s20 =	sand.u32 $0x70, s19;
	s19 =	simm.s32 $0x20;
	s21 =	sand.u32 $0x1C00, s2  }
.LBB2_29:
0x1ab: {  	p0 =	seq.s32 s19, $0x3F0;
	s20 =	sor.u32 s21, s20;
	v7 =	vadd.f32 v8, v7  }
0x1ac: {  	v8 =	vld [tilespmem:s20+$0x2480]  }
0x1ad: {  	v9 =	vld [tilespmem:s20+$0x6480];
	[tilespmem:s9+$0xA480] =	vst v7;
	s9 =	smov.u32 s20  }
0x1ae: {  	v7 =	vld [tilespmem:s9+$0xA480];
	_ =	sdelay $0x1  }
.Ltmp13:
0x1af: {  	(pc) =	sbr.rel @!p0 .LBB2_29-.Ltmp13, $3  }
0x1b0: {  	v8 =	vmul.f32 v8, v6;
	_ =	sdelay $0x1  }
0x1b1: {  	s2 =	sadd.s32 $0x80, s2;
	v7 =	vadd.f32 v8, v7;
	v8 =	vmul.f32 v9, v5  }
0x1b2: {  	s21 =	sand.u32 $0x1C00, s2;
	s20 =	sand.u32 $0x70, s19;
	s19 =	sadd.s32 $0x10, s19  }
0x1b3: {  	s2 =	sor.u32 s21, s20;
	v7 =	vadd.f32 v8, v7  }
0x1b4: {  	v8 =	vld [tilespmem:s2+$0x2480]  }
0x1b5: {  	v9 =	vld [tilespmem:s2+$0x6480];
	[tilespmem:s9+$0xA480] =	vst v7  }
0x1b6: {  	v7 =	vld [tilespmem:s2+$0xA480];
	_ =	sdelay $0x2  }
0x1b7: {  	v6 =	vmul.f32 v8, v6;
	_ =	sdelay $0x1  }
0x1b8: {  	v5 =	vmul.f32 v9, v5;
	v6 =	vadd.f32 v6, v7;
	_ =	sdelay $0x1  }
0x1b9: {  	v5 =	vadd.f32 v5, v6  }
0x1ba: {  	s20 =	simm.s32 $0x0  }
0x1bb: {  	s21 =	sand.u32 $0x70, s20;
	[tilespmem:s2+$0xA480] =	vst v5;
	s2 =	sand.u32 $0x1C00, s20  }
0x1bc: {  	s9 =	sor.u32 s2, s21  }
0x1bd: {  	v7 =	vld [tilespmem:s9+$0x2500]  }
0x1be: {  	v8 =	vld [tilespmem:s9+$0x6500]  }
0x1bf: {  	v9 =	vld [tilespmem:s9+$0xA500]  }
0x1c0: {  	v6 =	vbroadcast v3, $0xE;
	_ =	sdelay $0x1  }
0x1c1: {  	v5 =	vbroadcast v4, $0xE;
	v7 =	vmul.f32 v7, v6;
	_ =	sdelay $0x1  }
0x1c2: {  	s19 =	simm.s32 $0x10;
	s2 =	simm.s32 $0x80;
	v8 =	vmul.f32 v8, v5;
	v7 =	vadd.f32 v7, v9  }
0x1c3: {  	s20 =	sand.u32 $0x70, s19;
	s19 =	simm.s32 $0x20;
	s21 =	sand.u32 $0x1C00, s2  }
.LBB2_31:
0x1c4: {  	p0 =	seq.s32 s19, $0x3F0;
	s20 =	sor.u32 s21, s20;
	v7 =	vadd.f32 v8, v7  }
0x1c5: {  	v8 =	vld [tilespmem:s20+$0x2500]  }
0x1c6: {  	v9 =	vld [tilespmem:s20+$0x6500];
	[tilespmem:s9+$0xA500] =	vst v7;
	s9 =	smov.u32 s20  }
0x1c7: {  	v7 =	vld [tilespmem:s9+$0xA500];
	_ =	sdelay $0x1  }
.Ltmp14:
0x1c8: {  	(pc) =	sbr.rel @!p0 .LBB2_31-.Ltmp14, $3  }
0x1c9: {  	v8 =	vmul.f32 v8, v6;
	_ =	sdelay $0x1  }
0x1ca: {  	s2 =	sadd.s32 $0x80, s2;
	v7 =	vadd.f32 v8, v7;
	v8 =	vmul.f32 v9, v5  }
0x1cb: {  	s21 =	sand.u32 $0x1C00, s2;
	s20 =	sand.u32 $0x70, s19;
	s19 =	sadd.s32 $0x10, s19  }
0x1cc: {  	s2 =	sor.u32 s21, s20;
	v7 =	vadd.f32 v8, v7  }
0x1cd: {  	v8 =	vld [tilespmem:s2+$0x2500]  }
0x1ce: {  	v9 =	vld [tilespmem:s2+$0x6500];
	[tilespmem:s9+$0xA500] =	vst v7  }
0x1cf: {  	v7 =	vld [tilespmem:s2+$0xA500];
	_ =	sdelay $0x2  }
0x1d0: {  	v6 =	vmul.f32 v8, v6;
	_ =	sdelay $0x1  }
0x1d1: {  	v5 =	vmul.f32 v9, v5;
	v6 =	vadd.f32 v6, v7;
	_ =	sdelay $0x1  }
0x1d2: {  	v5 =	vadd.f32 v5, v6  }
0x1d3: {  	s21 =	simm.s32 $0x0  }
0x1d4: {  	[tilespmem:s2+$0xA500] =	vst v5;
	s2 =	sor.u32 s21, s21  }
0x1d5: {  	s9 =	sor.u32 $0x2380, s2  }
0x1d6: {  	v5 =	vbroadcast v3, $0xF;
	v3 =	vbroadcast v4, $0xF;
	v4 =	vld [tilespmem:s9+$0x200]  }
0x1d7: {  	v6 =	vld [tilespmem:s9+$0x4200]  }
0x1d8: {  	v7 =	vld [tilespmem:s9+$0x8200];
	_ =	sdelay $0x2  }
0x1d9: {  	v4 =	vmul.f32 v4, v5;
	_ =	sdelay $0x1  }
0x1da: {  	s19 =	simm.s32 $0x10;
	s2 =	simm.s32 $0x80;
	v6 =	vmul.f32 v6, v3;
	v4 =	vadd.f32 v4, v7  }
0x1db: {  	s20 =	sor.u32 s2, s19;
	s19 =	simm.s32 $0x20  }
.LBB2_33:
0x1dc: {  	p0 =	sne.s32 s19, $0x3F0;
	s20 =	sor.u32 $0x2380, s20;
	v4 =	vadd.f32 v6, v4  }
0x1dd: {  	v6 =	vld [tilespmem:s20+$0x200]  }
0x1de: {  	v7 =	vld [tilespmem:s20+$0x4200];
	[tilespmem:s9+$0x8200] =	vst v4;
	s9 =	smov.u32 s20  }
0x1df: {  	v4 =	vld [tilespmem:s9+$0x8200];
	_ =	sdelay $0x1  }
.Ltmp15:
0x1e0: {  	(pc) =	sbr.rel @p0 .LBB2_33-.Ltmp15, $3  }
0x1e1: {  	v6 =	vmul.f32 v6, v5;
	_ =	sdelay $0x1  }
0x1e2: {  	s2 =	sadd.s32 $0x80, s2;
	v4 =	vadd.f32 v6, v4;
	v6 =	vmul.f32 v7, v3  }
0x1e3: {  	s20 =	sor.u32 s2, s19;
	s19 =	sadd.s32 $0x10, s19  }
0x1e4: {  	s2 =	sor.u32 $0x2380, s20;
	v4 =	vadd.f32 v6, v4  }
0x1e5: {  	v63 =	vld [tilespmem:s2+$0x200]  }
0x1e6: {  	v7 =	vld [tilespmem:s2+$0x4200];
	[tilespmem:s9+$0x8200] =	vst v4  }
0x1e7: {  	v4 =	vld [tilespmem:s2+$0x8200];
	_ =	sdelay $0x2  }
0x1e8: {  	v5 =	vmul.f32 v63, v5;
	_ =	sdelay $0x1  }
0x1e9: {  	v3 =	vmul.f32 v7, v3;
	v4 =	vadd.f32 v5, v4;
	_ =	sdelay $0x1  }
0x1ea: {  	s10 =	sadd.s32 $0x1, s10;
	v3 =	vadd.f32 v3, v4  }
0x1eb: {  	s21 =	rddreg [dreg:$0x1];
	p0 =	sne.s32 s10, $0x4  }
.Ltmp16:
0x1ec: {  	[tilespmem:s2+$0x8200] =	vst v3;
	s2 =	sadd.s32 s21, s14;
	(pc) =	sbr.rel @p0 .LBB2_2-.Ltmp16, $4  }
0x1ed: {  	[hbm4b:s2+s3] =	stream.linear.scatter [tilespmem:s18], [sflag:$0x3], $0x4000, $0x38;
	[tilespmem:$0xC200] =	vst v63  }
0x1ee: {  	_ =	swait.ge [sflag:s15], $0x4000  }
0x1ef: {  	[sflag:s15] =	ssyncset.done $0x0  }
0x1f0: {  	[sflag:s15] =	ssyncadd.s32 $0xFFFFC000  }
0x1f1: {  	s9 =	rddreg [dreg:$0x8]  }
0x1f2: {  	s2 =	rddreg [dreg:$0x7];
	s9 =	sadd.s32 $0x1, s9  }
0x1f3: {  	p0 =	sne.s32 s9, s2  }
.Ltmp17:
0x1f4: {  	_ = 	snop;
	(pc) =	sbr.rel @p0 .LBB2_1-.Ltmp17, $1  }
0x1f5: {  	_ =	sdelay $0x3  }
0x1f6: {  	_ =	sfence.sel $0x180000  }
0x1f7: {  	[bflag:$0x0] =	sbarrier.arrive $0xFFFF  }
0x1f8: {  	_ =	strace $0x9000004A  }
0x1f9: {  	s0 =	stileid.u32;
	[bflag:$0x2] =	sbarrier.arrive $0xFFFF  }
0x1fa: {  	p0 =	sne.s32 s0, $0x0;
	s0 =	rddreg [dreg:$0x2]  }
0x1fb: {  	s0 =	sadd.s32 @!p0 $0x100000, s0  }
0x1fc: {  	[sflag:s0] =	ssyncadd.tile.s32 @!p0 $0x1;
	_ =	shalt  }
.Lfunc_end2:
_tile_overlayer_lowered:
.L_overlay_start_2:
0x1fd: {  	(tag) =	ssettag $0x2  }
0x1fe: {  	s0 =	rddreg [dreg:$0x0];
	s2 =	stileid.u32  }
0x1ff: {  	s1 =	rddreg [dreg:$0x1];
	p0 =	sne.s32 s2, $0x0  }
0x200: {  	s3 =	rddreg [dreg:$0x2];
	[bflag:$0x3] =	sbarrier.arrive $0xFFFF;
	s2 =	simm.s32 @!p0 $0x1C03  }
0x201: {  	[timem:s3], [sflag:s2] =	dma.local @!p0 [hbm:s0], s1  }
0x202: {  	s0 =	simm.s32 @!p0 $0x3  }
0x203: {  	_ =	swait.ge @!p0 [sflag:s0], s1  }
0x204: {  	s1 =	ssub.s32 @!p0 $0x0, s1;
	[sflag:s0] =	ssyncset.done @!p0 $0x0  }
0x205: {  	[sflag:s0] =	ssyncadd.s32 @!p0 s1  }
0x206: {  	[bflag:$0x3] =	sbarrier.arrive $0xFFFF  }
0x207: {  	_ =	shalt  }

// kernel: kernel.7.cloned.1.call-start
scs
__scs_entry_jumppad:
0x0: {  	(pc) =	sbr.rel $0x88, $3  }
0x1: {  	(tag) =	ssettag $0x0;
	lr =	simm.s32 $0x1  }
0x2: {  	[smem:$0x3F8F] =	sst lr;
	_ =	strace $0xD0000000  }
0x3: {  	_ = 	snop  }
0x4: {  	_ = 	snop  }
0x5: {  	_ = 	snop  }
0x6: {  	_ = 	snop  }
0x7: {  	_ = 	snop  }
__scs_overlays_trampoline_lowered:
0x8: {  	[smem:$0x3F9E] =	sst s0  }
0x9: {  	[smem:$0x3F9F] =	sst s1  }
0xa: {  	[smem:$0x3FA0] =	sst s2  }
0xb: {  	[smem:$0x3FA1] =	sst s3  }
0xc: {  	[smem:$0x3FA2] =	sst s4  }
0xd: {  	[smem:$0x3FA3] =	sst s5  }
0xe: {  	[smem:$0x3FA4] =	sst s6  }
0xf: {  	[smem:$0x3FA5] =	sst s7  }
0x10: {  	[smem:$0x3FA6] =	sst s8  }
0x11: {  	[smem:$0x3FA7] =	sst s9;
	s0 =	simm.s32 @!p0 $0x0  }
0x12: {  	s1 =	sld [smem:$0x3F8D];
	s0 =	simm.s32 @p0 $0x1  }
0x13: {  	[smem:$0x3FA8] =	sst s0;
	s0 =	simm.s32 @!p1 $0x0  }
0x14: {  	s2 =	sld [smem:$0x3F8C];
	s0 =	simm.s32 @p1 $0x1  }
0x15: {  	[smem:$0x3FA9] =	sst s0;
	s0 =	simm.s32 @!p2 $0x0  }
0x16: {  	s3 =	sld [smem:$0x3FDB];
	s0 =	simm.s32 @p2 $0x1  }
0x17: {  	s4 =	simm.s32 $0x1BF5;
	[smem:$0x3FAB] =	sst s0  }
0x18: {  	s0 =	sld [smem:$0x3F8E];
	_ =	swait.ge [sflag:s4], $0x0  }
0x19: {  	s7 =	sld [smem:$0x3F8F]  }
0x1a: {  	s8 =	sadd.s32 $0xFFFFE003, lr  }
0x1b: {  	s9 =	sadd.s32 $0xFFFFFEF7, lr;
	s5 =	simm.s32 $0xFFFFFFFF;
	p2 =	slt.u32 s8, $0xFFFFF086  }
0x1c: {  	p1 =	slt.u32 s9, $0xF7A;
	s5 =	simm.s32 @!p2 $0x0  }
0x1d: {  	s5 =	simm.s32 @p1 $0x1;
	p0 =	seq.s32 s7, s2  }
0x1e: {  	s7 =	smul.u32 @!p0 $0xF7A, s2;
	p2 =	seq.s32 @!p0 s5, $0x0  }
0x1f: {  	s9 =	smul.u32 $0xF7A, s1;
	s8 =	simm.s32 @!p0 $0x1BF5;
	p2 =	por !p2, p0  }
0x20: {  	[sflag:s8] =	ssyncset.s32 @!p0 $0xFFFFF086;
	s6 =	sadd.s32 @!p0 s3, s7;
	s7 =	simm.s32 @!p0 $0x108  }
0x21: {  	s3 =	sadd.s32 s3, s9;
	s6 =	sadd.s32 @!p0 $0x88, s6;
	s7 =	simm.s32 @p2 $0x1082  }
0x22: {  	[simem:s7], [sflag:s8] =	dma.local @!p0 [hbm:s6], $0xF7A  }
0x23: {  	s9 =	sor.u32 $0xD0000000, s2;
	s6 =	simm.s32 $0x108;
	_ =	swait.ge @!p0 [sflag:s8], $0x0  }
0x24: {  	s3 =	sadd.s32 $0x88, s3;
	s6 =	simm.s32 @!p1 $0x1082;
	[sflag:s4] =	ssyncset.s32 $0xFFFFF086  }
0x25: {  	[simem:s6], [sflag:s4] =	dma.local [hbm:s3], $0xF7A  }
0x26: {  	[smem:$0x3F8F] =	sst s1;
	(tag) =	ssettag s2;
	_ =	strace s9  }
0x27: {  	s1 =	sld [smem:$0x3F9F]  }
0x28: {  	s2 =	sld [smem:$0x3FA0]  }
0x29: {  	s4 =	sld [smem:$0x3FA2]  }
0x2a: {  	p0 =	seq.s32 s5, $0x0;
	s5 =	sld [smem:$0x3FA3]  }
0x2b: {  	s6 =	sld [smem:$0x3FA4]  }
0x2c: {  	s7 =	sld [smem:$0x3FA5]  }
0x2d: {  	s3 =	simm.s32 $0x108;
	s8 =	sld [smem:$0x3FA6]  }
0x2e: {  	s3 =	simm.s32 @!p0 $0x1082;
	s9 =	sld [smem:$0x3FA7]  }
0x2f: {  	lr =	sadd.s32 s0, s3;
	s0 =	sld [smem:$0x3F9E]  }
0x30: {  	s3 =	sld [smem:$0x3FA1]  }
0x31: {  	[smem:$0x3FAA] =	sst s10  }
0x32: {  	s10 =	sld [smem:$0x3FA8];
	_ =	sdelay $0x3  }
0x33: {  	p0 =	seq.s32 s10, $0x1;
	s10 =	sld [smem:$0x3FAA];
	_ =	sdelay $0x3  }
0x34: {  	[smem:$0x3FAA] =	sst s10  }
0x35: {  	s10 =	sld [smem:$0x3FA9];
	_ =	sdelay $0x3  }
0x36: {  	p1 =	seq.s32 s10, $0x1;
	s10 =	sld [smem:$0x3FAA];
	_ =	sdelay $0x3  }
0x37: {  	[smem:$0x3FAA] =	sst s10  }
0x38: {  	s10 =	sld [smem:$0x3FAB]  }
0x39: {  	_ = 	snop;
	(pc) =	sbr.ind lr, $3  }
0x3a: {  	_ = 	snop  }
0x3b: {  	_ = 	snop  }
0x3c: {  	p2 =	seq.s32 s10, $0x1;
	s10 =	sld [smem:$0x3FAA]  }
0x3d: {  	_ =	shalt  }
0x3e: {  	_ =	shalt  }
0x3f: {  	_ =	shalt  }
0x40: {  	_ =	shalt  }
0x41: {  	_ =	shalt  }
0x42: {  	_ =	shalt  }
0x43: {  	_ =	shalt  }
0x44: {  	_ =	shalt  }
0x45: {  	_ =	shalt  }
0x46: {  	_ =	shalt  }
0x47: {  	_ =	shalt  }
0x48: {  	_ =	shalt  }
0x49: {  	_ =	shalt  }
0x4a: {  	_ =	shalt  }
0x4b: {  	_ =	shalt  }
0x4c: {  	_ =	shalt  }
0x4d: {  	_ =	shalt  }
0x4e: {  	_ =	shalt  }
0x4f: {  	_ =	shalt  }
0x50: {  	_ =	shalt  }
0x51: {  	_ =	shalt  }
0x52: {  	_ =	shalt  }
0x53: {  	_ =	shalt  }
0x54: {  	_ =	shalt  }
0x55: {  	_ =	shalt  }
0x56: {  	_ =	shalt  }
0x57: {  	_ =	shalt  }
0x58: {  	_ =	shalt  }
0x59: {  	_ =	shalt  }
0x5a: {  	_ =	shalt  }
0x5b: {  	_ =	shalt  }
0x5c: {  	_ =	shalt  }
0x5d: {  	_ =	shalt  }
0x5e: {  	_ =	shalt  }
0x5f: {  	_ =	shalt  }
0x60: {  	_ =	shalt  }
0x61: {  	_ =	shalt  }
0x62: {  	_ =	shalt  }
0x63: {  	_ =	shalt  }
0x64: {  	_ =	shalt  }
0x65: {  	_ =	shalt  }
0x66: {  	_ =	shalt  }
0x67: {  	_ =	shalt  }
0x68: {  	_ =	shalt  }
0x69: {  	_ =	shalt  }
0x6a: {  	_ =	shalt  }
0x6b: {  	_ =	shalt  }
0x6c: {  	_ =	shalt  }
0x6d: {  	_ =	shalt  }
0x6e: {  	_ =	shalt  }
0x6f: {  	_ =	shalt  }
0x70: {  	_ =	shalt  }
0x71: {  	_ =	shalt  }
0x72: {  	_ =	shalt  }
0x73: {  	_ =	shalt  }
0x74: {  	_ =	shalt  }
0x75: {  	_ =	shalt  }
0x76: {  	_ =	shalt  }
0x77: {  	_ =	shalt  }
0x78: {  	_ =	shalt  }
0x79: {  	_ =	shalt  }
0x7a: {  	_ =	shalt  }
0x7b: {  	_ =	shalt  }
0x7c: {  	_ =	shalt  }
0x7d: {  	_ =	shalt  }
0x7e: {  	_ =	shalt  }
0x7f: {  	_ =	shalt  }
0x80: {  	_ =	shalt  }
0x81: {  	_ =	shalt  }
0x82: {  	_ =	shalt  }
0x83: {  	_ =	shalt  }
0x84: {  	_ =	shalt  }
0x85: {  	_ =	shalt  }
0x86: {  	_ =	shalt  }
0x87: {  	_ =	shalt  }
.Lfunc_end0:
.L_simem_size_0:
called_computation_lowered:
.L_overlay_start_0:
0x88: {  	s2 =	sld [smem:$0x3FD9]  }
0x89: {  	s3 =	sld [smem:$0x3FFE];
	_ =	sdelay $0x1  }
0x8a: {  	s1 =	srdreg.scid  }
0x8b: {  	s0 =	sand.u32 $0x1, s1  }
0x8c: {  	s17 =	sshll.u32 s0, $0xA;
	s2 =	sadd.s32 s3, s2  }
0x8d: {  	s2 =	sadd.s32 s2, s17  }
0x8e: {  	[smem:$0x3FB6] =	sst s2  }
0x8f: {  	_ = 	snop  }
0x90: {  	s2 =	sld [smem:$0x3FD0];
	(tm) =	ssettm $0x1  }
0x91: {  	s18 =	sld [smem:$0x3FFB];
	_ =	sdelay $0x3  }
0x92: {  	_ =	strace s18  }
0x93: {  	s3 =	sld [smem:$0x3FFC];
	_ =	sdelay $0x3  }
0x94: {  	_ =	strace s3  }
0x95: {  	s3 =	sld [smem:$0x3FFD];
	_ =	sdelay $0x3  }
0x96: {  	_ =	strace s3  }
0x97: {  	_ =	strace $0x8FFFFFFF  }
0x98: {  	s19 =	sld [smem:$0x3FDB];
	_ =	sdelay $0x1  }
0x99: {  	s4 =	simm.s32 $_scs_section_size  }
0x9a: {  	s5 =	simm.s32 $_size__tile_overlayer_lowered;
	s6 =	simm.s32 $_tile_overlayer_lowered  }
0x9b: {  	s22 =	simm.s32 $0x1BFF;
	s21 =	sshll.u32 s6, $0x1;
	s3 =	sadd.s32 s4, s19  }
0x9c: {  	s7 =	simm.s32 $0x0;
	s20 =	sshll.u32 s5, $0x1;
	s5 =	sadd.s32 s21, s3  }
0x9d: {  	[timem:s7], [sflag:s22] =	dma.local [hbm:s5], s20  }
0x9e: {  	_ =	swait.ge [sflag:s22], s20  }
0x9f: {  	s4 =	ssub.s32 $0x0, s20;
	[sflag:s22] =	ssyncset.done $0x0  }
0xa0: {  	[sflag:s22] =	ssyncadd.s32 s4;
	_ =	sdelay $0x1  }
0xa1: {  	s23 =	simm.s32 $0x1B8B  }
0xa2: {  	_ =	swait.ge [sflag:s23], $0x1  }
0xa3: {  	[sflag:s23] =	ssyncset.done $0x0  }
0xa4: {  	s25 =	simm.s32 $0x1B8E;
	s24 =	sld [smem:$0x3FFE];
	[sflag:s23] =	ssyncadd.s32 $0xFFFFFFFF  }
0xa5: {  	s26 =	simm.s32 $execute0_lowered;
	[smem:$0x3FD2] =	sst s25  }
0xa6: {  	s5 =	sshll.u32 s26, $0x1;
	_ =	strace $0x80000046;
	[dreg:$0x1] =	wrdreg $0xFFFFFFFF  }
0xa7: {  	s28 =	simm.s32 $_size_execute0_lowered;
	s3 =	sadd.s32 s3, s5;
	[dreg:$0x0] =	wrdreg $0x0  }
0xa8: {  	s5 =	sshll.u32 s28, $0x1;
	[dreg:$0x2] =	wrdreg s3  }
0xa9: {  	[dreg:$0x3] =	wrdreg s5  }
0xaa: {  	[dreg:$0x4] =	wrdreg $0xC0  }
0xab: {  	_ =	task [dreg:s7], $0x5FFFF  }
0xac: {  	[dreg:$0x1] =	wrdreg $0xFFFFFFFF  }
0xad: {  	[dreg:$0x0] =	wrdreg $0x60  }
0xae: {  	[dreg:$0x2] =	wrdreg s2  }
0xaf: {  	[dreg:$0x3] =	wrdreg s24  }
0xb0: {  	[dreg:$0x4] =	wrdreg $0x9  }
0xb1: {  	_ =	task.clear_ibuf [dreg:s7], $0x5FFFF;
	_ =	strace $0x90000046  }
0xb2: {  	s29 =	simm.s32 $0x9;
	_ =	strace $0x80000048  }
0xb3: {  	_ =	swait.ge [sflag:s29], $0x1  }
0xb4: {  	[sflag:s29] =	ssyncadd.s32 $0xFFFFFFFF  }
0xb5: {  	_ =	strace $0x90000048  }
0xb6: {  	_ =	sfence  }
0xb7: {  	s30 =	sld [smem:$0x0];
	_ =	sdelay $0x2  }
0xb8: {  	s31 =	sshll.u32 s1, $0xD;
	s1 =	sshrl.u32 s1, $0x2  }
0xb9: {  	s3 =	sand.u32 $0x4000, s31;
	s1 =	sadd.s32 s1, s30  }
0xba: {  	s0 =	sor.u32 s3, s0;
	s1 =	sshll.u32 s1, $0x11  }
0xbb: {  	s0 =	sor.u32 s1, s0  }
0xbc: {  	s0 =	sadd.s32 $0x8F2B, s0  }
0xbd: {  	[sflag:s0] =	ssyncadd.remote.s32 $0x1  }
0xbe: {  	_ =	sfence.sel $0xFFFF  }
0xbf: {  	[dreg:$0x0] =	wrdreg $0xFFFFFFFF;
	(pc) =	sbr.abs _section_cstart, $3  }
0xc0: {  	[dreg:$0x1] =	wrdreg $0xFFFFFFFF  }
0xc1: {  	_ =	task.clear_ibuf [dreg:s7], $0x2FFFF;
	_ =	strace $0x9FFFFFFF  }
0xc2: {  	(tm) =	ssettm $0x7FFFFFFF  }
0xc3: {  	_ =	shalt  }
tec
execute0_lowered:
.L_overlay_start_1:
0x0: {  	(tag) =	ssettag $0x1  }
0x1: {  	s0 =	srdreg.scid  }
0x2: {  	s1 =	rddreg [dreg:$0x0];
	s2 =	stileid.u32  }
0x3: {  	s6 =	rddreg [dreg:$0x1];
	s26 =	simm.s32 $0x80;
	s18 =	simm.s32 $0x100  }
0x4: {  	s22 =	simm.s32 $0x1900;
	s23 =	simm.s32 $0x2100;
	s28 =	simm.s32 $0x4100  }
0x5: {  	s29 =	simm.s32 $0x4900;
	s30 =	simm.s32 $0x5100;
	s31 =	simm.s32 $0x5900  }
0x6: {  	s10 =	simm.s32 $0x7100;
	s11 =	simm.s32 $0x7900;
	s12 =	simm.s32 $0x8100  }
0x7: {  	s13 =	simm.s32 $0x8900;
	s14 =	simm.s32 $0x9100;
	s15 =	simm.s32 $0x9900  }
0x8: {  	s16 =	simm.s32 $0xA100;
	s17 =	simm.s32 $0xA900;
	s19 =	simm.s32 $0xB900  }
0x9: {  	s0 =	sand.u32 $0x1, s0;
	s3 =	sshll.u32 s2, $0x7;
	s2 =	simm.s32 $0x0  }
0xa: {  	s8 =	sadd.s32 $0x41800, s6;
	s4 =	sshll.u32 s0, $0x6;
	[smem:$0x7FF] =	sst s2  }
0xb: {  	s0 =	ssub.s32 $0x2, s0;
	s5 =	sor.u32 s4, s3;
	_ =	strace $0x80000047  }
0xc: {  	s3 =	sadd.s32 $0x41C00, s6;
	s25 =	sshrl.u32 s0, $0x1;
	[dreg:$0x6] =	wrdreg s26  }
0xd: {  	s26 =	simm.s32 $0x3900;
	s7 =	sshll.u32 s5, $0x1;
	s5 =	sshll.u32 s5, $0x7  }
0xe: {  	s0 =	ssub.s32 s0, s25;
	s25 =	simm.s32 $0x3100;
	s9 =	sand.u32 $0xF00, s7  }
0xf: {  	s1 =	sadd.s32 s1, s5;
	s5 =	sadd.s32 $0x41E00, s6;
	s9 =	sor.u32 s4, s9  }
0x10: {  	s4 =	sor.u32 s4, s7;
	[dreg:$0x5] =	wrdreg s1;
	s24 =	sshrl.u32 s9, $0x3  }
0x11: {  	s4 =	sshrl.u32 s4, $0x3;
	s9 =	simm.s32 $0xB100;
	s7 =	sadd.s32 s8, s24  }
0x12: {  	v2 =	vlaneseq.u32;
	s4 =	sor.u32 $0x10, s4;
	s24 =	simm.s32 $0x2900;
	[dreg:$0x3] =	wrdreg s7  }
0x13: {  	vm0 =	vmmov $0xffff;
	v1 =	vshrl.u32 v2, $0x3;
	s4 =	sadd.s32 s8, s4;
	s7 =	smax.u32 s0, $0x1;
	s8 =	simm.s32 $0x3  }
0x14: {  	v0 =	vand.u32 $0x7, v2;
	v2 =	vor.u32 $0x8, v2;
	v1 =	vmul.u32 $0x8, v1;
	[dreg:$0x4] =	wrdreg s4;
	s4 =	sadd.s32 $0x41D00, s6;
	s6 =	sadd.s32 $0x41F00, s6  }
.LBB2_1:
0x15: {  	s20 =	rddreg [dreg:$0x3]  }
0x16: {  	[tilespmem:s2], [sflag:$0x3] =	stream.linear.gather [hbm4b:s20+s2], $0x40, $0x38;
	[tilespmem:$0x10100] =	vst v63  }
0x17: {  	_ =	swait.ge [sflag:s8], $0x40  }
0x18: {  	s0 =	rddreg [dreg:$0x4];
	[sflag:s8] =	ssyncset.done $0x0  }
0x19: {  	s21 =	rddreg [dreg:$0x6];
	[sflag:s8] =	ssyncadd.s32 $0xFFFFFFC0  }
0x1a: {  	[tilespmem:s21], [sflag:$0x3] =	stream.linear.gather [hbm4b:s0+s2], $0x40, $0x38;
	[tilespmem:$0x10100] =	vst v63  }
0x1b: {  	_ =	swait.ge [sflag:s8], $0x40  }
0x1c: {  	[sflag:s8] =	ssyncset.done $0x0  }
0x1d: {  	s1 =	rddreg [dreg:$0x5];
	[sflag:s8] =	ssyncadd.s32 $0xFFFFFFC0  }
0x1e: {  	[tilespmem:s18], [sflag:$0x3] =	stream.linear.gather [hbm4b:s1+s2], $0x10000, $0x38;
	[tilespmem:$0x10100] =	vst v63  }
0x1f: {  	_ =	swait.ge [sflag:s8], $0x10000  }
0x20: {  	[sflag:s8] =	ssyncset.done $0x0  }
0x21: {  	[sflag:s8] =	ssyncadd.s32 $0xFFFF0000  }
0x22: {  	v3 =	vld [tilespmem:$0x0];
	_ =	sdelay $0x4  }
0x23: {  	v4 =	vshll.u32 v3, $0x3  }
0x24: {  	v3 =	vand.u32 $0x7, v3;
	v4 =	vand.u32 $0xFFFFFFC0, v4  }
0x25: {  	v3 =	vor.u32 v3, v4  }
0x26: {  	v4 =	vperm.xlane v3, v0;
	_ =	sdelay $0x1  }
0x27: {  	v4 =	vadd.s32 v1, v4;
	_ =	sdelay $0x4  }
0x28: {  	[hbm4b:s3+s2] =	stream.indirect_vreg.scatter [tilespmem:s18], [sflag:$0x1], $0x80, v4, vm0, $0xb8;
	[tilespmem:$0x10100] =	vst v63  }
0x29: {  	s20 =	simm.s32 $0x900;
	v3 =	vperm.xlane v3, v2  }
0x2a: {  	[hbm4b:s4+s2] =	stream.indirect_vreg.scatter [tilespmem:s20], [sflag:$0x1], $0x80, v4, vm0, $0xb8;
	[tilespmem:$0x10100] =	vst v63  }
0x2b: {  	s21 =	simm.s32 $0x1100;
	v3 =	vadd.s32 v1, v3  }
0x2c: {  	[hbm4b:s5+s2] =	stream.indirect_vreg.scatter [tilespmem:s21], [sflag:$0x1], $0x80, v4, vm0, $0xb8;
	[tilespmem:$0x10100] =	vst v63  }
0x2d: {  	_ = 	snop  }
0x2e: {  	[hbm4b:s6+s2] =	stream.indirect_vreg.scatter [tilespmem:s22], [sflag:$0x1], $0x80, v4, vm0, $0xb8;
	[tilespmem:$0x10100] =	vst v63  }
0x2f: {  	_ = 	snop  }
0x30: {  	[hbm4b:s3+s2] =	stream.indirect_vreg.scatter [tilespmem:s23], [sflag:$0x1], $0x80, v3, vm0, $0xb8;
	[tilespmem:$0x10100] =	vst v63  }
0x31: {  	_ = 	snop  }
0x32: {  	[hbm4b:s4+s2] =	stream.indirect_vreg.scatter [tilespmem:s24], [sflag:$0x1], $0x80, v3, vm0, $0xb8;
	[tilespmem:$0x10100] =	vst v63  }
0x33: {  	_ = 	snop  }
0x34: {  	[hbm4b:s5+s2] =	stream.indirect_vreg.scatter [tilespmem:s25], [sflag:$0x1], $0x80, v3, vm0, $0xb8;
	[tilespmem:$0x10100] =	vst v63  }
0x35: {  	_ = 	snop  }
0x36: {  	[hbm4b:s6+s2] =	stream.indirect_vreg.scatter [tilespmem:s26], [sflag:$0x1], $0x80, v3, vm0, $0xb8;
	[tilespmem:$0x10100] =	vst v63  }
0x37: {  	v3 =	vld [tilespmem:$0x10];
	_ =	sdelay $0x4  }
0x38: {  	v57 =	vshll.u32 v3, $0x3  }
0x39: {  	v3 =	vand.u32 $0x7, v3;
	v4 =	vand.u32 $0xFFFFFFC0, v57  }
0x3a: {  	v3 =	vor.u32 v3, v4  }
0x3b: {  	v4 =	vperm.xlane v3, v0;
	_ =	sdelay $0x1  }
0x3c: {  	v4 =	vadd.s32 v1, v4;
	_ =	sdelay $0x4  }
0x3d: {  	[hbm4b:s3+s2] =	stream.indirect_vreg.scatter [tilespmem:s28], [sflag:$0x1], $0x80, v4, vm0, $0xb8;
	[tilespmem:$0x10100] =	vst v63  }
0x3e: {  	v3 =	vperm.xlane v3, v2  }
0x3f: {  	[hbm4b:s4+s2] =	stream.indirect_vreg.scatter [tilespmem:s29], [sflag:$0x1], $0x80, v4, vm0, $0xb8;
	[tilespmem:$0x10100] =	vst v63  }
0x40: {  	v3 =	vadd.s32 v1, v3  }
0x41: {  	[hbm4b:s5+s2] =	stream.indirect_vreg.scatter [tilespmem:s30], [sflag:$0x1], $0x80, v4, vm0, $0xb8;
	[tilespmem:$0x10100] =	vst v63  }
0x42: {  	_ = 	snop  }
0x43: {  	[hbm4b:s6+s2] =	stream.indirect_vreg.scatter [tilespmem:s31], [sflag:$0x1], $0x80, v4, vm0, $0xb8;
	[tilespmem:$0x10100] =	vst v63  }
0x44: {  	s1 =	simm.s32 $0x6100  }
0x45: {  	[hbm4b:s3+s2] =	stream.indirect_vreg.scatter [tilespmem:s1], [sflag:$0x1], $0x80, v3, vm0, $0xb8;
	[tilespmem:$0x10100] =	vst v63  }
0x46: {  	s0 =	simm.s32 $0x6900  }
0x47: {  	[hbm4b:s4+s2] =	stream.indirect_vreg.scatter [tilespmem:s0], [sflag:$0x1], $0x80, v3, vm0, $0xb8;
	[tilespmem:$0x10100] =	vst v63  }
0x48: {  	_ = 	snop  }
0x49: {  	[hbm4b:s5+s2] =	stream.indirect_vreg.scatter [tilespmem:s10], [sflag:$0x1], $0x80, v3, vm0, $0xb8;
	[tilespmem:$0x10100] =	vst v63  }
0x4a: {  	_ = 	snop  }
0x4b: {  	[hbm4b:s6+s2] =	stream.indirect_vreg.scatter [tilespmem:s11], [sflag:$0x1], $0x80, v3, vm0, $0xb8;
	[tilespmem:$0x10100] =	vst v63  }
0x4c: {  	v3 =	vld [tilespmem:$0x20];
	_ =	sdelay $0x4  }
0x4d: {  	v58 =	vshll.u32 v3, $0x3  }
0x4e: {  	v3 =	vand.u32 $0x7, v3;
	v4 =	vand.u32 $0xFFFFFFC0, v58  }
0x4f: {  	v3 =	vor.u32 v3, v4  }
0x50: {  	v4 =	vperm.xlane v3, v0;
	_ =	sdelay $0x1  }
0x51: {  	v4 =	vadd.s32 v1, v4;
	_ =	sdelay $0x4  }
0x52: {  	[hbm4b:s3+s2] =	stream.indirect_vreg.scatter [tilespmem:s12], [sflag:$0x1], $0x80, v4, vm0, $0xb8;
	[tilespmem:$0x10100] =	vst v63  }
0x53: {  	v3 =	vperm.xlane v3, v2  }
0x54: {  	[hbm4b:s4+s2] =	stream.indirect_vreg.scatter [tilespmem:s13], [sflag:$0x1], $0x80, v4, vm0, $0xb8;
	[tilespmem:$0x10100] =	vst v63  }
0x55: {  	v3 =	vadd.s32 v1, v3  }
0x56: {  	[hbm4b:s5+s2] =	stream.indirect_vreg.scatter [tilespmem:s14], [sflag:$0x1], $0x80, v4, vm0, $0xb8;
	[tilespmem:$0x10100] =	vst v63  }
0x57: {  	_ = 	snop  }
0x58: {  	[hbm4b:s6+s2] =	stream.indirect_vreg.scatter [tilespmem:s15], [sflag:$0x1], $0x80, v4, vm0, $0xb8;
	[tilespmem:$0x10100] =	vst v63  }
0x59: {  	_ = 	snop  }
0x5a: {  	[hbm4b:s3+s2] =	stream.indirect_vreg.scatter [tilespmem:s16], [sflag:$0x1], $0x80, v3, vm0, $0xb8;
	[tilespmem:$0x10100] =	vst v63  }
0x5b: {  	_ = 	snop  }
0x5c: {  	[hbm4b:s4+s2] =	stream.indirect_vreg.scatter [tilespmem:s17], [sflag:$0x1], $0x80, v3, vm0, $0xb8;
	[tilespmem:$0x10100] =	vst v63  }
0x5d: {  	_ = 	snop  }
0x5e: {  	[hbm4b:s5+s2] =	stream.indirect_vreg.scatter [tilespmem:s9], [sflag:$0x1], $0x80, v3, vm0, $0xb8;
	[tilespmem:$0x10100] =	vst v63  }
0x5f: {  	_ = 	snop  }
0x60: {  	[hbm4b:s6+s2] =	stream.indirect_vreg.scatter [tilespmem:s19], [sflag:$0x1], $0x80, v3, vm0, $0xb8;
	[tilespmem:$0x10100] =	vst v63  }
0x61: {  	v3 =	vld [tilespmem:$0x30];
	_ =	sdelay $0x4  }
0x62: {  	v59 =	vshll.u32 v3, $0x3  }
0x63: {  	v3 =	vand.u32 $0x7, v3;
	v4 =	vand.u32 $0xFFFFFFC0, v59  }
0x64: {  	v3 =	vor.u32 v3, v4  }
0x65: {  	v4 =	vperm.xlane v3, v0;
	_ =	sdelay $0x1  }
0x66: {  	v4 =	vadd.s32 v1, v4;
	_ =	sdelay $0x3  }
0x67: {  	s0 =	simm.s32 $0xC100  }
0x68: {  	[hbm4b:s3+s2] =	stream.indirect_vreg.scatter [tilespmem:s0], [sflag:$0x1], $0x80, v4, vm0, $0xb8;
	[tilespmem:$0x10100] =	vst v63  }
0x69: {  	v3 =	vperm.xlane v3, v2;
	s0 =	simm.s32 $0xC900  }
0x6a: {  	[hbm4b:s4+s2] =	stream.indirect_vreg.scatter [tilespmem:s0], [sflag:$0x1], $0x80, v4, vm0, $0xb8;
	[tilespmem:$0x10100] =	vst v63  }
0x6b: {  	v3 =	vadd.s32 v1, v3;
	s0 =	simm.s32 $0xD100  }
0x6c: {  	[hbm4b:s5+s2] =	stream.indirect_vreg.scatter [tilespmem:s0], [sflag:$0x1], $0x80, v4, vm0, $0xb8;
	[tilespmem:$0x10100] =	vst v63  }
0x6d: {  	s0 =	simm.s32 $0xD900  }
0x6e: {  	[hbm4b:s6+s2] =	stream.indirect_vreg.scatter [tilespmem:s0], [sflag:$0x1], $0x80, v4, vm0, $0xb8;
	[tilespmem:$0x10100] =	vst v63  }
0x6f: {  	s0 =	simm.s32 $0xE100  }
0x70: {  	[hbm4b:s3+s2] =	stream.indirect_vreg.scatter [tilespmem:s0], [sflag:$0x1], $0x80, v3, vm0, $0xb8;
	[tilespmem:$0x10100] =	vst v63  }
0x71: {  	s0 =	simm.s32 $0xE900  }
0x72: {  	[hbm4b:s4+s2] =	stream.indirect_vreg.scatter [tilespmem:s0], [sflag:$0x1], $0x80, v3, vm0, $0xb8;
	[tilespmem:$0x10100] =	vst v63  }
0x73: {  	s0 =	simm.s32 $0xF100  }
0x74: {  	[hbm4b:s5+s2] =	stream.indirect_vreg.scatter [tilespmem:s0], [sflag:$0x1], $0x80, v3, vm0, $0xb8;
	[tilespmem:$0x10100] =	vst v63  }
0x75: {  	s0 =	simm.s32 $0xF900  }
0x76: {  	[hbm4b:s6+s2] =	stream.indirect_vreg.scatter [tilespmem:s0], [sflag:$0x1], $0x80, v3, vm0, $0xb8;
	[tilespmem:$0x10100] =	vst v63  }
0x77: {  	v3 =	vld [tilespmem:$0x80];
	_ =	sdelay $0x4  }
0x78: {  	v60 =	vshll.u32 v3, $0x3  }
0x79: {  	v3 =	vand.u32 $0x7, v3;
	v4 =	vand.u32 $0xFFFFFFC0, v60  }
0x7a: {  	v3 =	vor.u32 v3, v4  }
0x7b: {  	v4 =	vperm.xlane v3, v0;
	_ =	sdelay $0x1  }
0x7c: {  	v4 =	vadd.s32 v1, v4;
	_ =	sdelay $0x4  }
0x7d: {  	[hbm4b:s3+s2] =	stream.indirect_vreg.scatter [tilespmem:s18], [sflag:$0x2], $0x80, v4, vm0, $0xb8;
	[tilespmem:$0x10100] =	vst v63  }
0x7e: {  	v3 =	vperm.xlane v3, v2  }
0x7f: {  	[hbm4b:s4+s2] =	stream.indirect_vreg.scatter [tilespmem:s20], [sflag:$0x2], $0x80, v4, vm0, $0xb8;
	[tilespmem:$0x10100] =	vst v63  }
0x80: {  	v3 =	vadd.s32 v1, v3  }
0x81: {  	[hbm4b:s5+s2] =	stream.indirect_vreg.scatter [tilespmem:s21], [sflag:$0x2], $0x80, v4, vm0, $0xb8;
	[tilespmem:$0x10100] =	vst v63  }
0x82: {  	_ = 	snop  }
0x83: {  	[hbm4b:s6+s2] =	stream.indirect_vreg.scatter [tilespmem:s22], [sflag:$0x2], $0x80, v4, vm0, $0xb8;
	[tilespmem:$0x10100] =	vst v63  }
0x84: {  	_ = 	snop  }
0x85: {  	[hbm4b:s3+s2] =	stream.indirect_vreg.scatter [tilespmem:s23], [sflag:$0x2], $0x80, v3, vm0, $0xb8;
	[tilespmem:$0x10100] =	vst v63  }
0x86: {  	_ = 	snop  }
0x87: {  	[hbm4b:s4+s2] =	stream.indirect_vreg.scatter [tilespmem:s24], [sflag:$0x2], $0x80, v3, vm0, $0xb8;
	[tilespmem:$0x10100] =	vst v63  }
0x88: {  	_ = 	snop  }
0x89: {  	[hbm4b:s5+s2] =	stream.indirect_vreg.scatter [tilespmem:s25], [sflag:$0x2], $0x80, v3, vm0, $0xb8;
	[tilespmem:$0x10100] =	vst v63  }
0x8a: {  	_ = 	snop  }
0x8b: {  	[hbm4b:s6+s2] =	stream.indirect_vreg.scatter [tilespmem:s26], [sflag:$0x2], $0x80, v3, vm0, $0xb8;
	[tilespmem:$0x10100] =	vst v63  }
0x8c: {  	v3 =	vld [tilespmem:$0x90];
	_ =	sdelay $0x4  }
0x8d: {  	v61 =	vshll.u32 v3, $0x3  }
0x8e: {  	v3 =	vand.u32 $0x7, v3;
	v4 =	vand.u32 $0xFFFFFFC0, v61  }
0x8f: {  	v3 =	vor.u32 v3, v4  }
0x90: {  	v4 =	vperm.xlane v3, v0;
	_ =	sdelay $0x1  }
0x91: {  	v4 =	vadd.s32 v1, v4;
	_ =	sdelay $0x4  }
0x92: {  	[hbm4b:s3+s2] =	stream.indirect_vreg.scatter [tilespmem:s28], [sflag:$0x2], $0x80, v4, vm0, $0xb8;
	[tilespmem:$0x10100] =	vst v63  }
0x93: {  	v3 =	vperm.xlane v3, v2  }
0x94: {  	[hbm4b:s4+s2] =	stream.indirect_vreg.scatter [tilespmem:s29], [sflag:$0x2], $0x80, v4, vm0, $0xb8;
	[tilespmem:$0x10100] =	vst v63  }
0x95: {  	v3 =	vadd.s32 v1, v3  }
0x96: {  	[hbm4b:s5+s2] =	stream.indirect_vreg.scatter [tilespmem:s30], [sflag:$0x2], $0x80, v4, vm0, $0xb8;
	[tilespmem:$0x10100] =	vst v63  }
0x97: {  	_ = 	snop  }
0x98: {  	[hbm4b:s6+s2] =	stream.indirect_vreg.scatter [tilespmem:s31], [sflag:$0x2], $0x80, v4, vm0, $0xb8;
	[tilespmem:$0x10100] =	vst v63  }
0x99: {  	_ = 	snop  }
0x9a: {  	[hbm4b:s3+s2] =	stream.indirect_vreg.scatter [tilespmem:s1], [sflag:$0x2], $0x80, v3, vm0, $0xb8;
	[tilespmem:$0x10100] =	vst v63  }
0x9b: {  	s20 =	simm.s32 $0x6900  }
0x9c: {  	[hbm4b:s4+s2] =	stream.indirect_vreg.scatter [tilespmem:s20], [sflag:$0x2], $0x80, v3, vm0, $0xb8;
	[tilespmem:$0x10100] =	vst v63  }
0x9d: {  	_ = 	snop  }
0x9e: {  	[hbm4b:s5+s2] =	stream.indirect_vreg.scatter [tilespmem:s10], [sflag:$0x2], $0x80, v3, vm0, $0xb8;
	[tilespmem:$0x10100] =	vst v63  }
0x9f: {  	_ = 	snop  }
0xa0: {  	[hbm4b:s6+s2] =	stream.indirect_vreg.scatter [tilespmem:s11], [sflag:$0x2], $0x80, v3, vm0, $0xb8;
	[tilespmem:$0x10100] =	vst v63  }
0xa1: {  	v3 =	vld [tilespmem:$0xA0];
	_ =	sdelay $0x4  }
0xa2: {  	v62 =	vshll.u32 v3, $0x3  }
0xa3: {  	v3 =	vand.u32 $0x7, v3;
	v4 =	vand.u32 $0xFFFFFFC0, v62  }
0xa4: {  	v3 =	vor.u32 v3, v4  }
0xa5: {  	v4 =	vperm.xlane v3, v0;
	_ =	sdelay $0x1  }
0xa6: {  	v4 =	vadd.s32 v1, v4;
	_ =	sdelay $0x4  }
0xa7: {  	[hbm4b:s3+s2] =	stream.indirect_vreg.scatter [tilespmem:s12], [sflag:$0x2], $0x80, v4, vm0, $0xb8;
	[tilespmem:$0x10100] =	vst v63  }
0xa8: {  	v3 =	vperm.xlane v3, v2  }
0xa9: {  	[hbm4b:s4+s2] =	stream.indirect_vreg.scatter [tilespmem:s13], [sflag:$0x2], $0x80, v4, vm0, $0xb8;
	[tilespmem:$0x10100] =	vst v63  }
0xaa: {  	v3 =	vadd.s32 v1, v3  }
0xab: {  	[hbm4b:s5+s2] =	stream.indirect_vreg.scatter [tilespmem:s14], [sflag:$0x2], $0x80, v4, vm0, $0xb8;
	[tilespmem:$0x10100] =	vst v63  }
0xac: {  	_ = 	snop  }
0xad: {  	[hbm4b:s6+s2] =	stream.indirect_vreg.scatter [tilespmem:s15], [sflag:$0x2], $0x80, v4, vm0, $0xb8;
	[tilespmem:$0x10100] =	vst v63  }
0xae: {  	_ = 	snop  }
0xaf: {  	[hbm4b:s3+s2] =	stream.indirect_vreg.scatter [tilespmem:s16], [sflag:$0x2], $0x80, v3, vm0, $0xb8;
	[tilespmem:$0x10100] =	vst v63  }
0xb0: {  	_ = 	snop  }
0xb1: {  	[hbm4b:s4+s2] =	stream.indirect_vreg.scatter [tilespmem:s17], [sflag:$0x2], $0x80, v3, vm0, $0xb8;
	[tilespmem:$0x10100] =	vst v63  }
0xb2: {  	_ = 	snop  }
0xb3: {  	[hbm4b:s5+s2] =	stream.indirect_vreg.scatter [tilespmem:s9], [sflag:$0x2], $0x80, v3, vm0, $0xb8;
	[tilespmem:$0x10100] =	vst v63  }
0xb4: {  	_ = 	snop  }
0xb5: {  	[hbm4b:s6+s2] =	stream.indirect_vreg.scatter [tilespmem:s19], [sflag:$0x2], $0x80, v3, vm0, $0xb8;
	[tilespmem:$0x10100] =	vst v63  }
0xb6: {  	v3 =	vld [tilespmem:$0xB0];
	_ =	sdelay $0x4  }
0xb7: {  	v63 =	vshll.u32 v3, $0x3  }
0xb8: {  	v3 =	vand.u32 $0x7, v3;
	v4 =	vand.u32 $0xFFFFFFC0, v63  }
0xb9: {  	v3 =	vor.u32 v3, v4  }
0xba: {  	v4 =	vperm.xlane v3, v0;
	_ =	sdelay $0x1  }
0xbb: {  	v4 =	vadd.s32 v1, v4;
	_ =	sdelay $0x3  }
0xbc: {  	s21 =	simm.s32 $0xC100  }
0xbd: {  	[hbm4b:s3+s2] =	stream.indirect_vreg.scatter [tilespmem:s21], [sflag:$0x2], $0x80, v4, vm0, $0xb8;
	[tilespmem:$0x10100] =	vst v63  }
0xbe: {  	s20 =	simm.s32 $0xC900;
	v3 =	vperm.xlane v3, v2  }
0xbf: {  	[hbm4b:s4+s2] =	stream.indirect_vreg.scatter [tilespmem:s20], [sflag:$0x2], $0x80, v4, vm0, $0xb8;
	[tilespmem:$0x10100] =	vst v63  }
0xc0: {  	v3 =	vadd.s32 v1, v3;
	s21 =	simm.s32 $0xD100  }
0xc1: {  	[hbm4b:s5+s2] =	stream.indirect_vreg.scatter [tilespmem:s21], [sflag:$0x2], $0x80, v4, vm0, $0xb8;
	[tilespmem:$0x10100] =	vst v63  }
0xc2: {  	s20 =	simm.s32 $0xD900  }
0xc3: {  	[hbm4b:s6+s2] =	stream.indirect_vreg.scatter [tilespmem:s20], [sflag:$0x2], $0x80, v4, vm0, $0xb8;
	[tilespmem:$0x10100] =	vst v63  }
0xc4: {  	s21 =	simm.s32 $0xE100  }
0xc5: {  	[hbm4b:s3+s2] =	stream.indirect_vreg.scatter [tilespmem:s21], [sflag:$0x2], $0x80, v3, vm0, $0xb8;
	[tilespmem:$0x10100] =	vst v63  }
0xc6: {  	s20 =	simm.s32 $0xE900  }
0xc7: {  	[hbm4b:s4+s2] =	stream.indirect_vreg.scatter [tilespmem:s20], [sflag:$0x2], $0x80, v3, vm0, $0xb8;
	[tilespmem:$0x10100] =	vst v63  }
0xc8: {  	s21 =	simm.s32 $0xF100  }
0xc9: {  	[hbm4b:s5+s2] =	stream.indirect_vreg.scatter [tilespmem:s21], [sflag:$0x2], $0x80, v3, vm0, $0xb8;
	[tilespmem:$0x10100] =	vst v63  }
0xca: {  	s20 =	simm.s32 $0x1  }
0xcb: {  	[hbm4b:s6+s2] =	stream.indirect_vreg.scatter [tilespmem:s0], [sflag:$0x2], $0x80, v3, vm0, $0xb8;
	[tilespmem:$0x10100] =	vst v63  }
0xcc: {  	p0 =	sne.s32 s7, $0x1;
	_ =	swait.ge [sflag:s20], $0x10000  }
.Ltmp0:
0xcd: {  	[sflag:s20] =	ssyncset.done $0x0;
	(pc) =	sbr.rel @p0 .LBB2_1-.Ltmp0, $4  }
0xce: {  	s21 =	simm.s32 $0x2;
	[sflag:s20] =	ssyncadd.s32 $0xFFFF0000  }
0xcf: {  	_ =	swait.ge [sflag:s21], $0x10000  }
0xd0: {  	[sflag:s21] =	ssyncset.done $0x0  }
0xd1: {  	s7 =	sadd.s32 $0xFFFFFFFF, s7;
	[sflag:s21] =	ssyncadd.s32 $0xFFFF0000  }
0xd2: {  	_ =	sfence.sel $0x180000  }
0xd3: {  	[bflag:$0x0] =	sbarrier.arrive $0xFFFF  }
0xd4: {  	_ =	strace $0x90000047  }
0xd5: {  	s0 =	stileid.u32;
	[bflag:$0x2] =	sbarrier.arrive $0xFFFF  }
0xd6: {  	p0 =	sne.s32 s0, $0x0;
	s0 =	rddreg [dreg:$0x2]  }
0xd7: {  	s0 =	sadd.s32 @!p0 $0x100000, s0  }
0xd8: {  	[sflag:s0] =	ssyncadd.tile.s32 @!p0 $0x1;
	_ =	shalt  }
.Lfunc_end2:
_tile_overlayer_lowered:
.L_overlay_start_2:
0xd9: {  	(tag) =	ssettag $0x2  }
0xda: {  	s0 =	rddreg [dreg:$0x0];
	s2 =	stileid.u32  }
0xdb: {  	s1 =	rddreg [dreg:$0x1];
	p0 =	sne.s32 s2, $0x0  }
0xdc: {  	s3 =	rddreg [dreg:$0x2];
	[bflag:$0x3] =	sbarrier.arrive $0xFFFF;
	s2 =	simm.s32 @!p0 $0x1C03  }
0xdd: {  	[timem:s3], [sflag:s2] =	dma.local @!p0 [hbm:s0], s1  }
0xde: {  	s0 =	simm.s32 @!p0 $0x3  }
0xdf: {  	_ =	swait.ge @!p0 [sflag:s0], s1  }
0xe0: {  	s1 =	ssub.s32 @!p0 $0x0, s1;
	[sflag:s0] =	ssyncset.done @!p0 $0x0  }
0xe1: {  	[sflag:s0] =	ssyncadd.s32 @!p0 s1  }
0xe2: {  	[bflag:$0x3] =	sbarrier.arrive $0xFFFF  }
0xe3: {  	_ =	shalt  }

</sc_bundles>
